<compile_context>
chip_gen: v7x
topology: tpu7x:2x2x1
jax: 0.10.2.dev20260603
libtpu: 0.0.44.dev20260713+nightly
codegen_flags: <defaults>
</compile_context>

<pallas_src>
import functools

import jax
import jax.numpy as jnp
from jax import lax
from jax.experimental import pallas as pl
from jax.experimental.pallas import tpu as pltpu
from jax.experimental.pallas import tpu_sc as plsc

NQ = 4096
NK = 10475
LANES = 16
NKPAD = 10496
NCHUNK = NKPAD // LANES
NC = 2
NS = 16
NW = NC * NS

SCQ = 1024
TCQ = NQ - SCQ
QPW = SCQ // NW
TC_BLK = 128

_BIG = 3.0e38
_BIGI = 2**30


@functools.partial(
    pl.kernel,
    out_type=jax.ShapeDtypeStruct((SCQ,), jnp.int32),
    mesh=plsc.VectorSubcoreMesh(core_axis_name="c", subcore_axis_name="s"),
    scratch_types=[
        pltpu.VMEM((NKPAD,), jnp.float32),
        pltpu.VMEM((NKPAD,), jnp.float32),
        pltpu.VMEM((NKPAD,), jnp.float32),
        pltpu.VMEM((QPW,), jnp.float32),
        pltpu.VMEM((QPW,), jnp.float32),
        pltpu.VMEM((QPW,), jnp.float32),
        pltpu.VMEM((QPW * LANES,), jnp.float32),
        pltpu.VMEM((QPW * LANES,), jnp.float32),
        pltpu.VMEM((QPW * LANES,), jnp.float32),
        pltpu.VMEM((QPW,), jnp.int32),
    ],
    compiler_params=pltpu.CompilerParams(needs_layout_passes=False),
)
def _match_sc(qx_hbm, qy_hbm, qz_hbm, kx_hbm, ky_hbm, kz_hbm, out_hbm,
              kxv, kyv, kzv, qxv, qyv, qzv, qrx, qry, qrz, outv):
    wid = lax.axis_index("s") * NC + lax.axis_index("c")
    base = wid * QPW

    pltpu.sync_copy(kx_hbm, kxv)
    pltpu.sync_copy(ky_hbm, kyv)
    pltpu.sync_copy(kz_hbm, kzv)
    pltpu.sync_copy(qx_hbm.at[pl.ds(base, QPW)], qxv)
    pltpu.sync_copy(qy_hbm.at[pl.ds(base, QPW)], qyv)
    pltpu.sync_copy(qz_hbm.at[pl.ds(base, QPW)], qzv)

    lane_iota = lax.iota(jnp.int32, LANES)

    for g in range(QPW // LANES):
        qgx = qxv[pl.ds(g * LANES, LANES)]
        qgy = qyv[pl.ds(g * LANES, LANES)]
        qgz = qzv[pl.ds(g * LANES, LANES)]
        for l in range(LANES):
            off = (g * LANES + l) * LANES
            qrx[pl.ds(off, LANES)] = jnp.full((LANES,), qgx[l], jnp.float32)
            qry[pl.ds(off, LANES)] = jnp.full((LANES,), qgy[l], jnp.float32)
            qrz[pl.ds(off, LANES)] = jnp.full((LANES,), qgz[l], jnp.float32)

    def query_body(q, carry0):
        qxs = qrx[pl.ds(q * LANES, LANES)]
        qys = qry[pl.ds(q * LANES, LANES)]
        qzs = qrz[pl.ds(q * LANES, LANES)]

        def key_body(c, carry):
            minv, mini, idxv = carry
            off = c * LANES
            dx = kxv[pl.ds(off, LANES)] - qxs
            dy = kyv[pl.ds(off, LANES)] - qys
            dz = kzv[pl.ds(off, LANES)] - qzs
            d = dx * dx + dy * dy + dz * dz
            pred = d < minv
            mini = jnp.where(pred, idxv, mini)
            minv = jnp.minimum(d, minv)
            return minv, mini, idxv + LANES

        init = (jnp.full((LANES,), _BIG, jnp.float32),
                jnp.zeros((LANES,), jnp.int32),
                lane_iota)
        minv, mini, _ = lax.fori_loop(0, NCHUNK, key_body, init, unroll=8)

        vbest = -plsc.cummax(-minv)[LANES - 1]
        cand = jnp.where(minv == vbest, mini, jnp.int32(_BIGI))
        ibest_vec = -plsc.cummax(-cand)
        plsc.store_scatter(outv, [jnp.full((LANES,), q, jnp.int32)],
                           ibest_vec, mask=lane_iota == LANES - 1)
        return carry0

    lax.fori_loop(0, QPW, query_body, 0)
    pltpu.sync_copy(outv, out_hbm.at[pl.ds(base, QPW)])


TC_KCH = 128


TC_SUB = 64


def _tc_body(qx_ref, qy_ref, qz_ref, kx_ref, ky_ref, kz_ref, out_ref):
    qb = pl.multiple_of(pl.program_id(0) * TC_BLK, TC_BLK)
    qxf = qx_ref[pl.ds(qb, TC_BLK)]
    qyf = qy_ref[pl.ds(qb, TC_BLK)]
    qzf = qz_ref[pl.ds(qb, TC_BLK)]
    lane = lax.broadcasted_iota(jnp.int32, (TC_SUB, TC_KCH), 1)

    partials = []
    for h in range(TC_BLK // TC_SUB):
        qx = lax.slice(qxf, (h * TC_SUB,), ((h + 1) * TC_SUB,))[:, None]
        qy = lax.slice(qyf, (h * TC_SUB,), ((h + 1) * TC_SUB,))[:, None]
        qz = lax.slice(qzf, (h * TC_SUB,), ((h + 1) * TC_SUB,))[:, None]

        def body(c, carry, qx=qx, qy=qy, qz=qz):
            minv, minc = carry
            off = c * TC_KCH
            dx = qx - kx_ref[pl.ds(off, TC_KCH)][None, :]
            dy = qy - ky_ref[pl.ds(off, TC_KCH)][None, :]
            dz = qz - kz_ref[pl.ds(off, TC_KCH)][None, :]
            d2 = dx * dx + dy * dy + dz * dz
            pred = d2 < minv
            minc = jnp.where(pred, c, minc)
            minv = jnp.minimum(d2, minv)
            return minv, minc

        init = (jnp.full((TC_SUB, TC_KCH), _BIG, jnp.float32),
                jnp.zeros((TC_SUB, TC_KCH), jnp.int32))
        partials.append(
            lax.fori_loop(0, NKPAD // TC_KCH, body, init, unroll=16))

    results = []
    for minv, minc in partials:
        mini = minc * TC_KCH + lane
        vbest = jnp.min(minv, axis=1, keepdims=True)
        cand = jnp.where(minv == vbest, mini, jnp.int32(_BIGI))
        results.append(jnp.min(cand, axis=1).astype(jnp.int32))
    out_ref[pl.ds(qb, TC_BLK)] = jnp.concatenate(results)


_match_tc = pl.pallas_call(
    _tc_body,
    grid=(TCQ // TC_BLK,),
    in_specs=[
        pl.BlockSpec((TCQ,), lambda i: (0,)),
        pl.BlockSpec((TCQ,), lambda i: (0,)),
        pl.BlockSpec((TCQ,), lambda i: (0,)),
        pl.BlockSpec((NKPAD,), lambda i: (0,)),
        pl.BlockSpec((NKPAD,), lambda i: (0,)),
        pl.BlockSpec((NKPAD,), lambda i: (0,)),
    ],
    out_specs=pl.BlockSpec((TCQ,), lambda i: (0,)),
    out_shape=jax.ShapeDtypeStruct((TCQ,), jnp.int32),
)


def kernel(mhr_vertices, smplx_vertices):
    q = mhr_vertices.astype(jnp.float32)
    s = smplx_vertices.astype(jnp.float32)
    sp = jnp.pad(s, ((0, NKPAD - NK), (0, 0)), constant_values=1.0e9)
    kx, ky, kz = sp[:, 0], sp[:, 1], sp[:, 2]
    out_sc = _match_sc(q[:SCQ, 0], q[:SCQ, 1], q[:SCQ, 2], kx, ky, kz)
    out_tc = _match_tc(q[SCQ:, 0], q[SCQ:, 1], q[SCQ:, 2], kx, ky, kz)
    return jnp.concatenate([out_sc, out_tc])

# --- scband reference (transcript-rebuilt; emitter-appended) ---
"""Pipeline reference for scband-vertex-matcher-60017872994577 (READ-ONLY COPY).

The authoritative reference and input builder live on the scoring server;
editing this copy changes nothing except your own understanding.
"""

import jax, jax.numpy as jnp
import numpy as np


def setup_inputs(seed: int = 0) -> dict:
    key = jax.random.key(seed)
    k1, k2 = jax.random.split(key)
    mhr_vertices = jax.random.normal(k1, (4096, 3), dtype=jnp.float32)
    smplx_vertices = jax.random.normal(k2, (10475, 3), dtype=jnp.float32)
    return {"mhr_vertices": mhr_vertices, "smplx_vertices": smplx_vertices}


def reference(mhr_vertices, smplx_vertices):
    # Faithful translation of VertexMatcher.compute_correspondence:
    #   mhr_expanded = mhr_vertices.unsqueeze(1)        -> [N_mhr, 1, 3]
    #   smplx_expanded = smplx_vertices.unsqueeze(0)    -> [1, N_smplx, 3]
    #   distances = torch.norm(diff, dim=2)             -> [N_mhr, N_smplx]
    #   correspondence = torch.argmin(distances, dim=1) -> [N_mhr]
    diff = mhr_vertices[:, None, :] - smplx_vertices[None, :, :]
    distances = jnp.linalg.norm(diff, axis=2)
    correspondence = jnp.argmin(distances, axis=1)
    return correspondence

if __name__ == "__main__":
    import jax
    _d = setup_inputs()
    print(jax.jit(kernel)(*tuple(_d.values())))

</pallas_src>

<mosaic_0001>
#map = affine_map<(d0, d1) -> (0)>
module attributes {stable_mosaic.version = 14 : i64} {
  func.func @_match_sc(%arg0: i32, %arg1: i32, %arg2: memref<1024xf32, #tpu.memory_space<hbm>>, %arg3: memref<1024xf32, #tpu.memory_space<hbm>>, %arg4: memref<1024xf32, #tpu.memory_space<hbm>>, %arg5: memref<10496xf32, #tpu.memory_space<hbm>>, %arg6: memref<10496xf32, #tpu.memory_space<hbm>>, %arg7: memref<10496xf32, #tpu.memory_space<hbm>>, %arg8: memref<1024xi32, #tpu.memory_space<hbm>>, %arg9: memref<10496xf32, #tpu.memory_space<vmem>>, %arg10: memref<10496xf32, #tpu.memory_space<vmem>>, %arg11: memref<10496xf32, #tpu.memory_space<vmem>>, %arg12: memref<32xf32, #tpu.memory_space<vmem>>, %arg13: memref<32xf32, #tpu.memory_space<vmem>>, %arg14: memref<32xf32, #tpu.memory_space<vmem>>, %arg15: memref<512xf32, #tpu.memory_space<vmem>>, %arg16: memref<512xf32, #tpu.memory_space<vmem>>, %arg17: memref<512xf32, #tpu.memory_space<vmem>>, %arg18: memref<32xi32, #tpu.memory_space<vmem>>) attributes {dimension_semantics = [#tpu.dimension_semantics<core_parallel>, #tpu.dimension_semantics<subcore_parallel>], iteration_bounds = array<i64: 2, 16>, scalar_prefetch = 0 : i64, scratch_operands = 10 : i64, tpu.core_type = #tpu.core_type<sc_vector_subcore>, window_params = [{transform_indices = #map}, {transform_indices = #map}, {transform_indices = #map}, {transform_indices = #map}, {transform_indices = #map}, {transform_indices = #map}, {transform_indices = #map}]} {
    %mul3A = arith.constant 2 : i32
    %mul3A_0 = arith.muli %arg1, %mul3A : i32
    %add3A = arith.addi %mul3A_0, %arg0 : i32
    %mul3A_1 = arith.constant 32 : i32
    %mul3A_2 = arith.muli %add3A, %mul3A_1 : i32
    "tpu.region"() ({
      %run_scoped3A = tpu.sem_alloc : memref<!tpu.dma_semaphore, #tpu.memory_space<semaphore_mem>>
      tpu.enqueue_dma source(%arg5 : memref<10496xf32, #tpu.memory_space<hbm>>) target(%arg9 : memref<10496xf32, #tpu.memory_space<vmem>>) target_semaphore(%run_scoped3A : memref<!tpu.dma_semaphore, #tpu.memory_space<semaphore_mem>>)
      tpu.wait_dma2 semaphore(%run_scoped3A : memref<!tpu.dma_semaphore, #tpu.memory_space<semaphore_mem>>) src(%arg5 : memref<10496xf32, #tpu.memory_space<hbm>>) dst(%arg9 : memref<10496xf32, #tpu.memory_space<vmem>>)
      tpu.yield
    }) : () -> ()
    "tpu.region"() ({
      %run_scoped3A = tpu.sem_alloc : memref<!tpu.dma_semaphore, #tpu.memory_space<semaphore_mem>>
      tpu.enqueue_dma source(%arg6 : memref<10496xf32, #tpu.memory_space<hbm>>) target(%arg10 : memref<10496xf32, #tpu.memory_space<vmem>>) target_semaphore(%run_scoped3A : memref<!tpu.dma_semaphore, #tpu.memory_space<semaphore_mem>>)
      tpu.wait_dma2 semaphore(%run_scoped3A : memref<!tpu.dma_semaphore, #tpu.memory_space<semaphore_mem>>) src(%arg6 : memref<10496xf32, #tpu.memory_space<hbm>>) dst(%arg10 : memref<10496xf32, #tpu.memory_space<vmem>>)
      tpu.yield
    }) : () -> ()
    "tpu.region"() ({
      %run_scoped3A = tpu.sem_alloc : memref<!tpu.dma_semaphore, #tpu.memory_space<semaphore_mem>>
      tpu.enqueue_dma source(%arg7 : memref<10496xf32, #tpu.memory_space<hbm>>) target(%arg11 : memref<10496xf32, #tpu.memory_space<vmem>>) target_semaphore(%run_scoped3A : memref<!tpu.dma_semaphore, #tpu.memory_space<semaphore_mem>>)
      tpu.wait_dma2 semaphore(%run_scoped3A : memref<!tpu.dma_semaphore, #tpu.memory_space<semaphore_mem>>) src(%arg7 : memref<10496xf32, #tpu.memory_space<hbm>>) dst(%arg11 : memref<10496xf32, #tpu.memory_space<vmem>>)
      tpu.yield
    }) : () -> ()
    "tpu.region"() ({
      %run_scoped3A = tpu.sem_alloc : memref<!tpu.dma_semaphore, #tpu.memory_space<semaphore_mem>>
      %dma_start3A = tpu.memref_slice %arg2[%mul3A_2] : memref<1024xf32, #tpu.memory_space<hbm>> -> memref<32xf32, #tpu.memory_space<hbm>>
      %dma_start3A_495 = tpu.memref_slice %arg2[%mul3A_2] : memref<1024xf32, #tpu.memory_space<hbm>> -> memref<32xf32, #tpu.memory_space<hbm>>
      tpu.enqueue_dma source(%dma_start3A_495 : memref<32xf32, #tpu.memory_space<hbm>>) target(%arg12 : memref<32xf32, #tpu.memory_space<vmem>>) target_semaphore(%run_scoped3A : memref<!tpu.dma_semaphore, #tpu.memory_space<semaphore_mem>>)
      %dma_wait3A = tpu.memref_slice %arg2[%mul3A_2] : memref<1024xf32, #tpu.memory_space<hbm>> -> memref<32xf32, #tpu.memory_space<hbm>>
      %dma_wait3A_496 = tpu.memref_slice %arg2[%mul3A_2] : memref<1024xf32, #tpu.memory_space<hbm>> -> memref<32xf32, #tpu.memory_space<hbm>>
      tpu.wait_dma2 semaphore(%run_scoped3A : memref<!tpu.dma_semaphore, #tpu.memory_space<semaphore_mem>>) src(%dma_wait3A_496 : memref<32xf32, #tpu.memory_space<hbm>>) dst(%arg12 : memref<32xf32, #tpu.memory_space<vmem>>)
      tpu.yield
    }) : () -> ()
    "tpu.region"() ({
      %run_scoped3A = tpu.sem_alloc : memref<!tpu.dma_semaphore, #tpu.memory_space<semaphore_mem>>
      %dma_start3A = tpu.memref_slice %arg3[%mul3A_2] : memref<1024xf32, #tpu.memory_space<hbm>> -> memref<32xf32, #tpu.memory_space<hbm>>
      %dma_start3A_495 = tpu.memref_slice %arg3[%mul3A_2] : memref<1024xf32, #tpu.memory_space<hbm>> -> memref<32xf32, #tpu.memory_space<hbm>>
      tpu.enqueue_dma source(%dma_start3A_495 : memref<32xf32, #tpu.memory_space<hbm>>) target(%arg13 : memref<32xf32, #tpu.memory_space<vmem>>) target_semaphore(%run_scoped3A : memref<!tpu.dma_semaphore, #tpu.memory_space<semaphore_mem>>)
      %dma_wait3A = tpu.memref_slice %arg3[%mul3A_2] : memref<1024xf32, #tpu.memory_space<hbm>> -> memref<32xf32, #tpu.memory_space<hbm>>
      %dma_wait3A_496 = tpu.memref_slice %arg3[%mul3A_2] : memref<1024xf32, #tpu.memory_space<hbm>> -> memref<32xf32, #tpu.memory_space<hbm>>
      tpu.wait_dma2 semaphore(%run_scoped3A : memref<!tpu.dma_semaphore, #tpu.memory_space<semaphore_mem>>) src(%dma_wait3A_496 : memref<32xf32, #tpu.memory_space<hbm>>) dst(%arg13 : memref<32xf32, #tpu.memory_space<vmem>>)
      tpu.yield
    }) : () -> ()
    "tpu.region"() ({
      %run_scoped3A = tpu.sem_alloc : memref<!tpu.dma_semaphore, #tpu.memory_space<semaphore_mem>>
      %dma_start3A = tpu.memref_slice %arg4[%mul3A_2] : memref<1024xf32, #tpu.memory_space<hbm>> -> memref<32xf32, #tpu.memory_space<hbm>>
      %dma_start3A_495 = tpu.memref_slice %arg4[%mul3A_2] : memref<1024xf32, #tpu.memory_space<hbm>> -> memref<32xf32, #tpu.memory_space<hbm>>
      tpu.enqueue_dma source(%dma_start3A_495 : memref<32xf32, #tpu.memory_space<hbm>>) target(%arg14 : memref<32xf32, #tpu.memory_space<vmem>>) target_semaphore(%run_scoped3A : memref<!tpu.dma_semaphore, #tpu.memory_space<semaphore_mem>>)
      %dma_wait3A = tpu.memref_slice %arg4[%mul3A_2] : memref<1024xf32, #tpu.memory_space<hbm>> -> memref<32xf32, #tpu.memory_space<hbm>>
      %dma_wait3A_496 = tpu.memref_slice %arg4[%mul3A_2] : memref<1024xf32, #tpu.memory_space<hbm>> -> memref<32xf32, #tpu.memory_space<hbm>>
      tpu.wait_dma2 semaphore(%run_scoped3A : memref<!tpu.dma_semaphore, #tpu.memory_space<semaphore_mem>>) src(%dma_wait3A_496 : memref<32xf32, #tpu.memory_space<hbm>>) dst(%arg14 : memref<32xf32, #tpu.memory_space<vmem>>)
      tpu.yield
    }) : () -> ()
    %iota3A = tpu.iota {dimensions = array<i32: 0>} : vector<16xi32>
    %get3A = arith.constant 0 : index
    %get3A_3 = tpu.vector_load %arg12[%get3A] {strides = array<i32>} : memref<32xf32, #tpu.memory_space<vmem>>, vector<16xf32>,
    %get3A_4 = arith.constant 0 : index
    %get3A_5 = tpu.vector_load %arg13[%get3A_4] {strides = array<i32>} : memref<32xf32, #tpu.memory_space<vmem>>, vector<16xf32>,
    %get3A_6 = arith.constant 0 : index
    %get3A_7 = tpu.vector_load %arg14[%get3A_6] {strides = array<i32>} : memref<32xf32, #tpu.memory_space<vmem>>, vector<16xf32>,
    %slice3A = vector.extract_strided_slice %get3A_3 {offsets = [0], sizes = [1], strides = [1]} : vector<16xf32> to vector<1xf32>
    %squeeze3A = vector.extract %slice3A[0] : f32 from vector<1xf32>
    %broadcast_in_dim3A = vector.broadcast %squeeze3A : f32 to vector<16xf32>
    %swap3A = arith.constant 0 : index
    %swap3A_8 = tpu.vector_load %arg15[%swap3A] {strides = array<i32>} : memref<512xf32, #tpu.memory_space<vmem>>, vector<16xf32>,
    tpu.vector_store %arg15[%swap3A], %broadcast_in_dim3A {strides = array<i32>} : memref<512xf32, #tpu.memory_space<vmem>>, vector<16xf32>,
    %slice3A_9 = vector.extract_strided_slice %get3A_5 {offsets = [0], sizes = [1], strides = [1]} : vector<16xf32> to vector<1xf32>
    %squeeze3A_10 = vector.extract %slice3A_9[0] : f32 from vector<1xf32>
    %broadcast_in_dim3A_11 = vector.broadcast %squeeze3A_10 : f32 to vector<16xf32>
    %swap3A_12 = arith.constant 0 : index
    %swap3A_13 = tpu.vector_load %arg16[%swap3A_12] {strides = array<i32>} : memref<512xf32, #tpu.memory_space<vmem>>, vector<16xf32>,
    tpu.vector_store %arg16[%swap3A_12], %broadcast_in_dim3A_11 {strides = array<i32>} : memref<512xf32, #tpu.memory_space<vmem>>, vector<16xf32>,
    %slice3A_14 = vector.extract_strided_slice %get3A_7 {offsets = [0], sizes = [1], strides = [1]} : vector<16xf32> to vector<1xf32>
    %squeeze3A_15 = vector.extract %slice3A_14[0] : f32 from vector<1xf32>
    %broadcast_in_dim3A_16 = vector.broadcast %squeeze3A_15 : f32 to vector<16xf32>
    %swap3A_17 = arith.constant 0 : index
    %swap3A_18 = tpu.vector_load %arg17[%swap3A_17] {strides = array<i32>} : memref<512xf32, #tpu.memory_space<vmem>>, vector<16xf32>,
    tpu.vector_store %arg17[%swap3A_17], %broadcast_in_dim3A_16 {strides = array<i32>} : memref<512xf32, #tpu.memory_space<vmem>>, vector<16xf32>,
    %slice3A_19 = vector.extract_strided_slice %get3A_3 {offsets = [1], sizes = [1], strides = [1]} : vector<16xf32> to vector<1xf32>
    %squeeze3A_20 = vector.extract %slice3A_19[0] : f32 from vector<1xf32>
    %broadcast_in_dim3A_21 = vector.broadcast %squeeze3A_20 : f32 to vector<16xf32>
    %swap3A_22 = arith.constant 16 : index
    %swap3A_23 = tpu.vector_load %arg15[%swap3A_22] {strides = array<i32>} : memref<512xf32, #tpu.memory_space<vmem>>, vector<16xf32>,
    tpu.vector_store %arg15[%swap3A_22], %broadcast_in_dim3A_21 {strides = array<i32>} : memref<512xf32, #tpu.memory_space<vmem>>, vector<16xf32>,
    %slice3A_24 = vector.extract_strided_slice %get3A_5 {offsets = [1], sizes = [1], strides = [1]} : vector<16xf32> to vector<1xf32>
    %squeeze3A_25 = vector.extract %slice3A_24[0] : f32 from vector<1xf32>
    %broadcast_in_dim3A_26 = vector.broadcast %squeeze3A_25 : f32 to vector<16xf32>
    %swap3A_27 = arith.constant 16 : index
    %swap3A_28 = tpu.vector_load %arg16[%swap3A_27] {strides = array<i32>} : memref<512xf32, #tpu.memory_space<vmem>>, vector<16xf32>,
    tpu.vector_store %arg16[%swap3A_27], %broadcast_in_dim3A_26 {strides = array<i32>} : memref<512xf32, #tpu.memory_space<vmem>>, vector<16xf32>,
    %slice3A_29 = vector.extract_strided_slice %get3A_7 {offsets = [1], sizes = [1], strides = [1]} : vector<16xf32> to vector<1xf32>
    %squeeze3A_30 = vector.extract %slice3A_29[0] : f32 from vector<1xf32>
    %broadcast_in_dim3A_31 = vector.broadcast %squeeze3A_30 : f32 to vector<16xf32>
    %swap3A_32 = arith.constant 16 : index
    %swap3A_33 = tpu.vector_load %arg17[%swap3A_32] {strides = array<i32>} : memref<512xf32, #tpu.memory_space<vmem>>, vector<16xf32>,
    tpu.vector_store %arg17[%swap3A_32], %broadcast_in_dim3A_31 {strides = array<i32>} : memref<512xf32, #tpu.memory_space<vmem>>, vector<16xf32>,
    %slice3A_34 = vector.extract_strided_slice %get3A_3 {offsets = [2], sizes = [1], strides = [1]} : vector<16xf32> to vector<1xf32>
    %squeeze3A_35 = vector.extract %slice3A_34[0] : f32 from vector<1xf32>
    %broadcast_in_dim3A_36 = vector.broadcast %squeeze3A_35 : f32 to vector<16xf32>
    %swap3A_37 = arith.constant 32 : index
    %swap3A_38 = tpu.vector_load %arg15[%swap3A_37] {strides = array<i32>} : memref<512xf32, #tpu.memory_space<vmem>>, vector<16xf32>,
    tpu.vector_store %arg15[%swap3A_37], %broadcast_in_dim3A_36 {strides = array<i32>} : memref<512xf32, #tpu.memory_space<vmem>>, vector<16xf32>,
    %slice3A_39 = vector.extract_strided_slice %get3A_5 {offsets = [2], sizes = [1], strides = [1]} : vector<16xf32> to vector<1xf32>
    %squeeze3A_40 = vector.extract %slice3A_39[0] : f32 from vector<1xf32>
    %broadcast_in_dim3A_41 = vector.broadcast %squeeze3A_40 : f32 to vector<16xf32>
    %swap3A_42 = arith.constant 32 : index
    %swap3A_43 = tpu.vector_load %arg16[%swap3A_42] {strides = array<i32>} : memref<512xf32, #tpu.memory_space<vmem>>, vector<16xf32>,
    tpu.vector_store %arg16[%swap3A_42], %broadcast_in_dim3A_41 {strides = array<i32>} : memref<512xf32, #tpu.memory_space<vmem>>, vector<16xf32>,
    %slice3A_44 = vector.extract_strided_slice %get3A_7 {offsets = [2], sizes = [1], strides = [1]} : vector<16xf32> to vector<1xf32>
    %squeeze3A_45 = vector.extract %slice3A_44[0] : f32 from vector<1xf32>
    %broadcast_in_dim3A_46 = vector.broadcast %squeeze3A_45 : f32 to vector<16xf32>
    %swap3A_47 = arith.constant 32 : index
    %swap3A_48 = tpu.vector_load %arg17[%swap3A_47] {strides = array<i32>} : memref<512xf32, #tpu.memory_space<vmem>>, vector<16xf32>,
    tpu.vector_store %arg17[%swap3A_47], %broadcast_in_dim3A_46 {strides = array<i32>} : memref<512xf32, #tpu.memory_space<vmem>>, vector<16xf32>,
    %slice3A_49 = vector.extract_strided_slice %get3A_3 {offsets = [3], sizes = [1], strides = [1]} : vector<16xf32> to vector<1xf32>
    %squeeze3A_50 = vector.extract %slice3A_49[0] : f32 from vector<1xf32>
    %broadcast_in_dim3A_51 = vector.broadcast %squeeze3A_50 : f32 to vector<16xf32>
    %swap3A_52 = arith.constant 48 : index
    %swap3A_53 = tpu.vector_load %arg15[%swap3A_52] {strides = array<i32>} : memref<512xf32, #tpu.memory_space<vmem>>, vector<16xf32>,
    tpu.vector_store %arg15[%swap3A_52], %broadcast_in_dim3A_51 {strides = array<i32>} : memref<512xf32, #tpu.memory_space<vmem>>, vector<16xf32>,
    %slice3A_54 = vector.extract_strided_slice %get3A_5 {offsets = [3], sizes = [1], strides = [1]} : vector<16xf32> to vector<1xf32>
    %squeeze3A_55 = vector.extract %slice3A_54[0] : f32 from vector<1xf32>
    %broadcast_in_dim3A_56 = vector.broadcast %squeeze3A_55 : f32 to vector<16xf32>
    %swap3A_57 = arith.constant 48 : index
    %swap3A_58 = tpu.vector_load %arg16[%swap3A_57] {strides = array<i32>} : memref<512xf32, #tpu.memory_space<vmem>>, vector<16xf32>,
    tpu.vector_store %arg16[%swap3A_57], %broadcast_in_dim3A_56 {strides = array<i32>} : memref<512xf32, #tpu.memory_space<vmem>>, vector<16xf32>,
    %slice3A_59 = vector.extract_strided_slice %get3A_7 {offsets = [3], sizes = [1], strides = [1]} : vector<16xf32> to vector<1xf32>
    %squeeze3A_60 = vector.extract %slice3A_59[0] : f32 from vector<1xf32>
    %broadcast_in_dim3A_61 = vector.broadcast %squeeze3A_60 : f32 to vector<16xf32>
    %swap3A_62 = arith.constant 48 : index
    %swap3A_63 = tpu.vector_load %arg17[%swap3A_62] {strides = array<i32>} : memref<512xf32, #tpu.memory_space<vmem>>, vector<16xf32>,
    tpu.vector_store %arg17[%swap3A_62], %broadcast_in_dim3A_61 {strides = array<i32>} : memref<512xf32, #tpu.memory_space<vmem>>, vector<16xf32>,
    %slice3A_64 = vector.extract_strided_slice %get3A_3 {offsets = [4], sizes = [1], strides = [1]} : vector<16xf32> to vector<1xf32>
    %squeeze3A_65 = vector.extract %slice3A_64[0] : f32 from vector<1xf32>
    %broadcast_in_dim3A_66 = vector.broadcast %squeeze3A_65 : f32 to vector<16xf32>
    %swap3A_67 = arith.constant 64 : index
    %swap3A_68 = tpu.vector_load %arg15[%swap3A_67] {strides = array<i32>} : memref<512xf32, #tpu.memory_space<vmem>>, vector<16xf32>,
    tpu.vector_store %arg15[%swap3A_67], %broadcast_in_dim3A_66 {strides = array<i32>} : memref<512xf32, #tpu.memory_space<vmem>>, vector<16xf32>,
    %slice3A_69 = vector.extract_strided_slice %get3A_5 {offsets = [4], sizes = [1], strides = [1]} : vector<16xf32> to vector<1xf32>
    %squeeze3A_70 = vector.extract %slice3A_69[0] : f32 from vector<1xf32>
    %broadcast_in_dim3A_71 = vector.broadcast %squeeze3A_70 : f32 to vector<16xf32>
    %swap3A_72 = arith.constant 64 : index
    %swap3A_73 = tpu.vector_load %arg16[%swap3A_72] {strides = array<i32>} : memref<512xf32, #tpu.memory_space<vmem>>, vector<16xf32>,
    tpu.vector_store %arg16[%swap3A_72], %broadcast_in_dim3A_71 {strides = array<i32>} : memref<512xf32, #tpu.memory_space<vmem>>, vector<16xf32>,
    %slice3A_74 = vector.extract_strided_slice %get3A_7 {offsets = [4], sizes = [1], strides = [1]} : vector<16xf32> to vector<1xf32>
    %squeeze3A_75 = vector.extract %slice3A_74[0] : f32 from vector<1xf32>
    %broadcast_in_dim3A_76 = vector.broadcast %squeeze3A_75 : f32 to vector<16xf32>
    %swap3A_77 = arith.constant 64 : index
    %swap3A_78 = tpu.vector_load %arg17[%swap3A_77] {strides = array<i32>} : memref<512xf32, #tpu.memory_space<vmem>>, vector<16xf32>,
    tpu.vector_store %arg17[%swap3A_77], %broadcast_in_dim3A_76 {strides = array<i32>} : memref<512xf32, #tpu.memory_space<vmem>>, vector<16xf32>,
    %slice3A_79 = vector.extract_strided_slice %get3A_3 {offsets = [5], sizes = [1], strides = [1]} : vector<16xf32> to vector<1xf32>
    %squeeze3A_80 = vector.extract %slice3A_79[0] : f32 from vector<1xf32>
    %broadcast_in_dim3A_81 = vector.broadcast %squeeze3A_80 : f32 to vector<16xf32>
    %swap3A_82 = arith.constant 80 : index
    %swap3A_83 = tpu.vector_load %arg15[%swap3A_82] {strides = array<i32>} : memref<512xf32, #tpu.memory_space<vmem>>, vector<16xf32>,
    tpu.vector_store %arg15[%swap3A_82], %broadcast_in_dim3A_81 {strides = array<i32>} : memref<512xf32, #tpu.memory_space<vmem>>, vector<16xf32>,
    %slice3A_84 = vector.extract_strided_slice %get3A_5 {offsets = [5], sizes = [1], strides = [1]} : vector<16xf32> to vector<1xf32>
    %squeeze3A_85 = vector.extract %slice3A_84[0] : f32 from vector<1xf32>
    %broadcast_in_dim3A_86 = vector.broadcast %squeeze3A_85 : f32 to vector<16xf32>
    %swap3A_87 = arith.constant 80 : index
    %swap3A_88 = tpu.vector_load %arg16[%swap3A_87] {strides = array<i32>} : memref<512xf32, #tpu.memory_space<vmem>>, vector<16xf32>,
    tpu.vector_store %arg16[%swap3A_87], %broadcast_in_dim3A_86 {strides = array<i32>} : memref<512xf32, #tpu.memory_space<vmem>>, vector<16xf32>,
    %slice3A_89 = vector.extract_strided_slice %get3A_7 {offsets = [5], sizes = [1], strides = [1]} : vector<16xf32> to vector<1xf32>
    %squeeze3A_90 = vector.extract %slice3A_89[0] : f32 from vector<1xf32>
    %broadcast_in_dim3A_91 = vector.broadcast %squeeze3A_90 : f32 to vector<16xf32>
    %swap3A_92 = arith.constant 80 : index
    %swap3A_93 = tpu.vector_load %arg17[%swap3A_92] {strides = array<i32>} : memref<512xf32, #tpu.memory_space<vmem>>, vector<16xf32>,
    tpu.vector_store %arg17[%swap3A_92], %broadcast_in_dim3A_91 {strides = array<i32>} : memref<512xf32, #tpu.memory_space<vmem>>, vector<16xf32>,
    %slice3A_94 = vector.extract_strided_slice %get3A_3 {offsets = [6], sizes = [1], strides = [1]} : vector<16xf32> to vector<1xf32>
    %squeeze3A_95 = vector.extract %slice3A_94[0] : f32 from vector<1xf32>
    %broadcast_in_dim3A_96 = vector.broadcast %squeeze3A_95 : f32 to vector<16xf32>
    %swap3A_97 = arith.constant 96 : index
    %swap3A_98 = tpu.vector_load %arg15[%swap3A_97] {strides = array<i32>} : memref<512xf32, #tpu.memory_space<vmem>>, vector<16xf32>,
    tpu.vector_store %arg15[%swap3A_97], %broadcast_in_dim3A_96 {strides = array<i32>} : memref<512xf32, #tpu.memory_space<vmem>>, vector<16xf32>,
    %slice3A_99 = vector.extract_strided_slice %get3A_5 {offsets = [6], sizes = [1], strides = [1]} : vector<16xf32> to vector<1xf32>
    %squeeze3A_100 = vector.extract %slice3A_99[0] : f32 from vector<1xf32>
    %broadcast_in_dim3A_101 = vector.broadcast %squeeze3A_100 : f32 to vector<16xf32>
    %swap3A_102 = arith.constant 96 : index
    %swap3A_103 = tpu.vector_load %arg16[%swap3A_102] {strides = array<i32>} : memref<512xf32, #tpu.memory_space<vmem>>, vector<16xf32>,
    tpu.vector_store %arg16[%swap3A_102], %broadcast_in_dim3A_101 {strides = array<i32>} : memref<512xf32, #tpu.memory_space<vmem>>, vector<16xf32>,
    %slice3A_104 = vector.extract_strided_slice %get3A_7 {offsets = [6], sizes = [1], strides = [1]} : vector<16xf32> to vector<1xf32>
    %squeeze3A_105 = vector.extract %slice3A_104[0] : f32 from vector<1xf32>
    %broadcast_in_dim3A_106 = vector.broadcast %squeeze3A_105 : f32 to vector<16xf32>
    %swap3A_107 = arith.constant 96 : index
    %swap3A_108 = tpu.vector_load %arg17[%swap3A_107] {strides = array<i32>} : memref<512xf32, #tpu.memory_space<vmem>>, vector<16xf32>,
    tpu.vector_store %arg17[%swap3A_107], %broadcast_in_dim3A_106 {strides = array<i32>} : memref<512xf32, #tpu.memory_space<vmem>>, vector<16xf32>,
    %slice3A_109 = vector.extract_strided_slice %get3A_3 {offsets = [7], sizes = [1], strides = [1]} : vector<16xf32> to vector<1xf32>
    %squeeze3A_110 = vector.extract %slice3A_109[0] : f32 from vector<1xf32>
    %broadcast_in_dim3A_111 = vector.broadcast %squeeze3A_110 : f32 to vector<16xf32>
    %swap3A_112 = arith.constant 112 : index
    %swap3A_113 = tpu.vector_load %arg15[%swap3A_112] {strides = array<i32>} : memref<512xf32, #tpu.memory_space<vmem>>, vector<16xf32>,
    tpu.vector_store %arg15[%swap3A_112], %broadcast_in_dim3A_111 {strides = array<i32>} : memref<512xf32, #tpu.memory_space<vmem>>, vector<16xf32>,
    %slice3A_114 = vector.extract_strided_slice %get3A_5 {offsets = [7], sizes = [1], strides = [1]} : vector<16xf32> to vector<1xf32>
    %squeeze3A_115 = vector.extract %slice3A_114[0] : f32 from vector<1xf32>
    %broadcast_in_dim3A_116 = vector.broadcast %squeeze3A_115 : f32 to vector<16xf32>
    %swap3A_117 = arith.constant 112 : index
    %swap3A_118 = tpu.vector_load %arg16[%swap3A_117] {strides = array<i32>} : memref<512xf32, #tpu.memory_space<vmem>>, vector<16xf32>,
    tpu.vector_store %arg16[%swap3A_117], %broadcast_in_dim3A_116 {strides = array<i32>} : memref<512xf32, #tpu.memory_space<vmem>>, vector<16xf32>,
    %slice3A_119 = vector.extract_strided_slice %get3A_7 {offsets = [7], sizes = [1], strides = [1]} : vector<16xf32> to vector<1xf32>
    %squeeze3A_120 = vector.extract %slice3A_119[0] : f32 from vector<1xf32>
    %broadcast_in_dim3A_121 = vector.broadcast %squeeze3A_120 : f32 to vector<16xf32>
    %swap3A_122 = arith.constant 112 : index
    %swap3A_123 = tpu.vector_load %arg17[%swap3A_122] {strides = array<i32>} : memref<512xf32, #tpu.memory_space<vmem>>, vector<16xf32>,
    tpu.vector_store %arg17[%swap3A_122], %broadcast_in_dim3A_121 {strides = array<i32>} : memref<512xf32, #tpu.memory_space<vmem>>, vector<16xf32>,
    %slice3A_124 = vector.extract_strided_slice %get3A_3 {offsets = [8], sizes = [1], strides = [1]} : vector<16xf32> to vector<1xf32>
    %squeeze3A_125 = vector.extract %slice3A_124[0] : f32 from vector<1xf32>
    %broadcast_in_dim3A_126 = vector.broadcast %squeeze3A_125 : f32 to vector<16xf32>
    %swap3A_127 = arith.constant 128 : index
    %swap3A_128 = tpu.vector_load %arg15[%swap3A_127] {strides = array<i32>} : memref<512xf32, #tpu.memory_space<vmem>>, vector<16xf32>,
    tpu.vector_store %arg15[%swap3A_127], %broadcast_in_dim3A_126 {strides = array<i32>} : memref<512xf32, #tpu.memory_space<vmem>>, vector<16xf32>,
    %slice3A_129 = vector.extract_strided_slice %get3A_5 {offsets = [8], sizes = [1], strides = [1]} : vector<16xf32> to vector<1xf32>
    %squeeze3A_130 = vector.extract %slice3A_129[0] : f32 from vector<1xf32>
    %broadcast_in_dim3A_131 = vector.broadcast %squeeze3A_130 : f32 to vector<16xf32>
    %swap3A_132 = arith.constant 128 : index
    %swap3A_133 = tpu.vector_load %arg16[%swap3A_132] {strides = array<i32>} : memref<512xf32, #tpu.memory_space<vmem>>, vector<16xf32>,
    tpu.vector_store %arg16[%swap3A_132], %broadcast_in_dim3A_131 {strides = array<i32>} : memref<512xf32, #tpu.memory_space<vmem>>, vector<16xf32>,
    %slice3A_134 = vector.extract_strided_slice %get3A_7 {offsets = [8], sizes = [1], strides = [1]} : vector<16xf32> to vector<1xf32>
    %squeeze3A_135 = vector.extract %slice3A_134[0] : f32 from vector<1xf32>
    %broadcast_in_dim3A_136 = vector.broadcast %squeeze3A_135 : f32 to vector<16xf32>
    %swap3A_137 = arith.constant 128 : index
    %swap3A_138 = tpu.vector_load %arg17[%swap3A_137] {strides = array<i32>} : memref<512xf32, #tpu.memory_space<vmem>>, vector<16xf32>,
    tpu.vector_store %arg17[%swap3A_137], %broadcast_in_dim3A_136 {strides = array<i32>} : memref<512xf32, #tpu.memory_space<vmem>>, vector<16xf32>,
    %slice3A_139 = vector.extract_strided_slice %get3A_3 {offsets = [9], sizes = [1], strides = [1]} : vector<16xf32> to vector<1xf32>
    %squeeze3A_140 = vector.extract %slice3A_139[0] : f32 from vector<1xf32>
    %broadcast_in_dim3A_141 = vector.broadcast %squeeze3A_140 : f32 to vector<16xf32>
    %swap3A_142 = arith.constant 144 : index
    %swap3A_143 = tpu.vector_load %arg15[%swap3A_142] {strides = array<i32>} : memref<512xf32, #tpu.memory_space<vmem>>, vector<16xf32>,
    tpu.vector_store %arg15[%swap3A_142], %broadcast_in_dim3A_141 {strides = array<i32>} : memref<512xf32, #tpu.memory_space<vmem>>, vector<16xf32>,
    %slice3A_144 = vector.extract_strided_slice %get3A_5 {offsets = [9], sizes = [1], strides = [1]} : vector<16xf32> to vector<1xf32>
    %squeeze3A_145 = vector.extract %slice3A_144[0] : f32 from vector<1xf32>
    %broadcast_in_dim3A_146 = vector.broadcast %squeeze3A_145 : f32 to vector<16xf32>
    %swap3A_147 = arith.constant 144 : index
    %swap3A_148 = tpu.vector_load %arg16[%swap3A_147] {strides = array<i32>} : memref<512xf32, #tpu.memory_space<vmem>>, vector<16xf32>,
    tpu.vector_store %arg16[%swap3A_147], %broadcast_in_dim3A_146 {strides = array<i32>} : memref<512xf32, #tpu.memory_space<vmem>>, vector<16xf32>,
    %slice3A_149 = vector.extract_strided_slice %get3A_7 {offsets = [9], sizes = [1], strides = [1]} : vector<16xf32> to vector<1xf32>
    %squeeze3A_150 = vector.extract %slice3A_149[0] : f32 from vector<1xf32>
    %broadcast_in_dim3A_151 = vector.broadcast %squeeze3A_150 : f32 to vector<16xf32>
    %swap3A_152 = arith.constant 144 : index
    %swap3A_153 = tpu.vector_load %arg17[%swap3A_152] {strides = array<i32>} : memref<512xf32, #tpu.memory_space<vmem>>, vector<16xf32>,
    tpu.vector_store %arg17[%swap3A_152], %broadcast_in_dim3A_151 {strides = array<i32>} : memref<512xf32, #tpu.memory_space<vmem>>, vector<16xf32>,
    %slice3A_154 = vector.extract_strided_slice %get3A_3 {offsets = [10], sizes = [1], strides = [1]} : vector<16xf32> to vector<1xf32>
    %squeeze3A_155 = vector.extract %slice3A_154[0] : f32 from vector<1xf32>
    %broadcast_in_dim3A_156 = vector.broadcast %squeeze3A_155 : f32 to vector<16xf32>
    %swap3A_157 = arith.constant 160 : index
    %swap3A_158 = tpu.vector_load %arg15[%swap3A_157] {strides = array<i32>} : memref<512xf32, #tpu.memory_space<vmem>>, vector<16xf32>,
    tpu.vector_store %arg15[%swap3A_157], %broadcast_in_dim3A_156 {strides = array<i32>} : memref<512xf32, #tpu.memory_space<vmem>>, vector<16xf32>,
    %slice3A_159 = vector.extract_strided_slice %get3A_5 {offsets = [10], sizes = [1], strides = [1]} : vector<16xf32> to vector<1xf32>
    %squeeze3A_160 = vector.extract %slice3A_159[0] : f32 from vector<1xf32>
    %broadcast_in_dim3A_161 = vector.broadcast %squeeze3A_160 : f32 to vector<16xf32>
    %swap3A_162 = arith.constant 160 : index
    %swap3A_163 = tpu.vector_load %arg16[%swap3A_162] {strides = array<i32>} : memref<512xf32, #tpu.memory_space<vmem>>, vector<16xf32>,
    tpu.vector_store %arg16[%swap3A_162], %broadcast_in_dim3A_161 {strides = array<i32>} : memref<512xf32, #tpu.memory_space<vmem>>, vector<16xf32>,
    %slice3A_164 = vector.extract_strided_slice %get3A_7 {offsets = [10], sizes = [1], strides = [1]} : vector<16xf32> to vector<1xf32>
    %squeeze3A_165 = vector.extract %slice3A_164[0] : f32 from vector<1xf32>
    %broadcast_in_dim3A_166 = vector.broadcast %squeeze3A_165 : f32 to vector<16xf32>
    %swap3A_167 = arith.constant 160 : index
    %swap3A_168 = tpu.vector_load %arg17[%swap3A_167] {strides = array<i32>} : memref<512xf32, #tpu.memory_space<vmem>>, vector<16xf32>,
    tpu.vector_store %arg17[%swap3A_167], %broadcast_in_dim3A_166 {strides = array<i32>} : memref<512xf32, #tpu.memory_space<vmem>>, vector<16xf32>,
    %slice3A_169 = vector.extract_strided_slice %get3A_3 {offsets = [11], sizes = [1], strides = [1]} : vector<16xf32> to vector<1xf32>
    %squeeze3A_170 = vector.extract %slice3A_169[0] : f32 from vector<1xf32>
    %broadcast_in_dim3A_171 = vector.broadcast %squeeze3A_170 : f32 to vector<16xf32>
    %swap3A_172 = arith.constant 176 : index
    %swap3A_173 = tpu.vector_load %arg15[%swap3A_172] {strides = array<i32>} : memref<512xf32, #tpu.memory_space<vmem>>, vector<16xf32>,
    tpu.vector_store %arg15[%swap3A_172], %broadcast_in_dim3A_171 {strides = array<i32>} : memref<512xf32, #tpu.memory_space<vmem>>, vector<16xf32>,
    %slice3A_174 = vector.extract_strided_slice %get3A_5 {offsets = [11], sizes = [1], strides = [1]} : vector<16xf32> to vector<1xf32>
    %squeeze3A_175 = vector.extract %slice3A_174[0] : f32 from vector<1xf32>
    %broadcast_in_dim3A_176 = vector.broadcast %squeeze3A_175 : f32 to vector<16xf32>
    %swap3A_177 = arith.constant 176 : index
    %swap3A_178 = tpu.vector_load %arg16[%swap3A_177] {strides = array<i32>} : memref<512xf32, #tpu.memory_space<vmem>>, vector<16xf32>,
    tpu.vector_store %arg16[%swap3A_177], %broadcast_in_dim3A_176 {strides = array<i32>} : memref<512xf32, #tpu.memory_space<vmem>>, vector<16xf32>,
    %slice3A_179 = vector.extract_strided_slice %get3A_7 {offsets = [11], sizes = [1], strides = [1]} : vector<16xf32> to vector<1xf32>
    %squeeze3A_180 = vector.extract %slice3A_179[0] : f32 from vector<1xf32>
    %broadcast_in_dim3A_181 = vector.broadcast %squeeze3A_180 : f32 to vector<16xf32>
    %swap3A_182 = arith.constant 176 : index
    %swap3A_183 = tpu.vector_load %arg17[%swap3A_182] {strides = array<i32>} : memref<512xf32, #tpu.memory_space<vmem>>, vector<16xf32>,
    tpu.vector_store %arg17[%swap3A_182], %broadcast_in_dim3A_181 {strides = array<i32>} : memref<512xf32, #tpu.memory_space<vmem>>, vector<16xf32>,
    %slice3A_184 = vector.extract_strided_slice %get3A_3 {offsets = [12], sizes = [1], strides = [1]} : vector<16xf32> to vector<1xf32>
    %squeeze3A_185 = vector.extract %slice3A_184[0] : f32 from vector<1xf32>
    %broadcast_in_dim3A_186 = vector.broadcast %squeeze3A_185 : f32 to vector<16xf32>
    %swap3A_187 = arith.constant 192 : index
    %swap3A_188 = tpu.vector_load %arg15[%swap3A_187] {strides = array<i32>} : memref<512xf32, #tpu.memory_space<vmem>>, vector<16xf32>,
    tpu.vector_store %arg15[%swap3A_187], %broadcast_in_dim3A_186 {strides = array<i32>} : memref<512xf32, #tpu.memory_space<vmem>>, vector<16xf32>,
    %slice3A_189 = vector.extract_strided_slice %get3A_5 {offsets = [12], sizes = [1], strides = [1]} : vector<16xf32> to vector<1xf32>
    %squeeze3A_190 = vector.extract %slice3A_189[0] : f32 from vector<1xf32>
    %broadcast_in_dim3A_191 = vector.broadcast %squeeze3A_190 : f32 to vector<16xf32>
    %swap3A_192 = arith.constant 192 : index
    %swap3A_193 = tpu.vector_load %arg16[%swap3A_192] {strides = array<i32>} : memref<512xf32, #tpu.memory_space<vmem>>, vector<16xf32>,
    tpu.vector_store %arg16[%swap3A_192], %broadcast_in_dim3A_191 {strides = array<i32>} : memref<512xf32, #tpu.memory_space<vmem>>, vector<16xf32>,
    %slice3A_194 = vector.extract_strided_slice %get3A_7 {offsets = [12], sizes = [1], strides = [1]} : vector<16xf32> to vector<1xf32>
    %squeeze3A_195 = vector.extract %slice3A_194[0] : f32 from vector<1xf32>
    %broadcast_in_dim3A_196 = vector.broadcast %squeeze3A_195 : f32 to vector<16xf32>
    %swap3A_197 = arith.constant 192 : index
    %swap3A_198 = tpu.vector_load %arg17[%swap3A_197] {strides = array<i32>} : memref<512xf32, #tpu.memory_space<vmem>>, vector<16xf32>,
    tpu.vector_store %arg17[%swap3A_197], %broadcast_in_dim3A_196 {strides = array<i32>} : memref<512xf32, #tpu.memory_space<vmem>>, vector<16xf32>,
    %slice3A_199 = vector.extract_strided_slice %get3A_3 {offsets = [13], sizes = [1], strides = [1]} : vector<16xf32> to vector<1xf32>
    %squeeze3A_200 = vector.extract %slice3A_199[0] : f32 from vector<1xf32>
    %broadcast_in_dim3A_201 = vector.broadcast %squeeze3A_200 : f32 to vector<16xf32>
    %swap3A_202 = arith.constant 208 : index
    %swap3A_203 = tpu.vector_load %arg15[%swap3A_202] {strides = array<i32>} : memref<512xf32, #tpu.memory_space<vmem>>, vector<16xf32>,
    tpu.vector_store %arg15[%swap3A_202], %broadcast_in_dim3A_201 {strides = array<i32>} : memref<512xf32, #tpu.memory_space<vmem>>, vector<16xf32>,
    %slice3A_204 = vector.extract_strided_slice %get3A_5 {offsets = [13], sizes = [1], strides = [1]} : vector<16xf32> to vector<1xf32>
    %squeeze3A_205 = vector.extract %slice3A_204[0] : f32 from vector<1xf32>
    %broadcast_in_dim3A_206 = vector.broadcast %squeeze3A_205 : f32 to vector<16xf32>
    %swap3A_207 = arith.constant 208 : index
    %swap3A_208 = tpu.vector_load %arg16[%swap3A_207] {strides = array<i32>} : memref<512xf32, #tpu.memory_space<vmem>>, vector<16xf32>,
    tpu.vector_store %arg16[%swap3A_207], %broadcast_in_dim3A_206 {strides = array<i32>} : memref<512xf32, #tpu.memory_space<vmem>>, vector<16xf32>,
    %slice3A_209 = vector.extract_strided_slice %get3A_7 {offsets = [13], sizes = [1], strides = [1]} : vector<16xf32> to vector<1xf32>
    %squeeze3A_210 = vector.extract %slice3A_209[0] : f32 from vector<1xf32>
    %broadcast_in_dim3A_211 = vector.broadcast %squeeze3A_210 : f32 to vector<16xf32>
    %swap3A_212 = arith.constant 208 : index
    %swap3A_213 = tpu.vector_load %arg17[%swap3A_212] {strides = array<i32>} : memref<512xf32, #tpu.memory_space<vmem>>, vector<16xf32>,
    tpu.vector_store %arg17[%swap3A_212], %broadcast_in_dim3A_211 {strides = array<i32>} : memref<512xf32, #tpu.memory_space<vmem>>, vector<16xf32>,
    %slice3A_214 = vector.extract_strided_slice %get3A_3 {offsets = [14], sizes = [1], strides = [1]} : vector<16xf32> to vector<1xf32>
    %squeeze3A_215 = vector.extract %slice3A_214[0] : f32 from vector<1xf32>
    %broadcast_in_dim3A_216 = vector.broadcast %squeeze3A_215 : f32 to vector<16xf32>
    %swap3A_217 = arith.constant 224 : index
    %swap3A_218 = tpu.vector_load %arg15[%swap3A_217] {strides = array<i32>} : memref<512xf32, #tpu.memory_space<vmem>>, vector<16xf32>,
    tpu.vector_store %arg15[%swap3A_217], %broadcast_in_dim3A_216 {strides = array<i32>} : memref<512xf32, #tpu.memory_space<vmem>>, vector<16xf32>,
    %slice3A_219 = vector.extract_strided_slice %get3A_5 {offsets = [14], sizes = [1], strides = [1]} : vector<16xf32> to vector<1xf32>
    %squeeze3A_220 = vector.extract %slice3A_219[0] : f32 from vector<1xf32>
    %broadcast_in_dim3A_221 = vector.broadcast %squeeze3A_220 : f32 to vector<16xf32>
    %swap3A_222 = arith.constant 224 : index
    %swap3A_223 = tpu.vector_load %arg16[%swap3A_222] {strides = array<i32>} : memref<512xf32, #tpu.memory_space<vmem>>, vector<16xf32>,
    tpu.vector_store %arg16[%swap3A_222], %broadcast_in_dim3A_221 {strides = array<i32>} : memref<512xf32, #tpu.memory_space<vmem>>, vector<16xf32>,
    %slice3A_224 = vector.extract_strided_slice %get3A_7 {offsets = [14], sizes = [1], strides = [1]} : vector<16xf32> to vector<1xf32>
    %squeeze3A_225 = vector.extract %slice3A_224[0] : f32 from vector<1xf32>
    %broadcast_in_dim3A_226 = vector.broadcast %squeeze3A_225 : f32 to vector<16xf32>
    %swap3A_227 = arith.constant 224 : index
    %swap3A_228 = tpu.vector_load %arg17[%swap3A_227] {strides = array<i32>} : memref<512xf32, #tpu.memory_space<vmem>>, vector<16xf32>,
    tpu.vector_store %arg17[%swap3A_227], %broadcast_in_dim3A_226 {strides = array<i32>} : memref<512xf32, #tpu.memory_space<vmem>>, vector<16xf32>,
    %slice3A_229 = vector.extract_strided_slice %get3A_3 {offsets = [15], sizes = [1], strides = [1]} : vector<16xf32> to vector<1xf32>
    %squeeze3A_230 = vector.extract %slice3A_229[0] : f32 from vector<1xf32>
    %broadcast_in_dim3A_231 = vector.broadcast %squeeze3A_230 : f32 to vector<16xf32>
    %swap3A_232 = arith.constant 240 : index
    %swap3A_233 = tpu.vector_load %arg15[%swap3A_232] {strides = array<i32>} : memref<512xf32, #tpu.memory_space<vmem>>, vector<16xf32>,
    tpu.vector_store %arg15[%swap3A_232], %broadcast_in_dim3A_231 {strides = array<i32>} : memref<512xf32, #tpu.memory_space<vmem>>, vector<16xf32>,
    %slice3A_234 = vector.extract_strided_slice %get3A_5 {offsets = [15], sizes = [1], strides = [1]} : vector<16xf32> to vector<1xf32>
    %squeeze3A_235 = vector.extract %slice3A_234[0] : f32 from vector<1xf32>
    %broadcast_in_dim3A_236 = vector.broadcast %squeeze3A_235 : f32 to vector<16xf32>
    %swap3A_237 = arith.constant 240 : index
    %swap3A_238 = tpu.vector_load %arg16[%swap3A_237] {strides = array<i32>} : memref<512xf32, #tpu.memory_space<vmem>>, vector<16xf32>,
    tpu.vector_store %arg16[%swap3A_237], %broadcast_in_dim3A_236 {strides = array<i32>} : memref<512xf32, #tpu.memory_space<vmem>>, vector<16xf32>,
    %slice3A_239 = vector.extract_strided_slice %get3A_7 {offsets = [15], sizes = [1], strides = [1]} : vector<16xf32> to vector<1xf32>
    %squeeze3A_240 = vector.extract %slice3A_239[0] : f32 from vector<1xf32>
    %broadcast_in_dim3A_241 = vector.broadcast %squeeze3A_240 : f32 to vector<16xf32>
    %swap3A_242 = arith.constant 240 : index
    %swap3A_243 = tpu.vector_load %arg17[%swap3A_242] {strides = array<i32>} : memref<512xf32, #tpu.memory_space<vmem>>, vector<16xf32>,
    tpu.vector_store %arg17[%swap3A_242], %broadcast_in_dim3A_241 {strides = array<i32>} : memref<512xf32, #tpu.memory_space<vmem>>, vector<16xf32>,
    %get3A_244 = arith.constant 16 : index
    %get3A_245 = tpu.vector_load %arg12[%get3A_244] {strides = array<i32>} : memref<32xf32, #tpu.memory_space<vmem>>, vector<16xf32>,
    %get3A_246 = arith.constant 16 : index
    %get3A_247 = tpu.vector_load %arg13[%get3A_246] {strides = array<i32>} : memref<32xf32, #tpu.memory_space<vmem>>, vector<16xf32>,
    %get3A_248 = arith.constant 16 : index
    %get3A_249 = tpu.vector_load %arg14[%get3A_248] {strides = array<i32>} : memref<32xf32, #tpu.memory_space<vmem>>, vector<16xf32>,
    %slice3A_250 = vector.extract_strided_slice %get3A_245 {offsets = [0], sizes = [1], strides = [1]} : vector<16xf32> to vector<1xf32>
    %squeeze3A_251 = vector.extract %slice3A_250[0] : f32 from vector<1xf32>
    %broadcast_in_dim3A_252 = vector.broadcast %squeeze3A_251 : f32 to vector<16xf32>
    %swap3A_253 = arith.constant 256 : index
    %swap3A_254 = tpu.vector_load %arg15[%swap3A_253] {strides = array<i32>} : memref<512xf32, #tpu.memory_space<vmem>>, vector<16xf32>,
    tpu.vector_store %arg15[%swap3A_253], %broadcast_in_dim3A_252 {strides = array<i32>} : memref<512xf32, #tpu.memory_space<vmem>>, vector<16xf32>,
    %slice3A_255 = vector.extract_strided_slice %get3A_247 {offsets = [0], sizes = [1], strides = [1]} : vector<16xf32> to vector<1xf32>
    %squeeze3A_256 = vector.extract %slice3A_255[0] : f32 from vector<1xf32>
    %broadcast_in_dim3A_257 = vector.broadcast %squeeze3A_256 : f32 to vector<16xf32>
    %swap3A_258 = arith.constant 256 : index
    %swap3A_259 = tpu.vector_load %arg16[%swap3A_258] {strides = array<i32>} : memref<512xf32, #tpu.memory_space<vmem>>, vector<16xf32>,
    tpu.vector_store %arg16[%swap3A_258], %broadcast_in_dim3A_257 {strides = array<i32>} : memref<512xf32, #tpu.memory_space<vmem>>, vector<16xf32>,
    %slice3A_260 = vector.extract_strided_slice %get3A_249 {offsets = [0], sizes = [1], strides = [1]} : vector<16xf32> to vector<1xf32>
    %squeeze3A_261 = vector.extract %slice3A_260[0] : f32 from vector<1xf32>
    %broadcast_in_dim3A_262 = vector.broadcast %squeeze3A_261 : f32 to vector<16xf32>
    %swap3A_263 = arith.constant 256 : index
    %swap3A_264 = tpu.vector_load %arg17[%swap3A_263] {strides = array<i32>} : memref<512xf32, #tpu.memory_space<vmem>>, vector<16xf32>,
    tpu.vector_store %arg17[%swap3A_263], %broadcast_in_dim3A_262 {strides = array<i32>} : memref<512xf32, #tpu.memory_space<vmem>>, vector<16xf32>,
    %slice3A_265 = vector.extract_strided_slice %get3A_245 {offsets = [1], sizes = [1], strides = [1]} : vector<16xf32> to vector<1xf32>
    %squeeze3A_266 = vector.extract %slice3A_265[0] : f32 from vector<1xf32>
    %broadcast_in_dim3A_267 = vector.broadcast %squeeze3A_266 : f32 to vector<16xf32>
    %swap3A_268 = arith.constant 272 : index
    %swap3A_269 = tpu.vector_load %arg15[%swap3A_268] {strides = array<i32>} : memref<512xf32, #tpu.memory_space<vmem>>, vector<16xf32>,
    tpu.vector_store %arg15[%swap3A_268], %broadcast_in_dim3A_267 {strides = array<i32>} : memref<512xf32, #tpu.memory_space<vmem>>, vector<16xf32>,
    %slice3A_270 = vector.extract_strided_slice %get3A_247 {offsets = [1], sizes = [1], strides = [1]} : vector<16xf32> to vector<1xf32>
    %squeeze3A_271 = vector.extract %slice3A_270[0] : f32 from vector<1xf32>
    %broadcast_in_dim3A_272 = vector.broadcast %squeeze3A_271 : f32 to vector<16xf32>
    %swap3A_273 = arith.constant 272 : index
    %swap3A_274 = tpu.vector_load %arg16[%swap3A_273] {strides = array<i32>} : memref<512xf32, #tpu.memory_space<vmem>>, vector<16xf32>,
    tpu.vector_store %arg16[%swap3A_273], %broadcast_in_dim3A_272 {strides = array<i32>} : memref<512xf32, #tpu.memory_space<vmem>>, vector<16xf32>,
    %slice3A_275 = vector.extract_strided_slice %get3A_249 {offsets = [1], sizes = [1], strides = [1]} : vector<16xf32> to vector<1xf32>
    %squeeze3A_276 = vector.extract %slice3A_275[0] : f32 from vector<1xf32>
    %broadcast_in_dim3A_277 = vector.broadcast %squeeze3A_276 : f32 to vector<16xf32>
    %swap3A_278 = arith.constant 272 : index
    %swap3A_279 = tpu.vector_load %arg17[%swap3A_278] {strides = array<i32>} : memref<512xf32, #tpu.memory_space<vmem>>, vector<16xf32>,
    tpu.vector_store %arg17[%swap3A_278], %broadcast_in_dim3A_277 {strides = array<i32>} : memref<512xf32, #tpu.memory_space<vmem>>, vector<16xf32>,
    %slice3A_280 = vector.extract_strided_slice %get3A_245 {offsets = [2], sizes = [1], strides = [1]} : vector<16xf32> to vector<1xf32>
    %squeeze3A_281 = vector.extract %slice3A_280[0] : f32 from vector<1xf32>
    %broadcast_in_dim3A_282 = vector.broadcast %squeeze3A_281 : f32 to vector<16xf32>
    %swap3A_283 = arith.constant 288 : index
    %swap3A_284 = tpu.vector_load %arg15[%swap3A_283] {strides = array<i32>} : memref<512xf32, #tpu.memory_space<vmem>>, vector<16xf32>,
    tpu.vector_store %arg15[%swap3A_283], %broadcast_in_dim3A_282 {strides = array<i32>} : memref<512xf32, #tpu.memory_space<vmem>>, vector<16xf32>,
    %slice3A_285 = vector.extract_strided_slice %get3A_247 {offsets = [2], sizes = [1], strides = [1]} : vector<16xf32> to vector<1xf32>
    %squeeze3A_286 = vector.extract %slice3A_285[0] : f32 from vector<1xf32>
    %broadcast_in_dim3A_287 = vector.broadcast %squeeze3A_286 : f32 to vector<16xf32>
    %swap3A_288 = arith.constant 288 : index
    %swap3A_289 = tpu.vector_load %arg16[%swap3A_288] {strides = array<i32>} : memref<512xf32, #tpu.memory_space<vmem>>, vector<16xf32>,
    tpu.vector_store %arg16[%swap3A_288], %broadcast_in_dim3A_287 {strides = array<i32>} : memref<512xf32, #tpu.memory_space<vmem>>, vector<16xf32>,
    %slice3A_290 = vector.extract_strided_slice %get3A_249 {offsets = [2], sizes = [1], strides = [1]} : vector<16xf32> to vector<1xf32>
    %squeeze3A_291 = vector.extract %slice3A_290[0] : f32 from vector<1xf32>
    %broadcast_in_dim3A_292 = vector.broadcast %squeeze3A_291 : f32 to vector<16xf32>
    %swap3A_293 = arith.constant 288 : index
    %swap3A_294 = tpu.vector_load %arg17[%swap3A_293] {strides = array<i32>} : memref<512xf32, #tpu.memory_space<vmem>>, vector<16xf32>,
    tpu.vector_store %arg17[%swap3A_293], %broadcast_in_dim3A_292 {strides = array<i32>} : memref<512xf32, #tpu.memory_space<vmem>>, vector<16xf32>,
    %slice3A_295 = vector.extract_strided_slice %get3A_245 {offsets = [3], sizes = [1], strides = [1]} : vector<16xf32> to vector<1xf32>
    %squeeze3A_296 = vector.extract %slice3A_295[0] : f32 from vector<1xf32>
    %broadcast_in_dim3A_297 = vector.broadcast %squeeze3A_296 : f32 to vector<16xf32>
    %swap3A_298 = arith.constant 304 : index
    %swap3A_299 = tpu.vector_load %arg15[%swap3A_298] {strides = array<i32>} : memref<512xf32, #tpu.memory_space<vmem>>, vector<16xf32>,
    tpu.vector_store %arg15[%swap3A_298], %broadcast_in_dim3A_297 {strides = array<i32>} : memref<512xf32, #tpu.memory_space<vmem>>, vector<16xf32>,
    %slice3A_300 = vector.extract_strided_slice %get3A_247 {offsets = [3], sizes = [1], strides = [1]} : vector<16xf32> to vector<1xf32>
    %squeeze3A_301 = vector.extract %slice3A_300[0] : f32 from vector<1xf32>
    %broadcast_in_dim3A_302 = vector.broadcast %squeeze3A_301 : f32 to vector<16xf32>
    %swap3A_303 = arith.constant 304 : index
    %swap3A_304 = tpu.vector_load %arg16[%swap3A_303] {strides = array<i32>} : memref<512xf32, #tpu.memory_space<vmem>>, vector<16xf32>,
    tpu.vector_store %arg16[%swap3A_303], %broadcast_in_dim3A_302 {strides = array<i32>} : memref<512xf32, #tpu.memory_space<vmem>>, vector<16xf32>,
    %slice3A_305 = vector.extract_strided_slice %get3A_249 {offsets = [3], sizes = [1], strides = [1]} : vector<16xf32> to vector<1xf32>
    %squeeze3A_306 = vector.extract %slice3A_305[0] : f32 from vector<1xf32>
    %broadcast_in_dim3A_307 = vector.broadcast %squeeze3A_306 : f32 to vector<16xf32>
    %swap3A_308 = arith.constant 304 : index
    %swap3A_309 = tpu.vector_load %arg17[%swap3A_308] {strides = array<i32>} : memref<512xf32, #tpu.memory_space<vmem>>, vector<16xf32>,
    tpu.vector_store %arg17[%swap3A_308], %broadcast_in_dim3A_307 {strides = array<i32>} : memref<512xf32, #tpu.memory_space<vmem>>, vector<16xf32>,
    %slice3A_310 = vector.extract_strided_slice %get3A_245 {offsets = [4], sizes = [1], strides = [1]} : vector<16xf32> to vector<1xf32>
    %squeeze3A_311 = vector.extract %slice3A_310[0] : f32 from vector<1xf32>
    %broadcast_in_dim3A_312 = vector.broadcast %squeeze3A_311 : f32 to vector<16xf32>
    %swap3A_313 = arith.constant 320 : index
    %swap3A_314 = tpu.vector_load %arg15[%swap3A_313] {strides = array<i32>} : memref<512xf32, #tpu.memory_space<vmem>>, vector<16xf32>,
    tpu.vector_store %arg15[%swap3A_313], %broadcast_in_dim3A_312 {strides = array<i32>} : memref<512xf32, #tpu.memory_space<vmem>>, vector<16xf32>,
    %slice3A_315 = vector.extract_strided_slice %get3A_247 {offsets = [4], sizes = [1], strides = [1]} : vector<16xf32> to vector<1xf32>
    %squeeze3A_316 = vector.extract %slice3A_315[0] : f32 from vector<1xf32>
    %broadcast_in_dim3A_317 = vector.broadcast %squeeze3A_316 : f32 to vector<16xf32>
    %swap3A_318 = arith.constant 320 : index
    %swap3A_319 = tpu.vector_load %arg16[%swap3A_318] {strides = array<i32>} : memref<512xf32, #tpu.memory_space<vmem>>, vector<16xf32>,
    tpu.vector_store %arg16[%swap3A_318], %broadcast_in_dim3A_317 {strides = array<i32>} : memref<512xf32, #tpu.memory_space<vmem>>, vector<16xf32>,
    %slice3A_320 = vector.extract_strided_slice %get3A_249 {offsets = [4], sizes = [1], strides = [1]} : vector<16xf32> to vector<1xf32>
    %squeeze3A_321 = vector.extract %slice3A_320[0] : f32 from vector<1xf32>
    %broadcast_in_dim3A_322 = vector.broadcast %squeeze3A_321 : f32 to vector<16xf32>
    %swap3A_323 = arith.constant 320 : index
    %swap3A_324 = tpu.vector_load %arg17[%swap3A_323] {strides = array<i32>} : memref<512xf32, #tpu.memory_space<vmem>>, vector<16xf32>,
    tpu.vector_store %arg17[%swap3A_323], %broadcast_in_dim3A_322 {strides = array<i32>} : memref<512xf32, #tpu.memory_space<vmem>>, vector<16xf32>,
    %slice3A_325 = vector.extract_strided_slice %get3A_245 {offsets = [5], sizes = [1], strides = [1]} : vector<16xf32> to vector<1xf32>
    %squeeze3A_326 = vector.extract %slice3A_325[0] : f32 from vector<1xf32>
    %broadcast_in_dim3A_327 = vector.broadcast %squeeze3A_326 : f32 to vector<16xf32>
    %swap3A_328 = arith.constant 336 : index
    %swap3A_329 = tpu.vector_load %arg15[%swap3A_328] {strides = array<i32>} : memref<512xf32, #tpu.memory_space<vmem>>, vector<16xf32>,
    tpu.vector_store %arg15[%swap3A_328], %broadcast_in_dim3A_327 {strides = array<i32>} : memref<512xf32, #tpu.memory_space<vmem>>, vector<16xf32>,
    %slice3A_330 = vector.extract_strided_slice %get3A_247 {offsets = [5], sizes = [1], strides = [1]} : vector<16xf32> to vector<1xf32>
    %squeeze3A_331 = vector.extract %slice3A_330[0] : f32 from vector<1xf32>
    %broadcast_in_dim3A_332 = vector.broadcast %squeeze3A_331 : f32 to vector<16xf32>
    %swap3A_333 = arith.constant 336 : index
    %swap3A_334 = tpu.vector_load %arg16[%swap3A_333] {strides = array<i32>} : memref<512xf32, #tpu.memory_space<vmem>>, vector<16xf32>,
    tpu.vector_store %arg16[%swap3A_333], %broadcast_in_dim3A_332 {strides = array<i32>} : memref<512xf32, #tpu.memory_space<vmem>>, vector<16xf32>,
    %slice3A_335 = vector.extract_strided_slice %get3A_249 {offsets = [5], sizes = [1], strides = [1]} : vector<16xf32> to vector<1xf32>
    %squeeze3A_336 = vector.extract %slice3A_335[0] : f32 from vector<1xf32>
    %broadcast_in_dim3A_337 = vector.broadcast %squeeze3A_336 : f32 to vector<16xf32>
    %swap3A_338 = arith.constant 336 : index
    %swap3A_339 = tpu.vector_load %arg17[%swap3A_338] {strides = array<i32>} : memref<512xf32, #tpu.memory_space<vmem>>, vector<16xf32>,
    tpu.vector_store %arg17[%swap3A_338], %broadcast_in_dim3A_337 {strides = array<i32>} : memref<512xf32, #tpu.memory_space<vmem>>, vector<16xf32>,
    %slice3A_340 = vector.extract_strided_slice %get3A_245 {offsets = [6], sizes = [1], strides = [1]} : vector<16xf32> to vector<1xf32>
    %squeeze3A_341 = vector.extract %slice3A_340[0] : f32 from vector<1xf32>
    %broadcast_in_dim3A_342 = vector.broadcast %squeeze3A_341 : f32 to vector<16xf32>
    %swap3A_343 = arith.constant 352 : index
    %swap3A_344 = tpu.vector_load %arg15[%swap3A_343] {strides = array<i32>} : memref<512xf32, #tpu.memory_space<vmem>>, vector<16xf32>,
    tpu.vector_store %arg15[%swap3A_343], %broadcast_in_dim3A_342 {strides = array<i32>} : memref<512xf32, #tpu.memory_space<vmem>>, vector<16xf32>,
    %slice3A_345 = vector.extract_strided_slice %get3A_247 {offsets = [6], sizes = [1], strides = [1]} : vector<16xf32> to vector<1xf32>
    %squeeze3A_346 = vector.extract %slice3A_345[0] : f32 from vector<1xf32>
    %broadcast_in_dim3A_347 = vector.broadcast %squeeze3A_346 : f32 to vector<16xf32>
    %swap3A_348 = arith.constant 352 : index
    %swap3A_349 = tpu.vector_load %arg16[%swap3A_348] {strides = array<i32>} : memref<512xf32, #tpu.memory_space<vmem>>, vector<16xf32>,
    tpu.vector_store %arg16[%swap3A_348], %broadcast_in_dim3A_347 {strides = array<i32>} : memref<512xf32, #tpu.memory_space<vmem>>, vector<16xf32>,
    %slice3A_350 = vector.extract_strided_slice %get3A_249 {offsets = [6], sizes = [1], strides = [1]} : vector<16xf32> to vector<1xf32>
    %squeeze3A_351 = vector.extract %slice3A_350[0] : f32 from vector<1xf32>
    %broadcast_in_dim3A_352 = vector.broadcast %squeeze3A_351 : f32 to vector<16xf32>
    %swap3A_353 = arith.constant 352 : index
    %swap3A_354 = tpu.vector_load %arg17[%swap3A_353] {strides = array<i32>} : memref<512xf32, #tpu.memory_space<vmem>>, vector<16xf32>,
    tpu.vector_store %arg17[%swap3A_353], %broadcast_in_dim3A_352 {strides = array<i32>} : memref<512xf32, #tpu.memory_space<vmem>>, vector<16xf32>,
    %slice3A_355 = vector.extract_strided_slice %get3A_245 {offsets = [7], sizes = [1], strides = [1]} : vector<16xf32> to vector<1xf32>
    %squeeze3A_356 = vector.extract %slice3A_355[0] : f32 from vector<1xf32>
    %broadcast_in_dim3A_357 = vector.broadcast %squeeze3A_356 : f32 to vector<16xf32>
    %swap3A_358 = arith.constant 368 : index
    %swap3A_359 = tpu.vector_load %arg15[%swap3A_358] {strides = array<i32>} : memref<512xf32, #tpu.memory_space<vmem>>, vector<16xf32>,
    tpu.vector_store %arg15[%swap3A_358], %broadcast_in_dim3A_357 {strides = array<i32>} : memref<512xf32, #tpu.memory_space<vmem>>, vector<16xf32>,
    %slice3A_360 = vector.extract_strided_slice %get3A_247 {offsets = [7], sizes = [1], strides = [1]} : vector<16xf32> to vector<1xf32>
    %squeeze3A_361 = vector.extract %slice3A_360[0] : f32 from vector<1xf32>
    %broadcast_in_dim3A_362 = vector.broadcast %squeeze3A_361 : f32 to vector<16xf32>
    %swap3A_363 = arith.constant 368 : index
    %swap3A_364 = tpu.vector_load %arg16[%swap3A_363] {strides = array<i32>} : memref<512xf32, #tpu.memory_space<vmem>>, vector<16xf32>,
    tpu.vector_store %arg16[%swap3A_363], %broadcast_in_dim3A_362 {strides = array<i32>} : memref<512xf32, #tpu.memory_space<vmem>>, vector<16xf32>,
    %slice3A_365 = vector.extract_strided_slice %get3A_249 {offsets = [7], sizes = [1], strides = [1]} : vector<16xf32> to vector<1xf32>
    %squeeze3A_366 = vector.extract %slice3A_365[0] : f32 from vector<1xf32>
    %broadcast_in_dim3A_367 = vector.broadcast %squeeze3A_366 : f32 to vector<16xf32>
    %swap3A_368 = arith.constant 368 : index
    %swap3A_369 = tpu.vector_load %arg17[%swap3A_368] {strides = array<i32>} : memref<512xf32, #tpu.memory_space<vmem>>, vector<16xf32>,
    tpu.vector_store %arg17[%swap3A_368], %broadcast_in_dim3A_367 {strides = array<i32>} : memref<512xf32, #tpu.memory_space<vmem>>, vector<16xf32>,
    %slice3A_370 = vector.extract_strided_slice %get3A_245 {offsets = [8], sizes = [1], strides = [1]} : vector<16xf32> to vector<1xf32>
    %squeeze3A_371 = vector.extract %slice3A_370[0] : f32 from vector<1xf32>
    %broadcast_in_dim3A_372 = vector.broadcast %squeeze3A_371 : f32 to vector<16xf32>
    %swap3A_373 = arith.constant 384 : index
    %swap3A_374 = tpu.vector_load %arg15[%swap3A_373] {strides = array<i32>} : memref<512xf32, #tpu.memory_space<vmem>>, vector<16xf32>,
    tpu.vector_store %arg15[%swap3A_373], %broadcast_in_dim3A_372 {strides = array<i32>} : memref<512xf32, #tpu.memory_space<vmem>>, vector<16xf32>,
    %slice3A_375 = vector.extract_strided_slice %get3A_247 {offsets = [8], sizes = [1], strides = [1]} : vector<16xf32> to vector<1xf32>
    %squeeze3A_376 = vector.extract %slice3A_375[0] : f32 from vector<1xf32>
    %broadcast_in_dim3A_377 = vector.broadcast %squeeze3A_376 : f32 to vector<16xf32>
    %swap3A_378 = arith.constant 384 : index
    %swap3A_379 = tpu.vector_load %arg16[%swap3A_378] {strides = array<i32>} : memref<512xf32, #tpu.memory_space<vmem>>, vector<16xf32>,
    tpu.vector_store %arg16[%swap3A_378], %broadcast_in_dim3A_377 {strides = array<i32>} : memref<512xf32, #tpu.memory_space<vmem>>, vector<16xf32>,
    %slice3A_380 = vector.extract_strided_slice %get3A_249 {offsets = [8], sizes = [1], strides = [1]} : vector<16xf32> to vector<1xf32>
    %squeeze3A_381 = vector.extract %slice3A_380[0] : f32 from vector<1xf32>
    %broadcast_in_dim3A_382 = vector.broadcast %squeeze3A_381 : f32 to vector<16xf32>
    %swap3A_383 = arith.constant 384 : index
    %swap3A_384 = tpu.vector_load %arg17[%swap3A_383] {strides = array<i32>} : memref<512xf32, #tpu.memory_space<vmem>>, vector<16xf32>,
    tpu.vector_store %arg17[%swap3A_383], %broadcast_in_dim3A_382 {strides = array<i32>} : memref<512xf32, #tpu.memory_space<vmem>>, vector<16xf32>,
    %slice3A_385 = vector.extract_strided_slice %get3A_245 {offsets = [9], sizes = [1], strides = [1]} : vector<16xf32> to vector<1xf32>
    %squeeze3A_386 = vector.extract %slice3A_385[0] : f32 from vector<1xf32>
    %broadcast_in_dim3A_387 = vector.broadcast %squeeze3A_386 : f32 to vector<16xf32>
    %swap3A_388 = arith.constant 400 : index
    %swap3A_389 = tpu.vector_load %arg15[%swap3A_388] {strides = array<i32>} : memref<512xf32, #tpu.memory_space<vmem>>, vector<16xf32>,
    tpu.vector_store %arg15[%swap3A_388], %broadcast_in_dim3A_387 {strides = array<i32>} : memref<512xf32, #tpu.memory_space<vmem>>, vector<16xf32>,
    %slice3A_390 = vector.extract_strided_slice %get3A_247 {offsets = [9], sizes = [1], strides = [1]} : vector<16xf32> to vector<1xf32>
    %squeeze3A_391 = vector.extract %slice3A_390[0] : f32 from vector<1xf32>
    %broadcast_in_dim3A_392 = vector.broadcast %squeeze3A_391 : f32 to vector<16xf32>
    %swap3A_393 = arith.constant 400 : index
    %swap3A_394 = tpu.vector_load %arg16[%swap3A_393] {strides = array<i32>} : memref<512xf32, #tpu.memory_space<vmem>>, vector<16xf32>,
    tpu.vector_store %arg16[%swap3A_393], %broadcast_in_dim3A_392 {strides = array<i32>} : memref<512xf32, #tpu.memory_space<vmem>>, vector<16xf32>,
    %slice3A_395 = vector.extract_strided_slice %get3A_249 {offsets = [9], sizes = [1], strides = [1]} : vector<16xf32> to vector<1xf32>
    %squeeze3A_396 = vector.extract %slice3A_395[0] : f32 from vector<1xf32>
    %broadcast_in_dim3A_397 = vector.broadcast %squeeze3A_396 : f32 to vector<16xf32>
    %swap3A_398 = arith.constant 400 : index
    %swap3A_399 = tpu.vector_load %arg17[%swap3A_398] {strides = array<i32>} : memref<512xf32, #tpu.memory_space<vmem>>, vector<16xf32>,
    tpu.vector_store %arg17[%swap3A_398], %broadcast_in_dim3A_397 {strides = array<i32>} : memref<512xf32, #tpu.memory_space<vmem>>, vector<16xf32>,
    %slice3A_400 = vector.extract_strided_slice %get3A_245 {offsets = [10], sizes = [1], strides = [1]} : vector<16xf32> to vector<1xf32>
    %squeeze3A_401 = vector.extract %slice3A_400[0] : f32 from vector<1xf32>
    %broadcast_in_dim3A_402 = vector.broadcast %squeeze3A_401 : f32 to vector<16xf32>
    %swap3A_403 = arith.constant 416 : index
    %swap3A_404 = tpu.vector_load %arg15[%swap3A_403] {strides = array<i32>} : memref<512xf32, #tpu.memory_space<vmem>>, vector<16xf32>,
    tpu.vector_store %arg15[%swap3A_403], %broadcast_in_dim3A_402 {strides = array<i32>} : memref<512xf32, #tpu.memory_space<vmem>>, vector<16xf32>,
    %slice3A_405 = vector.extract_strided_slice %get3A_247 {offsets = [10], sizes = [1], strides = [1]} : vector<16xf32> to vector<1xf32>
    %squeeze3A_406 = vector.extract %slice3A_405[0] : f32 from vector<1xf32>
    %broadcast_in_dim3A_407 = vector.broadcast %squeeze3A_406 : f32 to vector<16xf32>
    %swap3A_408 = arith.constant 416 : index
    %swap3A_409 = tpu.vector_load %arg16[%swap3A_408] {strides = array<i32>} : memref<512xf32, #tpu.memory_space<vmem>>, vector<16xf32>,
    tpu.vector_store %arg16[%swap3A_408], %broadcast_in_dim3A_407 {strides = array<i32>} : memref<512xf32, #tpu.memory_space<vmem>>, vector<16xf32>,
    %slice3A_410 = vector.extract_strided_slice %get3A_249 {offsets = [10], sizes = [1], strides = [1]} : vector<16xf32> to vector<1xf32>
    %squeeze3A_411 = vector.extract %slice3A_410[0] : f32 from vector<1xf32>
    %broadcast_in_dim3A_412 = vector.broadcast %squeeze3A_411 : f32 to vector<16xf32>
    %swap3A_413 = arith.constant 416 : index
    %swap3A_414 = tpu.vector_load %arg17[%swap3A_413] {strides = array<i32>} : memref<512xf32, #tpu.memory_space<vmem>>, vector<16xf32>,
    tpu.vector_store %arg17[%swap3A_413], %broadcast_in_dim3A_412 {strides = array<i32>} : memref<512xf32, #tpu.memory_space<vmem>>, vector<16xf32>,
    %slice3A_415 = vector.extract_strided_slice %get3A_245 {offsets = [11], sizes = [1], strides = [1]} : vector<16xf32> to vector<1xf32>
    %squeeze3A_416 = vector.extract %slice3A_415[0] : f32 from vector<1xf32>
    %broadcast_in_dim3A_417 = vector.broadcast %squeeze3A_416 : f32 to vector<16xf32>
    %swap3A_418 = arith.constant 432 : index
    %swap3A_419 = tpu.vector_load %arg15[%swap3A_418] {strides = array<i32>} : memref<512xf32, #tpu.memory_space<vmem>>, vector<16xf32>,
    tpu.vector_store %arg15[%swap3A_418], %broadcast_in_dim3A_417 {strides = array<i32>} : memref<512xf32, #tpu.memory_space<vmem>>, vector<16xf32>,
    %slice3A_420 = vector.extract_strided_slice %get3A_247 {offsets = [11], sizes = [1], strides = [1]} : vector<16xf32> to vector<1xf32>
    %squeeze3A_421 = vector.extract %slice3A_420[0] : f32 from vector<1xf32>
    %broadcast_in_dim3A_422 = vector.broadcast %squeeze3A_421 : f32 to vector<16xf32>
    %swap3A_423 = arith.constant 432 : index
    %swap3A_424 = tpu.vector_load %arg16[%swap3A_423] {strides = array<i32>} : memref<512xf32, #tpu.memory_space<vmem>>, vector<16xf32>,
    tpu.vector_store %arg16[%swap3A_423], %broadcast_in_dim3A_422 {strides = array<i32>} : memref<512xf32, #tpu.memory_space<vmem>>, vector<16xf32>,
    %slice3A_425 = vector.extract_strided_slice %get3A_249 {offsets = [11], sizes = [1], strides = [1]} : vector<16xf32> to vector<1xf32>
    %squeeze3A_426 = vector.extract %slice3A_425[0] : f32 from vector<1xf32>
    %broadcast_in_dim3A_427 = vector.broadcast %squeeze3A_426 : f32 to vector<16xf32>
    %swap3A_428 = arith.constant 432 : index
    %swap3A_429 = tpu.vector_load %arg17[%swap3A_428] {strides = array<i32>} : memref<512xf32, #tpu.memory_space<vmem>>, vector<16xf32>,
    tpu.vector_store %arg17[%swap3A_428], %broadcast_in_dim3A_427 {strides = array<i32>} : memref<512xf32, #tpu.memory_space<vmem>>, vector<16xf32>,
    %slice3A_430 = vector.extract_strided_slice %get3A_245 {offsets = [12], sizes = [1], strides = [1]} : vector<16xf32> to vector<1xf32>
    %squeeze3A_431 = vector.extract %slice3A_430[0] : f32 from vector<1xf32>
    %broadcast_in_dim3A_432 = vector.broadcast %squeeze3A_431 : f32 to vector<16xf32>
    %swap3A_433 = arith.constant 448 : index
    %swap3A_434 = tpu.vector_load %arg15[%swap3A_433] {strides = array<i32>} : memref<512xf32, #tpu.memory_space<vmem>>, vector<16xf32>,
    tpu.vector_store %arg15[%swap3A_433], %broadcast_in_dim3A_432 {strides = array<i32>} : memref<512xf32, #tpu.memory_space<vmem>>, vector<16xf32>,
    %slice3A_435 = vector.extract_strided_slice %get3A_247 {offsets = [12], sizes = [1], strides = [1]} : vector<16xf32> to vector<1xf32>
    %squeeze3A_436 = vector.extract %slice3A_435[0] : f32 from vector<1xf32>
    %broadcast_in_dim3A_437 = vector.broadcast %squeeze3A_436 : f32 to vector<16xf32>
    %swap3A_438 = arith.constant 448 : index
    %swap3A_439 = tpu.vector_load %arg16[%swap3A_438] {strides = array<i32>} : memref<512xf32, #tpu.memory_space<vmem>>, vector<16xf32>,
    tpu.vector_store %arg16[%swap3A_438], %broadcast_in_dim3A_437 {strides = array<i32>} : memref<512xf32, #tpu.memory_space<vmem>>, vector<16xf32>,
    %slice3A_440 = vector.extract_strided_slice %get3A_249 {offsets = [12], sizes = [1], strides = [1]} : vector<16xf32> to vector<1xf32>
    %squeeze3A_441 = vector.extract %slice3A_440[0] : f32 from vector<1xf32>
    %broadcast_in_dim3A_442 = vector.broadcast %squeeze3A_441 : f32 to vector<16xf32>
    %swap3A_443 = arith.constant 448 : index
    %swap3A_444 = tpu.vector_load %arg17[%swap3A_443] {strides = array<i32>} : memref<512xf32, #tpu.memory_space<vmem>>, vector<16xf32>,
    tpu.vector_store %arg17[%swap3A_443], %broadcast_in_dim3A_442 {strides = array<i32>} : memref<512xf32, #tpu.memory_space<vmem>>, vector<16xf32>,
    %slice3A_445 = vector.extract_strided_slice %get3A_245 {offsets = [13], sizes = [1], strides = [1]} : vector<16xf32> to vector<1xf32>
    %squeeze3A_446 = vector.extract %slice3A_445[0] : f32 from vector<1xf32>
    %broadcast_in_dim3A_447 = vector.broadcast %squeeze3A_446 : f32 to vector<16xf32>
    %swap3A_448 = arith.constant 464 : index
    %swap3A_449 = tpu.vector_load %arg15[%swap3A_448] {strides = array<i32>} : memref<512xf32, #tpu.memory_space<vmem>>, vector<16xf32>,
    tpu.vector_store %arg15[%swap3A_448], %broadcast_in_dim3A_447 {strides = array<i32>} : memref<512xf32, #tpu.memory_space<vmem>>, vector<16xf32>,
    %slice3A_450 = vector.extract_strided_slice %get3A_247 {offsets = [13], sizes = [1], strides = [1]} : vector<16xf32> to vector<1xf32>
    %squeeze3A_451 = vector.extract %slice3A_450[0] : f32 from vector<1xf32>
    %broadcast_in_dim3A_452 = vector.broadcast %squeeze3A_451 : f32 to vector<16xf32>
    %swap3A_453 = arith.constant 464 : index
    %swap3A_454 = tpu.vector_load %arg16[%swap3A_453] {strides = array<i32>} : memref<512xf32, #tpu.memory_space<vmem>>, vector<16xf32>,
    tpu.vector_store %arg16[%swap3A_453], %broadcast_in_dim3A_452 {strides = array<i32>} : memref<512xf32, #tpu.memory_space<vmem>>, vector<16xf32>,
    %slice3A_455 = vector.extract_strided_slice %get3A_249 {offsets = [13], sizes = [1], strides = [1]} : vector<16xf32> to vector<1xf32>
    %squeeze3A_456 = vector.extract %slice3A_455[0] : f32 from vector<1xf32>
    %broadcast_in_dim3A_457 = vector.broadcast %squeeze3A_456 : f32 to vector<16xf32>
    %swap3A_458 = arith.constant 464 : index
    %swap3A_459 = tpu.vector_load %arg17[%swap3A_458] {strides = array<i32>} : memref<512xf32, #tpu.memory_space<vmem>>, vector<16xf32>,
    tpu.vector_store %arg17[%swap3A_458], %broadcast_in_dim3A_457 {strides = array<i32>} : memref<512xf32, #tpu.memory_space<vmem>>, vector<16xf32>,
    %slice3A_460 = vector.extract_strided_slice %get3A_245 {offsets = [14], sizes = [1], strides = [1]} : vector<16xf32> to vector<1xf32>
    %squeeze3A_461 = vector.extract %slice3A_460[0] : f32 from vector<1xf32>
    %broadcast_in_dim3A_462 = vector.broadcast %squeeze3A_461 : f32 to vector<16xf32>
    %swap3A_463 = arith.constant 480 : index
    %swap3A_464 = tpu.vector_load %arg15[%swap3A_463] {strides = array<i32>} : memref<512xf32, #tpu.memory_space<vmem>>, vector<16xf32>,
    tpu.vector_store %arg15[%swap3A_463], %broadcast_in_dim3A_462 {strides = array<i32>} : memref<512xf32, #tpu.memory_space<vmem>>, vector<16xf32>,
    %slice3A_465 = vector.extract_strided_slice %get3A_247 {offsets = [14], sizes = [1], strides = [1]} : vector<16xf32> to vector<1xf32>
    %squeeze3A_466 = vector.extract %slice3A_465[0] : f32 from vector<1xf32>
    %broadcast_in_dim3A_467 = vector.broadcast %squeeze3A_466 : f32 to vector<16xf32>
    %swap3A_468 = arith.constant 480 : index
    %swap3A_469 = tpu.vector_load %arg16[%swap3A_468] {strides = array<i32>} : memref<512xf32, #tpu.memory_space<vmem>>, vector<16xf32>,
    tpu.vector_store %arg16[%swap3A_468], %broadcast_in_dim3A_467 {strides = array<i32>} : memref<512xf32, #tpu.memory_space<vmem>>, vector<16xf32>,
    %slice3A_470 = vector.extract_strided_slice %get3A_249 {offsets = [14], sizes = [1], strides = [1]} : vector<16xf32> to vector<1xf32>
    %squeeze3A_471 = vector.extract %slice3A_470[0] : f32 from vector<1xf32>
    %broadcast_in_dim3A_472 = vector.broadcast %squeeze3A_471 : f32 to vector<16xf32>
    %swap3A_473 = arith.constant 480 : index
    %swap3A_474 = tpu.vector_load %arg17[%swap3A_473] {strides = array<i32>} : memref<512xf32, #tpu.memory_space<vmem>>, vector<16xf32>,
    tpu.vector_store %arg17[%swap3A_473], %broadcast_in_dim3A_472 {strides = array<i32>} : memref<512xf32, #tpu.memory_space<vmem>>, vector<16xf32>,
    %slice3A_475 = vector.extract_strided_slice %get3A_245 {offsets = [15], sizes = [1], strides = [1]} : vector<16xf32> to vector<1xf32>
    %squeeze3A_476 = vector.extract %slice3A_475[0] : f32 from vector<1xf32>
    %broadcast_in_dim3A_477 = vector.broadcast %squeeze3A_476 : f32 to vector<16xf32>
    %swap3A_478 = arith.constant 496 : index
    %swap3A_479 = tpu.vector_load %arg15[%swap3A_478] {strides = array<i32>} : memref<512xf32, #tpu.memory_space<vmem>>, vector<16xf32>,
    tpu.vector_store %arg15[%swap3A_478], %broadcast_in_dim3A_477 {strides = array<i32>} : memref<512xf32, #tpu.memory_space<vmem>>, vector<16xf32>,
    %slice3A_480 = vector.extract_strided_slice %get3A_247 {offsets = [15], sizes = [1], strides = [1]} : vector<16xf32> to vector<1xf32>
    %squeeze3A_481 = vector.extract %slice3A_480[0] : f32 from vector<1xf32>
    %broadcast_in_dim3A_482 = vector.broadcast %squeeze3A_481 : f32 to vector<16xf32>
    %swap3A_483 = arith.constant 496 : index
    %swap3A_484 = tpu.vector_load %arg16[%swap3A_483] {strides = array<i32>} : memref<512xf32, #tpu.memory_space<vmem>>, vector<16xf32>,
    tpu.vector_store %arg16[%swap3A_483], %broadcast_in_dim3A_482 {strides = array<i32>} : memref<512xf32, #tpu.memory_space<vmem>>, vector<16xf32>,
    %slice3A_485 = vector.extract_strided_slice %get3A_249 {offsets = [15], sizes = [1], strides = [1]} : vector<16xf32> to vector<1xf32>
    %squeeze3A_486 = vector.extract %slice3A_485[0] : f32 from vector<1xf32>
    %broadcast_in_dim3A_487 = vector.broadcast %squeeze3A_486 : f32 to vector<16xf32>
    %swap3A_488 = arith.constant 496 : index
    %swap3A_489 = tpu.vector_load %arg17[%swap3A_488] {strides = array<i32>} : memref<512xf32, #tpu.memory_space<vmem>>, vector<16xf32>,
    tpu.vector_store %arg17[%swap3A_488], %broadcast_in_dim3A_487 {strides = array<i32>} : memref<512xf32, #tpu.memory_space<vmem>>, vector<16xf32>,
    %scan3A = arith.constant 0 : i32
    %scan3A_490 = arith.constant 0 : i32
    %scan3A_491 = arith.constant 32 : i32
    %scan3A_492 = arith.addi %scan3A_490, %scan3A_491 : i32
    %scan3A_493 = arith.constant 1 : i32
    scf.for %scan3A_495 = %scan3A_490 to %scan3A_492 step %scan3A_493  : i32 {
      %mul3A_496 = arith.constant 16 : i32
      %mul3A_497 = arith.muli %scan3A_495, %mul3A_496 : i32
      %get3A_498 = arith.index_cast %mul3A_497 : i32 to index
      %get3A_499 = tpu.vector_load %arg15[%get3A_498] {strides = array<i32>} : memref<512xf32, #tpu.memory_space<vmem>>, vector<16xf32>,
      %mul3A_500 = arith.constant 16 : i32
      %mul3A_501 = arith.muli %scan3A_495, %mul3A_500 : i32
      %get3A_502 = arith.index_cast %mul3A_501 : i32 to index
      %get3A_503 = tpu.vector_load %arg16[%get3A_502] {strides = array<i32>} : memref<512xf32, #tpu.memory_space<vmem>>, vector<16xf32>,
      %mul3A_504 = arith.constant 16 : i32
      %mul3A_505 = arith.muli %scan3A_495, %mul3A_504 : i32
      %get3A_506 = arith.index_cast %mul3A_505 : i32 to index
      %get3A_507 = tpu.vector_load %arg17[%get3A_506] {strides = array<i32>} : memref<512xf32, #tpu.memory_space<vmem>>, vector<16xf32>,
      %broadcast_in_dim3A_508 = arith.constant 3.000000e+38 : f32
      %broadcast_in_dim3A_509 = vector.broadcast %broadcast_in_dim3A_508 : f32 to vector<16xf32>
      %broadcast_in_dim3A_510 = arith.constant 0 : i32
      %broadcast_in_dim3A_511 = vector.broadcast %broadcast_in_dim3A_510 : i32 to vector<16xi32>
      %scan3A_512 = arith.constant 0 : i32
      %scan3A_513 = arith.constant 656 : i32
      %scan3A_514 = arith.addi %scan3A_512, %scan3A_513 : i32
      %scan3A_515 = arith.constant 8 : i32
      %scan3A_516:3 = scf.for %scan3A_545 = %scan3A_512 to %scan3A_514 step %scan3A_515 iter_args(%scan3A_546 = %broadcast_in_dim3A_509, %scan3A_547 = %broadcast_in_dim3A_511, %scan3A_548 = %iota3A) -> (vector<16xf32>, vector<16xi32>, vector<16xi32>)  : i32 {
        %mul3A_549 = arith.constant 16 : i32
        %mul3A_550 = arith.muli %scan3A_545, %mul3A_549 : i32
        %get3A_551 = arith.index_cast %mul3A_550 : i32 to index
        %get3A_552 = tpu.vector_load %arg9[%get3A_551] {strides = array<i32>} : memref<10496xf32, #tpu.memory_space<vmem>>, vector<16xf32>,
        %sub3A = arith.subf %get3A_552, %get3A_499 : vector<16xf32>
        %get3A_553 = arith.index_cast %mul3A_550 : i32 to index
        %get3A_554 = tpu.vector_load %arg10[%get3A_553] {strides = array<i32>} : memref<10496xf32, #tpu.memory_space<vmem>>, vector<16xf32>,
        %sub3A_555 = arith.subf %get3A_554, %get3A_503 : vector<16xf32>
        %get3A_556 = arith.index_cast %mul3A_550 : i32 to index
        %get3A_557 = tpu.vector_load %arg11[%get3A_556] {strides = array<i32>} : memref<10496xf32, #tpu.memory_space<vmem>>, vector<16xf32>,
        %sub3A_558 = arith.subf %get3A_557, %get3A_507 : vector<16xf32>
        %mul3A_559 = arith.mulf %sub3A, %sub3A : vector<16xf32>
        %mul3A_560 = arith.mulf %sub3A_555, %sub3A_555 : vector<16xf32>
        %add3A_561 = arith.addf %mul3A_559, %mul3A_560 : vector<16xf32>
        %mul3A_562 = arith.mulf %sub3A_558, %sub3A_558 : vector<16xf32>
        %add3A_563 = arith.addf %add3A_561, %mul3A_562 : vector<16xf32>
        %lt3A = arith.cmpf olt, %add3A_563, %scan3A_546 : vector<16xf32>
        %select_n3A_564 = arith.select %lt3A, %scan3A_548, %scan3A_547 : vector<16xi1>, vector<16xi32>
        %min3A = arith.minimumf %add3A_563, %scan3A_546 : vector<16xf32>
        %add3A_565 = arith.constant 16 : i32
        %add3A_566 = vector.broadcast %add3A_565 : i32 to vector<16xi32>
        %add3A_567 = arith.addi %scan3A_548, %add3A_566 : vector<16xi32>
        %scan3A_568 = arith.constant 1 : i32
        %scan3A_569 = arith.addi %scan3A_545, %scan3A_568 : i32
        %mul3A_570 = arith.constant 16 : i32
        %mul3A_571 = arith.muli %scan3A_569, %mul3A_570 : i32
        %get3A_572 = arith.index_cast %mul3A_571 : i32 to index
        %get3A_573 = tpu.vector_load %arg9[%get3A_572] {strides = array<i32>} : memref<10496xf32, #tpu.memory_space<vmem>>, vector<16xf32>,
        %sub3A_574 = arith.subf %get3A_573, %get3A_499 : vector<16xf32>
        %get3A_575 = arith.index_cast %mul3A_571 : i32 to index
        %get3A_576 = tpu.vector_load %arg10[%get3A_575] {strides = array<i32>} : memref<10496xf32, #tpu.memory_space<vmem>>, vector<16xf32>,
        %sub3A_577 = arith.subf %get3A_576, %get3A_503 : vector<16xf32>
        %get3A_578 = arith.index_cast %mul3A_571 : i32 to index
        %get3A_579 = tpu.vector_load %arg11[%get3A_578] {strides = array<i32>} : memref<10496xf32, #tpu.memory_space<vmem>>, vector<16xf32>,
        %sub3A_580 = arith.subf %get3A_579, %get3A_507 : vector<16xf32>
        %mul3A_581 = arith.mulf %sub3A_574, %sub3A_574 : vector<16xf32>
        %mul3A_582 = arith.mulf %sub3A_577, %sub3A_577 : vector<16xf32>
        %add3A_583 = arith.addf %mul3A_581, %mul3A_582 : vector<16xf32>
        %mul3A_584 = arith.mulf %sub3A_580, %sub3A_580 : vector<16xf32>
        %add3A_585 = arith.addf %add3A_583, %mul3A_584 : vector<16xf32>
        %lt3A_586 = arith.cmpf olt, %add3A_585, %min3A : vector<16xf32>
        %select_n3A_587 = arith.select %lt3A_586, %add3A_567, %select_n3A_564 : vector<16xi1>, vector<16xi32>
        %min3A_588 = arith.minimumf %add3A_585, %min3A : vector<16xf32>
        %add3A_589 = arith.constant 16 : i32
        %add3A_590 = vector.broadcast %add3A_589 : i32 to vector<16xi32>
        %add3A_591 = arith.addi %add3A_567, %add3A_590 : vector<16xi32>
        %scan3A_592 = arith.constant 2 : i32
        %scan3A_593 = arith.addi %scan3A_545, %scan3A_592 : i32
        %mul3A_594 = arith.constant 16 : i32
        %mul3A_595 = arith.muli %scan3A_593, %mul3A_594 : i32
        %get3A_596 = arith.index_cast %mul3A_595 : i32 to index
        %get3A_597 = tpu.vector_load %arg9[%get3A_596] {strides = array<i32>} : memref<10496xf32, #tpu.memory_space<vmem>>, vector<16xf32>,
        %sub3A_598 = arith.subf %get3A_597, %get3A_499 : vector<16xf32>
        %get3A_599 = arith.index_cast %mul3A_595 : i32 to index
        %get3A_600 = tpu.vector_load %arg10[%get3A_599] {strides = array<i32>} : memref<10496xf32, #tpu.memory_space<vmem>>, vector<16xf32>,
        %sub3A_601 = arith.subf %get3A_600, %get3A_503 : vector<16xf32>
        %get3A_602 = arith.index_cast %mul3A_595 : i32 to index
        %get3A_603 = tpu.vector_load %arg11[%get3A_602] {strides = array<i32>} : memref<10496xf32, #tpu.memory_space<vmem>>, vector<16xf32>,
        %sub3A_604 = arith.subf %get3A_603, %get3A_507 : vector<16xf32>
        %mul3A_605 = arith.mulf %sub3A_598, %sub3A_598 : vector<16xf32>
        %mul3A_606 = arith.mulf %sub3A_601, %sub3A_601 : vector<16xf32>
        %add3A_607 = arith.addf %mul3A_605, %mul3A_606 : vector<16xf32>
        %mul3A_608 = arith.mulf %sub3A_604, %sub3A_604 : vector<16xf32>
        %add3A_609 = arith.addf %add3A_607, %mul3A_608 : vector<16xf32>
        %lt3A_610 = arith.cmpf olt, %add3A_609, %min3A_588 : vector<16xf32>
        %select_n3A_611 = arith.select %lt3A_610, %add3A_591, %select_n3A_587 : vector<16xi1>, vector<16xi32>
        %min3A_612 = arith.minimumf %add3A_609, %min3A_588 : vector<16xf32>
        %add3A_613 = arith.constant 16 : i32
        %add3A_614 = vector.broadcast %add3A_613 : i32 to vector<16xi32>
        %add3A_615 = arith.addi %add3A_591, %add3A_614 : vector<16xi32>
        %scan3A_616 = arith.constant 3 : i32
        %scan3A_617 = arith.addi %scan3A_545, %scan3A_616 : i32
        %mul3A_618 = arith.constant 16 : i32
        %mul3A_619 = arith.muli %scan3A_617, %mul3A_618 : i32
        %get3A_620 = arith.index_cast %mul3A_619 : i32 to index
        %get3A_621 = tpu.vector_load %arg9[%get3A_620] {strides = array<i32>} : memref<10496xf32, #tpu.memory_space<vmem>>, vector<16xf32>,
        %sub3A_622 = arith.subf %get3A_621, %get3A_499 : vector<16xf32>
        %get3A_623 = arith.index_cast %mul3A_619 : i32 to index
        %get3A_624 = tpu.vector_load %arg10[%get3A_623] {strides = array<i32>} : memref<10496xf32, #tpu.memory_space<vmem>>, vector<16xf32>,
        %sub3A_625 = arith.subf %get3A_624, %get3A_503 : vector<16xf32>
        %get3A_626 = arith.index_cast %mul3A_619 : i32 to index
        %get3A_627 = tpu.vector_load %arg11[%get3A_626] {strides = array<i32>} : memref<10496xf32, #tpu.memory_space<vmem>>, vector<16xf32>,
        %sub3A_628 = arith.subf %get3A_627, %get3A_507 : vector<16xf32>
        %mul3A_629 = arith.mulf %sub3A_622, %sub3A_622 : vector<16xf32>
        %mul3A_630 = arith.mulf %sub3A_625, %sub3A_625 : vector<16xf32>
        %add3A_631 = arith.addf %mul3A_629, %mul3A_630 : vector<16xf32>
        %mul3A_632 = arith.mulf %sub3A_628, %sub3A_628 : vector<16xf32>
        %add3A_633 = arith.addf %add3A_631, %mul3A_632 : vector<16xf32>
        %lt3A_634 = arith.cmpf olt, %add3A_633, %min3A_612 : vector<16xf32>
        %select_n3A_635 = arith.select %lt3A_634, %add3A_615, %select_n3A_611 : vector<16xi1>, vector<16xi32>
        %min3A_636 = arith.minimumf %add3A_633, %min3A_612 : vector<16xf32>
        %add3A_637 = arith.constant 16 : i32
        %add3A_638 = vector.broadcast %add3A_637 : i32 to vector<16xi32>
        %add3A_639 = arith.addi %add3A_615, %add3A_638 : vector<16xi32>
        %scan3A_640 = arith.constant 4 : i32
        %scan3A_641 = arith.addi %scan3A_545, %scan3A_640 : i32
        %mul3A_642 = arith.constant 16 : i32
        %mul3A_643 = arith.muli %scan3A_641, %mul3A_642 : i32
        %get3A_644 = arith.index_cast %mul3A_643 : i32 to index
        %get3A_645 = tpu.vector_load %arg9[%get3A_644] {strides = array<i32>} : memref<10496xf32, #tpu.memory_space<vmem>>, vector<16xf32>,
        %sub3A_646 = arith.subf %get3A_645, %get3A_499 : vector<16xf32>
        %get3A_647 = arith.index_cast %mul3A_643 : i32 to index
        %get3A_648 = tpu.vector_load %arg10[%get3A_647] {strides = array<i32>} : memref<10496xf32, #tpu.memory_space<vmem>>, vector<16xf32>,
        %sub3A_649 = arith.subf %get3A_648, %get3A_503 : vector<16xf32>
        %get3A_650 = arith.index_cast %mul3A_643 : i32 to index
        %get3A_651 = tpu.vector_load %arg11[%get3A_650] {strides = array<i32>} : memref<10496xf32, #tpu.memory_space<vmem>>, vector<16xf32>,
        %sub3A_652 = arith.subf %get3A_651, %get3A_507 : vector<16xf32>
        %mul3A_653 = arith.mulf %sub3A_646, %sub3A_646 : vector<16xf32>
        %mul3A_654 = arith.mulf %sub3A_649, %sub3A_649 : vector<16xf32>
        %add3A_655 = arith.addf %mul3A_653, %mul3A_654 : vector<16xf32>
        %mul3A_656 = arith.mulf %sub3A_652, %sub3A_652 : vector<16xf32>
        %add3A_657 = arith.addf %add3A_655, %mul3A_656 : vector<16xf32>
        %lt3A_658 = arith.cmpf olt, %add3A_657, %min3A_636 : vector<16xf32>
        %select_n3A_659 = arith.select %lt3A_658, %add3A_639, %select_n3A_635 : vector<16xi1>, vector<16xi32>
        %min3A_660 = arith.minimumf %add3A_657, %min3A_636 : vector<16xf32>
        %add3A_661 = arith.constant 16 : i32
        %add3A_662 = vector.broadcast %add3A_661 : i32 to vector<16xi32>
        %add3A_663 = arith.addi %add3A_639, %add3A_662 : vector<16xi32>
        %scan3A_664 = arith.constant 5 : i32
        %scan3A_665 = arith.addi %scan3A_545, %scan3A_664 : i32
        %mul3A_666 = arith.constant 16 : i32
        %mul3A_667 = arith.muli %scan3A_665, %mul3A_666 : i32
        %get3A_668 = arith.index_cast %mul3A_667 : i32 to index
        %get3A_669 = tpu.vector_load %arg9[%get3A_668] {strides = array<i32>} : memref<10496xf32, #tpu.memory_space<vmem>>, vector<16xf32>,
        %sub3A_670 = arith.subf %get3A_669, %get3A_499 : vector<16xf32>
        %get3A_671 = arith.index_cast %mul3A_667 : i32 to index
        %get3A_672 = tpu.vector_load %arg10[%get3A_671] {strides = array<i32>} : memref<10496xf32, #tpu.memory_space<vmem>>, vector<16xf32>,
        %sub3A_673 = arith.subf %get3A_672, %get3A_503 : vector<16xf32>
        %get3A_674 = arith.index_cast %mul3A_667 : i32 to index
        %get3A_675 = tpu.vector_load %arg11[%get3A_674] {strides = array<i32>} : memref<10496xf32, #tpu.memory_space<vmem>>, vector<16xf32>,
        %sub3A_676 = arith.subf %get3A_675, %get3A_507 : vector<16xf32>
        %mul3A_677 = arith.mulf %sub3A_670, %sub3A_670 : vector<16xf32>
        %mul3A_678 = arith.mulf %sub3A_673, %sub3A_673 : vector<16xf32>
        %add3A_679 = arith.addf %mul3A_677, %mul3A_678 : vector<16xf32>
        %mul3A_680 = arith.mulf %sub3A_676, %sub3A_676 : vector<16xf32>
        %add3A_681 = arith.addf %add3A_679, %mul3A_680 : vector<16xf32>
        %lt3A_682 = arith.cmpf olt, %add3A_681, %min3A_660 : vector<16xf32>
        %select_n3A_683 = arith.select %lt3A_682, %add3A_663, %select_n3A_659 : vector<16xi1>, vector<16xi32>
        %min3A_684 = arith.minimumf %add3A_681, %min3A_660 : vector<16xf32>
        %add3A_685 = arith.constant 16 : i32
        %add3A_686 = vector.broadcast %add3A_685 : i32 to vector<16xi32>
        %add3A_687 = arith.addi %add3A_663, %add3A_686 : vector<16xi32>
        %scan3A_688 = arith.constant 6 : i32
        %scan3A_689 = arith.addi %scan3A_545, %scan3A_688 : i32
        %mul3A_690 = arith.constant 16 : i32
        %mul3A_691 = arith.muli %scan3A_689, %mul3A_690 : i32
        %get3A_692 = arith.index_cast %mul3A_691 : i32 to index
        %get3A_693 = tpu.vector_load %arg9[%get3A_692] {strides = array<i32>} : memref<10496xf32, #tpu.memory_space<vmem>>, vector<16xf32>,
        %sub3A_694 = arith.subf %get3A_693, %get3A_499 : vector<16xf32>
        %get3A_695 = arith.index_cast %mul3A_691 : i32 to index
        %get3A_696 = tpu.vector_load %arg10[%get3A_695] {strides = array<i32>} : memref<10496xf32, #tpu.memory_space<vmem>>, vector<16xf32>,
        %sub3A_697 = arith.subf %get3A_696, %get3A_503 : vector<16xf32>
        %get3A_698 = arith.index_cast %mul3A_691 : i32 to index
        %get3A_699 = tpu.vector_load %arg11[%get3A_698] {strides = array<i32>} : memref<10496xf32, #tpu.memory_space<vmem>>, vector<16xf32>,
        %sub3A_700 = arith.subf %get3A_699, %get3A_507 : vector<16xf32>
        %mul3A_701 = arith.mulf %sub3A_694, %sub3A_694 : vector<16xf32>
        %mul3A_702 = arith.mulf %sub3A_697, %sub3A_697 : vector<16xf32>
        %add3A_703 = arith.addf %mul3A_701, %mul3A_702 : vector<16xf32>
        %mul3A_704 = arith.mulf %sub3A_700, %sub3A_700 : vector<16xf32>
        %add3A_705 = arith.addf %add3A_703, %mul3A_704 : vector<16xf32>
        %lt3A_706 = arith.cmpf olt, %add3A_705, %min3A_684 : vector<16xf32>
        %select_n3A_707 = arith.select %lt3A_706, %add3A_687, %select_n3A_683 : vector<16xi1>, vector<16xi32>
        %min3A_708 = arith.minimumf %add3A_705, %min3A_684 : vector<16xf32>
        %add3A_709 = arith.constant 16 : i32
        %add3A_710 = vector.broadcast %add3A_709 : i32 to vector<16xi32>
        %add3A_711 = arith.addi %add3A_687, %add3A_710 : vector<16xi32>
        %scan3A_712 = arith.constant 7 : i32
        %scan3A_713 = arith.addi %scan3A_545, %scan3A_712 : i32
        %mul3A_714 = arith.constant 16 : i32
        %mul3A_715 = arith.muli %scan3A_713, %mul3A_714 : i32
        %get3A_716 = arith.index_cast %mul3A_715 : i32 to index
        %get3A_717 = tpu.vector_load %arg9[%get3A_716] {strides = array<i32>} : memref<10496xf32, #tpu.memory_space<vmem>>, vector<16xf32>,
        %sub3A_718 = arith.subf %get3A_717, %get3A_499 : vector<16xf32>
        %get3A_719 = arith.index_cast %mul3A_715 : i32 to index
        %get3A_720 = tpu.vector_load %arg10[%get3A_719] {strides = array<i32>} : memref<10496xf32, #tpu.memory_space<vmem>>, vector<16xf32>,
        %sub3A_721 = arith.subf %get3A_720, %get3A_503 : vector<16xf32>
        %get3A_722 = arith.index_cast %mul3A_715 : i32 to index
        %get3A_723 = tpu.vector_load %arg11[%get3A_722] {strides = array<i32>} : memref<10496xf32, #tpu.memory_space<vmem>>, vector<16xf32>,
        %sub3A_724 = arith.subf %get3A_723, %get3A_507 : vector<16xf32>
        %mul3A_725 = arith.mulf %sub3A_718, %sub3A_718 : vector<16xf32>
        %mul3A_726 = arith.mulf %sub3A_721, %sub3A_721 : vector<16xf32>
        %add3A_727 = arith.addf %mul3A_725, %mul3A_726 : vector<16xf32>
        %mul3A_728 = arith.mulf %sub3A_724, %sub3A_724 : vector<16xf32>
        %add3A_729 = arith.addf %add3A_727, %mul3A_728 : vector<16xf32>
        %lt3A_730 = arith.cmpf olt, %add3A_729, %min3A_708 : vector<16xf32>
        %select_n3A_731 = arith.select %lt3A_730, %add3A_711, %select_n3A_707 : vector<16xi1>, vector<16xi32>
        %min3A_732 = arith.minimumf %add3A_729, %min3A_708 : vector<16xf32>
        %add3A_733 = arith.constant 16 : i32
        %add3A_734 = vector.broadcast %add3A_733 : i32 to vector<16xi32>
        %add3A_735 = arith.addi %add3A_711, %add3A_734 : vector<16xi32>
        scf.yield %min3A_732, %select_n3A_731, %add3A_735 : vector<16xf32>, vector<16xi32>, vector<16xi32>
      }
      %scan3A_517 = arith.constant 656 : i32
      %neg3A = arith.constant 0.000000e+00 : f32
      %neg3A_518 = vector.broadcast %neg3A : f32 to vector<16xf32>
      %neg3A_519 = arith.subf %neg3A_518, %scan3A_516#0 : vector<16xf32>
      %broadcast_in_dim3A_520 = arith.constant true
      %broadcast_in_dim3A_521 = vector.broadcast %broadcast_in_dim3A_520 : i1 to vector<16xi1>
      %masked_cummax3A = tpu.scan <max>, %neg3A_519 masked %broadcast_in_dim3A_521 : vector<16xf32>, vector<16xi1> -> vector<16xf32>
      %slice3A_522 = vector.extract_strided_slice %masked_cummax3A {offsets = [15], sizes = [1], strides = [1]} : vector<16xf32> to vector<1xf32>
      %squeeze3A_523 = vector.extract %slice3A_522[0] : f32 from vector<1xf32>
      %neg3A_524 = arith.constant 0.000000e+00 : f32
      %neg3A_525 = arith.subf %neg3A_524, %squeeze3A_523 : f32
      %eq3A = vector.broadcast %neg3A_525 : f32 to vector<16xf32>
      %eq3A_526 = arith.cmpf oeq, %scan3A_516#0, %eq3A : vector<16xf32>
      %jit3A = arith.constant 1073741824 : i32
      %broadcast_in_dim3A_527 = vector.broadcast %jit3A : i32 to vector<16xi32>
      %select_n3A = arith.select %eq3A_526, %scan3A_516#1, %broadcast_in_dim3A_527 : vector<16xi1>, vector<16xi32>
      %neg3A_528 = arith.constant 0 : i32
      %neg3A_529 = vector.broadcast %neg3A_528 : i32 to vector<16xi32>
      %neg3A_530 = arith.subi %neg3A_529, %select_n3A : vector<16xi32>
      %broadcast_in_dim3A_531 = arith.constant true
      %broadcast_in_dim3A_532 = vector.broadcast %broadcast_in_dim3A_531 : i1 to vector<16xi1>
      %masked_cummax3A_533 = arith.constant -2147483648 : i32
      %masked_cummax3A_534 = vector.broadcast %masked_cummax3A_533 : i32 to vector<16xi32>
      %masked_cummax3A_535 = arith.xori %neg3A_530, %masked_cummax3A_534 : vector<16xi32>
      %masked_cummax3A_536 = tpu.scan <max>, %masked_cummax3A_535 masked %broadcast_in_dim3A_532 : vector<16xi32>, vector<16xi1> -> vector<16xi32>
      %masked_cummax3A_537 = arith.xori %masked_cummax3A_536, %masked_cummax3A_534 : vector<16xi32>
      %neg3A_538 = arith.constant 0 : i32
      %neg3A_539 = vector.broadcast %neg3A_538 : i32 to vector<16xi32>
      %neg3A_540 = arith.subi %neg3A_539, %masked_cummax3A_537 : vector<16xi32>
      %broadcast_in_dim3A_541 = vector.broadcast %scan3A_495 : i32 to vector<16xi32>
      %eq3A_542 = arith.constant 15 : i32
      %eq3A_543 = vector.broadcast %eq3A_542 : i32 to vector<16xi32>
      %eq3A_544 = arith.cmpi eq, %iota3A, %eq3A_543 : vector<16xi32>
      tpu.vector_store_idx %arg18[%broadcast_in_dim3A_541], %neg3A_540 masked %eq3A_544 : memref<32xi32, #tpu.memory_space<vmem>>[vector<16xi32>], vector<16xi32>, vector<16xi1>
    }
    %scan3A_494 = arith.constant 32 : i32
    "tpu.region"() ({
      %run_scoped3A = tpu.sem_alloc : memref<!tpu.dma_semaphore, #tpu.memory_space<semaphore_mem>>
      %dma_start3A = tpu.memref_slice %arg8[%mul3A_2] : memref<1024xi32, #tpu.memory_space<hbm>> -> memref<32xi32, #tpu.memory_space<hbm>>
      %dma_start3A_495 = tpu.memref_slice %arg8[%mul3A_2] : memref<1024xi32, #tpu.memory_space<hbm>> -> memref<32xi32, #tpu.memory_space<hbm>>
      tpu.enqueue_dma source(%arg18 : memref<32xi32, #tpu.memory_space<vmem>>) target(%dma_start3A_495 : memref<32xi32, #tpu.memory_space<hbm>>) target_semaphore(%run_scoped3A : memref<!tpu.dma_semaphore, #tpu.memory_space<semaphore_mem>>)
      %dma_wait3A = tpu.memref_slice %arg8[%mul3A_2] : memref<1024xi32, #tpu.memory_space<hbm>> -> memref<32xi32, #tpu.memory_space<hbm>>
      %dma_wait3A_496 = tpu.memref_slice %arg8[%mul3A_2] : memref<1024xi32, #tpu.memory_space<hbm>> -> memref<32xi32, #tpu.memory_space<hbm>>
      tpu.wait_dma2 semaphore(%run_scoped3A : memref<!tpu.dma_semaphore, #tpu.memory_space<semaphore_mem>>) src(%arg18 : memref<32xi32, #tpu.memory_space<vmem>>) dst(%dma_wait3A_496 : memref<32xi32, #tpu.memory_space<hbm>>)
      tpu.yield
    }) : () -> ()
    return
  }
}

module attributes {stable_mosaic.version = 14 : i64} {
  func.func @_tc_body(%arg0: i32, %arg1: memref<3072xf32, #tpu.memory_space<vmem>>, %arg2: memref<3072xf32, #tpu.memory_space<vmem>>, %arg3: memref<3072xf32, #tpu.memory_space<vmem>>, %arg4: memref<10496xf32, #tpu.memory_space<vmem>>, %arg5: memref<10496xf32, #tpu.memory_space<vmem>>, %arg6: memref<10496xf32, #tpu.memory_space<vmem>>, %arg7: memref<3072xi32, #tpu.memory_space<vmem>>) attributes {dimension_semantics = [#tpu.dimension_semantics<arbitrary>], iteration_bounds = array<i64: 24>, scalar_prefetch = 0 : i64, scratch_operands = 0 : i64, tpu.core_type = #tpu.core_type<tc>, window_params = [{pipeline_mode = #tpu.pipeline_mode<synchronous>, transform_indices = @transform_0, window_bounds = array<i64: 3072>}, {pipeline_mode = #tpu.pipeline_mode<synchronous>, transform_indices = @transform_1, window_bounds = array<i64: 3072>}, {pipeline_mode = #tpu.pipeline_mode<synchronous>, transform_indices = @transform_2, window_bounds = array<i64: 3072>}, {pipeline_mode = #tpu.pipeline_mode<synchronous>, transform_indices = @transform_3, window_bounds = array<i64: 10496>}, {pipeline_mode = #tpu.pipeline_mode<synchronous>, transform_indices = @transform_4, window_bounds = array<i64: 10496>}, {pipeline_mode = #tpu.pipeline_mode<synchronous>, transform_indices = @transform_5, window_bounds = array<i64: 10496>}, {pipeline_mode = #tpu.pipeline_mode<synchronous>, transform_indices = @transform_6, window_bounds = array<i64: 3072>}]} {
    %mul3A = arith.constant 128 : i32
    %mul3A_0 = arith.muli %arg0, %mul3A : i32
    %multiple_of3A = tpu.assume_multiple %mul3A_0, 128 : i32
    %get3A = arith.index_cast %multiple_of3A : i32 to index
    %get3A_1 = vector.load %arg1[%get3A] : memref<3072xf32, #tpu.memory_space<vmem>>, vector<128xf32>
    %get3A_2 = arith.index_cast %multiple_of3A : i32 to index
    %get3A_3 = vector.load %arg2[%get3A_2] : memref<3072xf32, #tpu.memory_space<vmem>>, vector<128xf32>
    %get3A_4 = arith.index_cast %multiple_of3A : i32 to index
    %get3A_5 = vector.load %arg3[%get3A_4] : memref<3072xf32, #tpu.memory_space<vmem>>, vector<128xf32>
    %iota3A = tpu.iota {dimensions = array<i32: 1>} : vector<64x128xi32>
    %slice3A = vector.extract_strided_slice %get3A_1 {offsets = [0], sizes = [64], strides = [1]} : vector<128xf32> to vector<64xf32>
    %broadcast_in_dim3A = vector.shape_cast %slice3A : vector<64xf32> to vector<64x1xf32>
    %slice3A_6 = vector.extract_strided_slice %get3A_3 {offsets = [0], sizes = [64], strides = [1]} : vector<128xf32> to vector<64xf32>
    %broadcast_in_dim3A_7 = vector.shape_cast %slice3A_6 : vector<64xf32> to vector<64x1xf32>
    %slice3A_8 = vector.extract_strided_slice %get3A_5 {offsets = [0], sizes = [64], strides = [1]} : vector<128xf32> to vector<64xf32>
    %broadcast_in_dim3A_9 = vector.shape_cast %slice3A_8 : vector<64xf32> to vector<64x1xf32>
    %broadcast_in_dim3A_10 = arith.constant 3.000000e+38 : f32
    %broadcast_in_dim3A_11 = vector.broadcast %broadcast_in_dim3A_10 : f32 to vector<64x128xf32>
    %broadcast_in_dim3A_12 = arith.constant 0 : i32
    %broadcast_in_dim3A_13 = vector.broadcast %broadcast_in_dim3A_12 : i32 to vector<64x128xi32>
    %scan3A = arith.constant 0 : i32
    %scan3A_14 = arith.constant 80 : i32
    %scan3A_15 = arith.addi %scan3A, %scan3A_14 : i32
    %scan3A_16 = arith.constant 16 : i32
    %scan3A_17:2 = scf.for %scan3A_180 = %scan3A to %scan3A_15 step %scan3A_16 iter_args(%scan3A_181 = %broadcast_in_dim3A_11, %scan3A_182 = %broadcast_in_dim3A_13) -> (vector<64x128xf32>, vector<64x128xi32>)  : i32 {
      %mul3A_183 = arith.constant 128 : i32
      %mul3A_184 = arith.muli %scan3A_180, %mul3A_183 : i32
      %get3A_185 = arith.index_cast %mul3A_184 : i32 to index
      %get3A_186 = vector.load %arg4[%get3A_185] : memref<10496xf32, #tpu.memory_space<vmem>>, vector<128xf32>
      %broadcast_in_dim3A_187 = vector.shape_cast %get3A_186 : vector<128xf32> to vector<1x128xf32>
      %sub3A_188 = vector.broadcast %broadcast_in_dim3A : vector<64x1xf32> to vector<64x128xf32>
      %sub3A_189 = vector.broadcast %broadcast_in_dim3A_187 : vector<1x128xf32> to vector<64x128xf32>
      %sub3A_190 = arith.subf %sub3A_188, %sub3A_189 : vector<64x128xf32>
      %get3A_191 = arith.index_cast %mul3A_184 : i32 to index
      %get3A_192 = vector.load %arg5[%get3A_191] : memref<10496xf32, #tpu.memory_space<vmem>>, vector<128xf32>
      %broadcast_in_dim3A_193 = vector.shape_cast %get3A_192 : vector<128xf32> to vector<1x128xf32>
      %sub3A_194 = vector.broadcast %broadcast_in_dim3A_7 : vector<64x1xf32> to vector<64x128xf32>
      %sub3A_195 = vector.broadcast %broadcast_in_dim3A_193 : vector<1x128xf32> to vector<64x128xf32>
      %sub3A_196 = arith.subf %sub3A_194, %sub3A_195 : vector<64x128xf32>
      %get3A_197 = arith.index_cast %mul3A_184 : i32 to index
      %get3A_198 = vector.load %arg6[%get3A_197] : memref<10496xf32, #tpu.memory_space<vmem>>, vector<128xf32>
      %broadcast_in_dim3A_199 = vector.shape_cast %get3A_198 : vector<128xf32> to vector<1x128xf32>
      %sub3A_200 = vector.broadcast %broadcast_in_dim3A_9 : vector<64x1xf32> to vector<64x128xf32>
      %sub3A_201 = vector.broadcast %broadcast_in_dim3A_199 : vector<1x128xf32> to vector<64x128xf32>
      %sub3A_202 = arith.subf %sub3A_200, %sub3A_201 : vector<64x128xf32>
      %mul3A_203 = arith.mulf %sub3A_190, %sub3A_190 : vector<64x128xf32>
      %mul3A_204 = arith.mulf %sub3A_196, %sub3A_196 : vector<64x128xf32>
      %add3A_205 = arith.addf %mul3A_203, %mul3A_204 : vector<64x128xf32>
      %mul3A_206 = arith.mulf %sub3A_202, %sub3A_202 : vector<64x128xf32>
      %add3A_207 = arith.addf %add3A_205, %mul3A_206 : vector<64x128xf32>
      %lt3A_208 = arith.cmpf olt, %add3A_207, %scan3A_181 : vector<64x128xf32>
      %broadcast_in_dim3A_209 = vector.broadcast %scan3A_180 : i32 to vector<64x128xi32>
      %select_n3A_210 = arith.select %lt3A_208, %broadcast_in_dim3A_209, %scan3A_182 : vector<64x128xi1>, vector<64x128xi32>
      %min3A_211 = arith.minimumf %add3A_207, %scan3A_181 : vector<64x128xf32>
      %scan3A_212 = arith.constant 1 : i32
      %scan3A_213 = arith.addi %scan3A_180, %scan3A_212 : i32
      %mul3A_214 = arith.constant 128 : i32
      %mul3A_215 = arith.muli %scan3A_213, %mul3A_214 : i32
      %get3A_216 = arith.index_cast %mul3A_215 : i32 to index
      %get3A_217 = vector.load %arg4[%get3A_216] : memref<10496xf32, #tpu.memory_space<vmem>>, vector<128xf32>
      %broadcast_in_dim3A_218 = vector.shape_cast %get3A_217 : vector<128xf32> to vector<1x128xf32>
      %sub3A_219 = vector.broadcast %broadcast_in_dim3A : vector<64x1xf32> to vector<64x128xf32>
      %sub3A_220 = vector.broadcast %broadcast_in_dim3A_218 : vector<1x128xf32> to vector<64x128xf32>
      %sub3A_221 = arith.subf %sub3A_219, %sub3A_220 : vector<64x128xf32>
      %get3A_222 = arith.index_cast %mul3A_215 : i32 to index
      %get3A_223 = vector.load %arg5[%get3A_222] : memref<10496xf32, #tpu.memory_space<vmem>>, vector<128xf32>
      %broadcast_in_dim3A_224 = vector.shape_cast %get3A_223 : vector<128xf32> to vector<1x128xf32>
      %sub3A_225 = vector.broadcast %broadcast_in_dim3A_7 : vector<64x1xf32> to vector<64x128xf32>
      %sub3A_226 = vector.broadcast %broadcast_in_dim3A_224 : vector<1x128xf32> to vector<64x128xf32>
      %sub3A_227 = arith.subf %sub3A_225, %sub3A_226 : vector<64x128xf32>
      %get3A_228 = arith.index_cast %mul3A_215 : i32 to index
      %get3A_229 = vector.load %arg6[%get3A_228] : memref<10496xf32, #tpu.memory_space<vmem>>, vector<128xf32>
      %broadcast_in_dim3A_230 = vector.shape_cast %get3A_229 : vector<128xf32> to vector<1x128xf32>
      %sub3A_231 = vector.broadcast %broadcast_in_dim3A_9 : vector<64x1xf32> to vector<64x128xf32>
      %sub3A_232 = vector.broadcast %broadcast_in_dim3A_230 : vector<1x128xf32> to vector<64x128xf32>
      %sub3A_233 = arith.subf %sub3A_231, %sub3A_232 : vector<64x128xf32>
      %mul3A_234 = arith.mulf %sub3A_221, %sub3A_221 : vector<64x128xf32>
      %mul3A_235 = arith.mulf %sub3A_227, %sub3A_227 : vector<64x128xf32>
      %add3A_236 = arith.addf %mul3A_234, %mul3A_235 : vector<64x128xf32>
      %mul3A_237 = arith.mulf %sub3A_233, %sub3A_233 : vector<64x128xf32>
      %add3A_238 = arith.addf %add3A_236, %mul3A_237 : vector<64x128xf32>
      %lt3A_239 = arith.cmpf olt, %add3A_238, %min3A_211 : vector<64x128xf32>
      %broadcast_in_dim3A_240 = vector.broadcast %scan3A_213 : i32 to vector<64x128xi32>
      %select_n3A_241 = arith.select %lt3A_239, %broadcast_in_dim3A_240, %select_n3A_210 : vector<64x128xi1>, vector<64x128xi32>
      %min3A_242 = arith.minimumf %add3A_238, %min3A_211 : vector<64x128xf32>
      %scan3A_243 = arith.constant 2 : i32
      %scan3A_244 = arith.addi %scan3A_180, %scan3A_243 : i32
      %mul3A_245 = arith.constant 128 : i32
      %mul3A_246 = arith.muli %scan3A_244, %mul3A_245 : i32
      %get3A_247 = arith.index_cast %mul3A_246 : i32 to index
      %get3A_248 = vector.load %arg4[%get3A_247] : memref<10496xf32, #tpu.memory_space<vmem>>, vector<128xf32>
      %broadcast_in_dim3A_249 = vector.shape_cast %get3A_248 : vector<128xf32> to vector<1x128xf32>
      %sub3A_250 = vector.broadcast %broadcast_in_dim3A : vector<64x1xf32> to vector<64x128xf32>
      %sub3A_251 = vector.broadcast %broadcast_in_dim3A_249 : vector<1x128xf32> to vector<64x128xf32>
      %sub3A_252 = arith.subf %sub3A_250, %sub3A_251 : vector<64x128xf32>
      %get3A_253 = arith.index_cast %mul3A_246 : i32 to index
      %get3A_254 = vector.load %arg5[%get3A_253] : memref<10496xf32, #tpu.memory_space<vmem>>, vector<128xf32>
      %broadcast_in_dim3A_255 = vector.shape_cast %get3A_254 : vector<128xf32> to vector<1x128xf32>
      %sub3A_256 = vector.broadcast %broadcast_in_dim3A_7 : vector<64x1xf32> to vector<64x128xf32>
      %sub3A_257 = vector.broadcast %broadcast_in_dim3A_255 : vector<1x128xf32> to vector<64x128xf32>
      %sub3A_258 = arith.subf %sub3A_256, %sub3A_257 : vector<64x128xf32>
      %get3A_259 = arith.index_cast %mul3A_246 : i32 to index
      %get3A_260 = vector.load %arg6[%get3A_259] : memref<10496xf32, #tpu.memory_space<vmem>>, vector<128xf32>
      %broadcast_in_dim3A_261 = vector.shape_cast %get3A_260 : vector<128xf32> to vector<1x128xf32>
      %sub3A_262 = vector.broadcast %broadcast_in_dim3A_9 : vector<64x1xf32> to vector<64x128xf32>
      %sub3A_263 = vector.broadcast %broadcast_in_dim3A_261 : vector<1x128xf32> to vector<64x128xf32>
      %sub3A_264 = arith.subf %sub3A_262, %sub3A_263 : vector<64x128xf32>
      %mul3A_265 = arith.mulf %sub3A_252, %sub3A_252 : vector<64x128xf32>
      %mul3A_266 = arith.mulf %sub3A_258, %sub3A_258 : vector<64x128xf32>
      %add3A_267 = arith.addf %mul3A_265, %mul3A_266 : vector<64x128xf32>
      %mul3A_268 = arith.mulf %sub3A_264, %sub3A_264 : vector<64x128xf32>
      %add3A_269 = arith.addf %add3A_267, %mul3A_268 : vector<64x128xf32>
      %lt3A_270 = arith.cmpf olt, %add3A_269, %min3A_242 : vector<64x128xf32>
      %broadcast_in_dim3A_271 = vector.broadcast %scan3A_244 : i32 to vector<64x128xi32>
      %select_n3A_272 = arith.select %lt3A_270, %broadcast_in_dim3A_271, %select_n3A_241 : vector<64x128xi1>, vector<64x128xi32>
      %min3A_273 = arith.minimumf %add3A_269, %min3A_242 : vector<64x128xf32>
      %scan3A_274 = arith.constant 3 : i32
      %scan3A_275 = arith.addi %scan3A_180, %scan3A_274 : i32
      %mul3A_276 = arith.constant 128 : i32
      %mul3A_277 = arith.muli %scan3A_275, %mul3A_276 : i32
      %get3A_278 = arith.index_cast %mul3A_277 : i32 to index
      %get3A_279 = vector.load %arg4[%get3A_278] : memref<10496xf32, #tpu.memory_space<vmem>>, vector<128xf32>
      %broadcast_in_dim3A_280 = vector.shape_cast %get3A_279 : vector<128xf32> to vector<1x128xf32>
      %sub3A_281 = vector.broadcast %broadcast_in_dim3A : vector<64x1xf32> to vector<64x128xf32>
      %sub3A_282 = vector.broadcast %broadcast_in_dim3A_280 : vector<1x128xf32> to vector<64x128xf32>
      %sub3A_283 = arith.subf %sub3A_281, %sub3A_282 : vector<64x128xf32>
      %get3A_284 = arith.index_cast %mul3A_277 : i32 to index
      %get3A_285 = vector.load %arg5[%get3A_284] : memref<10496xf32, #tpu.memory_space<vmem>>, vector<128xf32>
      %broadcast_in_dim3A_286 = vector.shape_cast %get3A_285 : vector<128xf32> to vector<1x128xf32>
      %sub3A_287 = vector.broadcast %broadcast_in_dim3A_7 : vector<64x1xf32> to vector<64x128xf32>
      %sub3A_288 = vector.broadcast %broadcast_in_dim3A_286 : vector<1x128xf32> to vector<64x128xf32>
      %sub3A_289 = arith.subf %sub3A_287, %sub3A_288 : vector<64x128xf32>
      %get3A_290 = arith.index_cast %mul3A_277 : i32 to index
      %get3A_291 = vector.load %arg6[%get3A_290] : memref<10496xf32, #tpu.memory_space<vmem>>, vector<128xf32>
      %broadcast_in_dim3A_292 = vector.shape_cast %get3A_291 : vector<128xf32> to vector<1x128xf32>
      %sub3A_293 = vector.broadcast %broadcast_in_dim3A_9 : vector<64x1xf32> to vector<64x128xf32>
      %sub3A_294 = vector.broadcast %broadcast_in_dim3A_292 : vector<1x128xf32> to vector<64x128xf32>
      %sub3A_295 = arith.subf %sub3A_293, %sub3A_294 : vector<64x128xf32>
      %mul3A_296 = arith.mulf %sub3A_283, %sub3A_283 : vector<64x128xf32>
      %mul3A_297 = arith.mulf %sub3A_289, %sub3A_289 : vector<64x128xf32>
      %add3A_298 = arith.addf %mul3A_296, %mul3A_297 : vector<64x128xf32>
      %mul3A_299 = arith.mulf %sub3A_295, %sub3A_295 : vector<64x128xf32>
      %add3A_300 = arith.addf %add3A_298, %mul3A_299 : vector<64x128xf32>
      %lt3A_301 = arith.cmpf olt, %add3A_300, %min3A_273 : vector<64x128xf32>
      %broadcast_in_dim3A_302 = vector.broadcast %scan3A_275 : i32 to vector<64x128xi32>
      %select_n3A_303 = arith.select %lt3A_301, %broadcast_in_dim3A_302, %select_n3A_272 : vector<64x128xi1>, vector<64x128xi32>
      %min3A_304 = arith.minimumf %add3A_300, %min3A_273 : vector<64x128xf32>
      %scan3A_305 = arith.constant 4 : i32
      %scan3A_306 = arith.addi %scan3A_180, %scan3A_305 : i32
      %mul3A_307 = arith.constant 128 : i32
      %mul3A_308 = arith.muli %scan3A_306, %mul3A_307 : i32
      %get3A_309 = arith.index_cast %mul3A_308 : i32 to index
      %get3A_310 = vector.load %arg4[%get3A_309] : memref<10496xf32, #tpu.memory_space<vmem>>, vector<128xf32>
      %broadcast_in_dim3A_311 = vector.shape_cast %get3A_310 : vector<128xf32> to vector<1x128xf32>
      %sub3A_312 = vector.broadcast %broadcast_in_dim3A : vector<64x1xf32> to vector<64x128xf32>
      %sub3A_313 = vector.broadcast %broadcast_in_dim3A_311 : vector<1x128xf32> to vector<64x128xf32>
      %sub3A_314 = arith.subf %sub3A_312, %sub3A_313 : vector<64x128xf32>
      %get3A_315 = arith.index_cast %mul3A_308 : i32 to index
      %get3A_316 = vector.load %arg5[%get3A_315] : memref<10496xf32, #tpu.memory_space<vmem>>, vector<128xf32>
      %broadcast_in_dim3A_317 = vector.shape_cast %get3A_316 : vector<128xf32> to vector<1x128xf32>
      %sub3A_318 = vector.broadcast %broadcast_in_dim3A_7 : vector<64x1xf32> to vector<64x128xf32>
      %sub3A_319 = vector.broadcast %broadcast_in_dim3A_317 : vector<1x128xf32> to vector<64x128xf32>
      %sub3A_320 = arith.subf %sub3A_318, %sub3A_319 : vector<64x128xf32>
      %get3A_321 = arith.index_cast %mul3A_308 : i32 to index
      %get3A_322 = vector.load %arg6[%get3A_321] : memref<10496xf32, #tpu.memory_space<vmem>>, vector<128xf32>
      %broadcast_in_dim3A_323 = vector.shape_cast %get3A_322 : vector<128xf32> to vector<1x128xf32>
      %sub3A_324 = vector.broadcast %broadcast_in_dim3A_9 : vector<64x1xf32> to vector<64x128xf32>
      %sub3A_325 = vector.broadcast %broadcast_in_dim3A_323 : vector<1x128xf32> to vector<64x128xf32>
      %sub3A_326 = arith.subf %sub3A_324, %sub3A_325 : vector<64x128xf32>
      %mul3A_327 = arith.mulf %sub3A_314, %sub3A_314 : vector<64x128xf32>
      %mul3A_328 = arith.mulf %sub3A_320, %sub3A_320 : vector<64x128xf32>
      %add3A_329 = arith.addf %mul3A_327, %mul3A_328 : vector<64x128xf32>
      %mul3A_330 = arith.mulf %sub3A_326, %sub3A_326 : vector<64x128xf32>
      %add3A_331 = arith.addf %add3A_329, %mul3A_330 : vector<64x128xf32>
      %lt3A_332 = arith.cmpf olt, %add3A_331, %min3A_304 : vector<64x128xf32>
      %broadcast_in_dim3A_333 = vector.broadcast %scan3A_306 : i32 to vector<64x128xi32>
      %select_n3A_334 = arith.select %lt3A_332, %broadcast_in_dim3A_333, %select_n3A_303 : vector<64x128xi1>, vector<64x128xi32>
      %min3A_335 = arith.minimumf %add3A_331, %min3A_304 : vector<64x128xf32>
      %scan3A_336 = arith.constant 5 : i32
      %scan3A_337 = arith.addi %scan3A_180, %scan3A_336 : i32
      %mul3A_338 = arith.constant 128 : i32
      %mul3A_339 = arith.muli %scan3A_337, %mul3A_338 : i32
      %get3A_340 = arith.index_cast %mul3A_339 : i32 to index
      %get3A_341 = vector.load %arg4[%get3A_340] : memref<10496xf32, #tpu.memory_space<vmem>>, vector<128xf32>
      %broadcast_in_dim3A_342 = vector.shape_cast %get3A_341 : vector<128xf32> to vector<1x128xf32>
      %sub3A_343 = vector.broadcast %broadcast_in_dim3A : vector<64x1xf32> to vector<64x128xf32>
      %sub3A_344 = vector.broadcast %broadcast_in_dim3A_342 : vector<1x128xf32> to vector<64x128xf32>
      %sub3A_345 = arith.subf %sub3A_343, %sub3A_344 : vector<64x128xf32>
      %get3A_346 = arith.index_cast %mul3A_339 : i32 to index
      %get3A_347 = vector.load %arg5[%get3A_346] : memref<10496xf32, #tpu.memory_space<vmem>>, vector<128xf32>
      %broadcast_in_dim3A_348 = vector.shape_cast %get3A_347 : vector<128xf32> to vector<1x128xf32>
      %sub3A_349 = vector.broadcast %broadcast_in_dim3A_7 : vector<64x1xf32> to vector<64x128xf32>
      %sub3A_350 = vector.broadcast %broadcast_in_dim3A_348 : vector<1x128xf32> to vector<64x128xf32>
      %sub3A_351 = arith.subf %sub3A_349, %sub3A_350 : vector<64x128xf32>
      %get3A_352 = arith.index_cast %mul3A_339 : i32 to index
      %get3A_353 = vector.load %arg6[%get3A_352] : memref<10496xf32, #tpu.memory_space<vmem>>, vector<128xf32>
      %broadcast_in_dim3A_354 = vector.shape_cast %get3A_353 : vector<128xf32> to vector<1x128xf32>
      %sub3A_355 = vector.broadcast %broadcast_in_dim3A_9 : vector<64x1xf32> to vector<64x128xf32>
      %sub3A_356 = vector.broadcast %broadcast_in_dim3A_354 : vector<1x128xf32> to vector<64x128xf32>
      %sub3A_357 = arith.subf %sub3A_355, %sub3A_356 : vector<64x128xf32>
      %mul3A_358 = arith.mulf %sub3A_345, %sub3A_345 : vector<64x128xf32>
      %mul3A_359 = arith.mulf %sub3A_351, %sub3A_351 : vector<64x128xf32>
      %add3A_360 = arith.addf %mul3A_358, %mul3A_359 : vector<64x128xf32>
      %mul3A_361 = arith.mulf %sub3A_357, %sub3A_357 : vector<64x128xf32>
      %add3A_362 = arith.addf %add3A_360, %mul3A_361 : vector<64x128xf32>
      %lt3A_363 = arith.cmpf olt, %add3A_362, %min3A_335 : vector<64x128xf32>
      %broadcast_in_dim3A_364 = vector.broadcast %scan3A_337 : i32 to vector<64x128xi32>
      %select_n3A_365 = arith.select %lt3A_363, %broadcast_in_dim3A_364, %select_n3A_334 : vector<64x128xi1>, vector<64x128xi32>
      %min3A_366 = arith.minimumf %add3A_362, %min3A_335 : vector<64x128xf32>
      %scan3A_367 = arith.constant 6 : i32
      %scan3A_368 = arith.addi %scan3A_180, %scan3A_367 : i32
      %mul3A_369 = arith.constant 128 : i32
      %mul3A_370 = arith.muli %scan3A_368, %mul3A_369 : i32
      %get3A_371 = arith.index_cast %mul3A_370 : i32 to index
      %get3A_372 = vector.load %arg4[%get3A_371] : memref<10496xf32, #tpu.memory_space<vmem>>, vector<128xf32>
      %broadcast_in_dim3A_373 = vector.shape_cast %get3A_372 : vector<128xf32> to vector<1x128xf32>
      %sub3A_374 = vector.broadcast %broadcast_in_dim3A : vector<64x1xf32> to vector<64x128xf32>
      %sub3A_375 = vector.broadcast %broadcast_in_dim3A_373 : vector<1x128xf32> to vector<64x128xf32>
      %sub3A_376 = arith.subf %sub3A_374, %sub3A_375 : vector<64x128xf32>
      %get3A_377 = arith.index_cast %mul3A_370 : i32 to index
      %get3A_378 = vector.load %arg5[%get3A_377] : memref<10496xf32, #tpu.memory_space<vmem>>, vector<128xf32>
      %broadcast_in_dim3A_379 = vector.shape_cast %get3A_378 : vector<128xf32> to vector<1x128xf32>
      %sub3A_380 = vector.broadcast %broadcast_in_dim3A_7 : vector<64x1xf32> to vector<64x128xf32>
      %sub3A_381 = vector.broadcast %broadcast_in_dim3A_379 : vector<1x128xf32> to vector<64x128xf32>
      %sub3A_382 = arith.subf %sub3A_380, %sub3A_381 : vector<64x128xf32>
      %get3A_383 = arith.index_cast %mul3A_370 : i32 to index
      %get3A_384 = vector.load %arg6[%get3A_383] : memref<10496xf32, #tpu.memory_space<vmem>>, vector<128xf32>
      %broadcast_in_dim3A_385 = vector.shape_cast %get3A_384 : vector<128xf32> to vector<1x128xf32>
      %sub3A_386 = vector.broadcast %broadcast_in_dim3A_9 : vector<64x1xf32> to vector<64x128xf32>
      %sub3A_387 = vector.broadcast %broadcast_in_dim3A_385 : vector<1x128xf32> to vector<64x128xf32>
      %sub3A_388 = arith.subf %sub3A_386, %sub3A_387 : vector<64x128xf32>
      %mul3A_389 = arith.mulf %sub3A_376, %sub3A_376 : vector<64x128xf32>
      %mul3A_390 = arith.mulf %sub3A_382, %sub3A_382 : vector<64x128xf32>
      %add3A_391 = arith.addf %mul3A_389, %mul3A_390 : vector<64x128xf32>
      %mul3A_392 = arith.mulf %sub3A_388, %sub3A_388 : vector<64x128xf32>
      %add3A_393 = arith.addf %add3A_391, %mul3A_392 : vector<64x128xf32>
      %lt3A_394 = arith.cmpf olt, %add3A_393, %min3A_366 : vector<64x128xf32>
      %broadcast_in_dim3A_395 = vector.broadcast %scan3A_368 : i32 to vector<64x128xi32>
      %select_n3A_396 = arith.select %lt3A_394, %broadcast_in_dim3A_395, %select_n3A_365 : vector<64x128xi1>, vector<64x128xi32>
      %min3A_397 = arith.minimumf %add3A_393, %min3A_366 : vector<64x128xf32>
      %scan3A_398 = arith.constant 7 : i32
      %scan3A_399 = arith.addi %scan3A_180, %scan3A_398 : i32
      %mul3A_400 = arith.constant 128 : i32
      %mul3A_401 = arith.muli %scan3A_399, %mul3A_400 : i32
      %get3A_402 = arith.index_cast %mul3A_401 : i32 to index
      %get3A_403 = vector.load %arg4[%get3A_402] : memref<10496xf32, #tpu.memory_space<vmem>>, vector<128xf32>
      %broadcast_in_dim3A_404 = vector.shape_cast %get3A_403 : vector<128xf32> to vector<1x128xf32>
      %sub3A_405 = vector.broadcast %broadcast_in_dim3A : vector<64x1xf32> to vector<64x128xf32>
      %sub3A_406 = vector.broadcast %broadcast_in_dim3A_404 : vector<1x128xf32> to vector<64x128xf32>
      %sub3A_407 = arith.subf %sub3A_405, %sub3A_406 : vector<64x128xf32>
      %get3A_408 = arith.index_cast %mul3A_401 : i32 to index
      %get3A_409 = vector.load %arg5[%get3A_408] : memref<10496xf32, #tpu.memory_space<vmem>>, vector<128xf32>
      %broadcast_in_dim3A_410 = vector.shape_cast %get3A_409 : vector<128xf32> to vector<1x128xf32>
      %sub3A_411 = vector.broadcast %broadcast_in_dim3A_7 : vector<64x1xf32> to vector<64x128xf32>
      %sub3A_412 = vector.broadcast %broadcast_in_dim3A_410 : vector<1x128xf32> to vector<64x128xf32>
      %sub3A_413 = arith.subf %sub3A_411, %sub3A_412 : vector<64x128xf32>
      %get3A_414 = arith.index_cast %mul3A_401 : i32 to index
      %get3A_415 = vector.load %arg6[%get3A_414] : memref<10496xf32, #tpu.memory_space<vmem>>, vector<128xf32>
      %broadcast_in_dim3A_416 = vector.shape_cast %get3A_415 : vector<128xf32> to vector<1x128xf32>
      %sub3A_417 = vector.broadcast %broadcast_in_dim3A_9 : vector<64x1xf32> to vector<64x128xf32>
      %sub3A_418 = vector.broadcast %broadcast_in_dim3A_416 : vector<1x128xf32> to vector<64x128xf32>
      %sub3A_419 = arith.subf %sub3A_417, %sub3A_418 : vector<64x128xf32>
      %mul3A_420 = arith.mulf %sub3A_407, %sub3A_407 : vector<64x128xf32>
      %mul3A_421 = arith.mulf %sub3A_413, %sub3A_413 : vector<64x128xf32>
      %add3A_422 = arith.addf %mul3A_420, %mul3A_421 : vector<64x128xf32>
      %mul3A_423 = arith.mulf %sub3A_419, %sub3A_419 : vector<64x128xf32>
      %add3A_424 = arith.addf %add3A_422, %mul3A_423 : vector<64x128xf32>
      %lt3A_425 = arith.cmpf olt, %add3A_424, %min3A_397 : vector<64x128xf32>
      %broadcast_in_dim3A_426 = vector.broadcast %scan3A_399 : i32 to vector<64x128xi32>
      %select_n3A_427 = arith.select %lt3A_425, %broadcast_in_dim3A_426, %select_n3A_396 : vector<64x128xi1>, vector<64x128xi32>
      %min3A_428 = arith.minimumf %add3A_424, %min3A_397 : vector<64x128xf32>
      %scan3A_429 = arith.constant 8 : i32
      %scan3A_430 = arith.addi %scan3A_180, %scan3A_429 : i32
      %mul3A_431 = arith.constant 128 : i32
      %mul3A_432 = arith.muli %scan3A_430, %mul3A_431 : i32
      %get3A_433 = arith.index_cast %mul3A_432 : i32 to index
      %get3A_434 = vector.load %arg4[%get3A_433] : memref<10496xf32, #tpu.memory_space<vmem>>, vector<128xf32>
      %broadcast_in_dim3A_435 = vector.shape_cast %get3A_434 : vector<128xf32> to vector<1x128xf32>
      %sub3A_436 = vector.broadcast %broadcast_in_dim3A : vector<64x1xf32> to vector<64x128xf32>
      %sub3A_437 = vector.broadcast %broadcast_in_dim3A_435 : vector<1x128xf32> to vector<64x128xf32>
      %sub3A_438 = arith.subf %sub3A_436, %sub3A_437 : vector<64x128xf32>
      %get3A_439 = arith.index_cast %mul3A_432 : i32 to index
      %get3A_440 = vector.load %arg5[%get3A_439] : memref<10496xf32, #tpu.memory_space<vmem>>, vector<128xf32>
      %broadcast_in_dim3A_441 = vector.shape_cast %get3A_440 : vector<128xf32> to vector<1x128xf32>
      %sub3A_442 = vector.broadcast %broadcast_in_dim3A_7 : vector<64x1xf32> to vector<64x128xf32>
      %sub3A_443 = vector.broadcast %broadcast_in_dim3A_441 : vector<1x128xf32> to vector<64x128xf32>
      %sub3A_444 = arith.subf %sub3A_442, %sub3A_443 : vector<64x128xf32>
      %get3A_445 = arith.index_cast %mul3A_432 : i32 to index
      %get3A_446 = vector.load %arg6[%get3A_445] : memref<10496xf32, #tpu.memory_space<vmem>>, vector<128xf32>
      %broadcast_in_dim3A_447 = vector.shape_cast %get3A_446 : vector<128xf32> to vector<1x128xf32>
      %sub3A_448 = vector.broadcast %broadcast_in_dim3A_9 : vector<64x1xf32> to vector<64x128xf32>
      %sub3A_449 = vector.broadcast %broadcast_in_dim3A_447 : vector<1x128xf32> to vector<64x128xf32>
      %sub3A_450 = arith.subf %sub3A_448, %sub3A_449 : vector<64x128xf32>
      %mul3A_451 = arith.mulf %sub3A_438, %sub3A_438 : vector<64x128xf32>
      %mul3A_452 = arith.mulf %sub3A_444, %sub3A_444 : vector<64x128xf32>
      %add3A_453 = arith.addf %mul3A_451, %mul3A_452 : vector<64x128xf32>
      %mul3A_454 = arith.mulf %sub3A_450, %sub3A_450 : vector<64x128xf32>
      %add3A_455 = arith.addf %add3A_453, %mul3A_454 : vector<64x128xf32>
      %lt3A_456 = arith.cmpf olt, %add3A_455, %min3A_428 : vector<64x128xf32>
      %broadcast_in_dim3A_457 = vector.broadcast %scan3A_430 : i32 to vector<64x128xi32>
      %select_n3A_458 = arith.select %lt3A_456, %broadcast_in_dim3A_457, %select_n3A_427 : vector<64x128xi1>, vector<64x128xi32>
      %min3A_459 = arith.minimumf %add3A_455, %min3A_428 : vector<64x128xf32>
      %scan3A_460 = arith.constant 9 : i32
      %scan3A_461 = arith.addi %scan3A_180, %scan3A_460 : i32
      %mul3A_462 = arith.constant 128 : i32
      %mul3A_463 = arith.muli %scan3A_461, %mul3A_462 : i32
      %get3A_464 = arith.index_cast %mul3A_463 : i32 to index
      %get3A_465 = vector.load %arg4[%get3A_464] : memref<10496xf32, #tpu.memory_space<vmem>>, vector<128xf32>
      %broadcast_in_dim3A_466 = vector.shape_cast %get3A_465 : vector<128xf32> to vector<1x128xf32>
      %sub3A_467 = vector.broadcast %broadcast_in_dim3A : vector<64x1xf32> to vector<64x128xf32>
      %sub3A_468 = vector.broadcast %broadcast_in_dim3A_466 : vector<1x128xf32> to vector<64x128xf32>
      %sub3A_469 = arith.subf %sub3A_467, %sub3A_468 : vector<64x128xf32>
      %get3A_470 = arith.index_cast %mul3A_463 : i32 to index
      %get3A_471 = vector.load %arg5[%get3A_470] : memref<10496xf32, #tpu.memory_space<vmem>>, vector<128xf32>
      %broadcast_in_dim3A_472 = vector.shape_cast %get3A_471 : vector<128xf32> to vector<1x128xf32>
      %sub3A_473 = vector.broadcast %broadcast_in_dim3A_7 : vector<64x1xf32> to vector<64x128xf32>
      %sub3A_474 = vector.broadcast %broadcast_in_dim3A_472 : vector<1x128xf32> to vector<64x128xf32>
      %sub3A_475 = arith.subf %sub3A_473, %sub3A_474 : vector<64x128xf32>
      %get3A_476 = arith.index_cast %mul3A_463 : i32 to index
      %get3A_477 = vector.load %arg6[%get3A_476] : memref<10496xf32, #tpu.memory_space<vmem>>, vector<128xf32>
      %broadcast_in_dim3A_478 = vector.shape_cast %get3A_477 : vector<128xf32> to vector<1x128xf32>
      %sub3A_479 = vector.broadcast %broadcast_in_dim3A_9 : vector<64x1xf32> to vector<64x128xf32>
      %sub3A_480 = vector.broadcast %broadcast_in_dim3A_478 : vector<1x128xf32> to vector<64x128xf32>
      %sub3A_481 = arith.subf %sub3A_479, %sub3A_480 : vector<64x128xf32>
      %mul3A_482 = arith.mulf %sub3A_469, %sub3A_469 : vector<64x128xf32>
      %mul3A_483 = arith.mulf %sub3A_475, %sub3A_475 : vector<64x128xf32>
      %add3A_484 = arith.addf %mul3A_482, %mul3A_483 : vector<64x128xf32>
      %mul3A_485 = arith.mulf %sub3A_481, %sub3A_481 : vector<64x128xf32>
      %add3A_486 = arith.addf %add3A_484, %mul3A_485 : vector<64x128xf32>
      %lt3A_487 = arith.cmpf olt, %add3A_486, %min3A_459 : vector<64x128xf32>
      %broadcast_in_dim3A_488 = vector.broadcast %scan3A_461 : i32 to vector<64x128xi32>
      %select_n3A_489 = arith.select %lt3A_487, %broadcast_in_dim3A_488, %select_n3A_458 : vector<64x128xi1>, vector<64x128xi32>
      %min3A_490 = arith.minimumf %add3A_486, %min3A_459 : vector<64x128xf32>
      %scan3A_491 = arith.constant 10 : i32
      %scan3A_492 = arith.addi %scan3A_180, %scan3A_491 : i32
      %mul3A_493 = arith.constant 128 : i32
      %mul3A_494 = arith.muli %scan3A_492, %mul3A_493 : i32
      %get3A_495 = arith.index_cast %mul3A_494 : i32 to index
      %get3A_496 = vector.load %arg4[%get3A_495] : memref<10496xf32, #tpu.memory_space<vmem>>, vector<128xf32>
      %broadcast_in_dim3A_497 = vector.shape_cast %get3A_496 : vector<128xf32> to vector<1x128xf32>
      %sub3A_498 = vector.broadcast %broadcast_in_dim3A : vector<64x1xf32> to vector<64x128xf32>
      %sub3A_499 = vector.broadcast %broadcast_in_dim3A_497 : vector<1x128xf32> to vector<64x128xf32>
      %sub3A_500 = arith.subf %sub3A_498, %sub3A_499 : vector<64x128xf32>
      %get3A_501 = arith.index_cast %mul3A_494 : i32 to index
      %get3A_502 = vector.load %arg5[%get3A_501] : memref<10496xf32, #tpu.memory_space<vmem>>, vector<128xf32>
      %broadcast_in_dim3A_503 = vector.shape_cast %get3A_502 : vector<128xf32> to vector<1x128xf32>
      %sub3A_504 = vector.broadcast %broadcast_in_dim3A_7 : vector<64x1xf32> to vector<64x128xf32>
      %sub3A_505 = vector.broadcast %broadcast_in_dim3A_503 : vector<1x128xf32> to vector<64x128xf32>
      %sub3A_506 = arith.subf %sub3A_504, %sub3A_505 : vector<64x128xf32>
      %get3A_507 = arith.index_cast %mul3A_494 : i32 to index
      %get3A_508 = vector.load %arg6[%get3A_507] : memref<10496xf32, #tpu.memory_space<vmem>>, vector<128xf32>
      %broadcast_in_dim3A_509 = vector.shape_cast %get3A_508 : vector<128xf32> to vector<1x128xf32>
      %sub3A_510 = vector.broadcast %broadcast_in_dim3A_9 : vector<64x1xf32> to vector<64x128xf32>
      %sub3A_511 = vector.broadcast %broadcast_in_dim3A_509 : vector<1x128xf32> to vector<64x128xf32>
      %sub3A_512 = arith.subf %sub3A_510, %sub3A_511 : vector<64x128xf32>
      %mul3A_513 = arith.mulf %sub3A_500, %sub3A_500 : vector<64x128xf32>
      %mul3A_514 = arith.mulf %sub3A_506, %sub3A_506 : vector<64x128xf32>
      %add3A_515 = arith.addf %mul3A_513, %mul3A_514 : vector<64x128xf32>
      %mul3A_516 = arith.mulf %sub3A_512, %sub3A_512 : vector<64x128xf32>
      %add3A_517 = arith.addf %add3A_515, %mul3A_516 : vector<64x128xf32>
      %lt3A_518 = arith.cmpf olt, %add3A_517, %min3A_490 : vector<64x128xf32>
      %broadcast_in_dim3A_519 = vector.broadcast %scan3A_492 : i32 to vector<64x128xi32>
      %select_n3A_520 = arith.select %lt3A_518, %broadcast_in_dim3A_519, %select_n3A_489 : vector<64x128xi1>, vector<64x128xi32>
      %min3A_521 = arith.minimumf %add3A_517, %min3A_490 : vector<64x128xf32>
      %scan3A_522 = arith.constant 11 : i32
      %scan3A_523 = arith.addi %scan3A_180, %scan3A_522 : i32
      %mul3A_524 = arith.constant 128 : i32
      %mul3A_525 = arith.muli %scan3A_523, %mul3A_524 : i32
      %get3A_526 = arith.index_cast %mul3A_525 : i32 to index
      %get3A_527 = vector.load %arg4[%get3A_526] : memref<10496xf32, #tpu.memory_space<vmem>>, vector<128xf32>
      %broadcast_in_dim3A_528 = vector.shape_cast %get3A_527 : vector<128xf32> to vector<1x128xf32>
      %sub3A_529 = vector.broadcast %broadcast_in_dim3A : vector<64x1xf32> to vector<64x128xf32>
      %sub3A_530 = vector.broadcast %broadcast_in_dim3A_528 : vector<1x128xf32> to vector<64x128xf32>
      %sub3A_531 = arith.subf %sub3A_529, %sub3A_530 : vector<64x128xf32>
      %get3A_532 = arith.index_cast %mul3A_525 : i32 to index
      %get3A_533 = vector.load %arg5[%get3A_532] : memref<10496xf32, #tpu.memory_space<vmem>>, vector<128xf32>
      %broadcast_in_dim3A_534 = vector.shape_cast %get3A_533 : vector<128xf32> to vector<1x128xf32>
      %sub3A_535 = vector.broadcast %broadcast_in_dim3A_7 : vector<64x1xf32> to vector<64x128xf32>
      %sub3A_536 = vector.broadcast %broadcast_in_dim3A_534 : vector<1x128xf32> to vector<64x128xf32>
      %sub3A_537 = arith.subf %sub3A_535, %sub3A_536 : vector<64x128xf32>
      %get3A_538 = arith.index_cast %mul3A_525 : i32 to index
      %get3A_539 = vector.load %arg6[%get3A_538] : memref<10496xf32, #tpu.memory_space<vmem>>, vector<128xf32>
      %broadcast_in_dim3A_540 = vector.shape_cast %get3A_539 : vector<128xf32> to vector<1x128xf32>
      %sub3A_541 = vector.broadcast %broadcast_in_dim3A_9 : vector<64x1xf32> to vector<64x128xf32>
      %sub3A_542 = vector.broadcast %broadcast_in_dim3A_540 : vector<1x128xf32> to vector<64x128xf32>
      %sub3A_543 = arith.subf %sub3A_541, %sub3A_542 : vector<64x128xf32>
      %mul3A_544 = arith.mulf %sub3A_531, %sub3A_531 : vector<64x128xf32>
      %mul3A_545 = arith.mulf %sub3A_537, %sub3A_537 : vector<64x128xf32>
      %add3A_546 = arith.addf %mul3A_544, %mul3A_545 : vector<64x128xf32>
      %mul3A_547 = arith.mulf %sub3A_543, %sub3A_543 : vector<64x128xf32>
      %add3A_548 = arith.addf %add3A_546, %mul3A_547 : vector<64x128xf32>
      %lt3A_549 = arith.cmpf olt, %add3A_548, %min3A_521 : vector<64x128xf32>
      %broadcast_in_dim3A_550 = vector.broadcast %scan3A_523 : i32 to vector<64x128xi32>
      %select_n3A_551 = arith.select %lt3A_549, %broadcast_in_dim3A_550, %select_n3A_520 : vector<64x128xi1>, vector<64x128xi32>
      %min3A_552 = arith.minimumf %add3A_548, %min3A_521 : vector<64x128xf32>
      %scan3A_553 = arith.constant 12 : i32
      %scan3A_554 = arith.addi %scan3A_180, %scan3A_553 : i32
      %mul3A_555 = arith.constant 128 : i32
      %mul3A_556 = arith.muli %scan3A_554, %mul3A_555 : i32
      %get3A_557 = arith.index_cast %mul3A_556 : i32 to index
      %get3A_558 = vector.load %arg4[%get3A_557] : memref<10496xf32, #tpu.memory_space<vmem>>, vector<128xf32>
      %broadcast_in_dim3A_559 = vector.shape_cast %get3A_558 : vector<128xf32> to vector<1x128xf32>
      %sub3A_560 = vector.broadcast %broadcast_in_dim3A : vector<64x1xf32> to vector<64x128xf32>
      %sub3A_561 = vector.broadcast %broadcast_in_dim3A_559 : vector<1x128xf32> to vector<64x128xf32>
      %sub3A_562 = arith.subf %sub3A_560, %sub3A_561 : vector<64x128xf32>
      %get3A_563 = arith.index_cast %mul3A_556 : i32 to index
      %get3A_564 = vector.load %arg5[%get3A_563] : memref<10496xf32, #tpu.memory_space<vmem>>, vector<128xf32>
      %broadcast_in_dim3A_565 = vector.shape_cast %get3A_564 : vector<128xf32> to vector<1x128xf32>
      %sub3A_566 = vector.broadcast %broadcast_in_dim3A_7 : vector<64x1xf32> to vector<64x128xf32>
      %sub3A_567 = vector.broadcast %broadcast_in_dim3A_565 : vector<1x128xf32> to vector<64x128xf32>
      %sub3A_568 = arith.subf %sub3A_566, %sub3A_567 : vector<64x128xf32>
      %get3A_569 = arith.index_cast %mul3A_556 : i32 to index
      %get3A_570 = vector.load %arg6[%get3A_569] : memref<10496xf32, #tpu.memory_space<vmem>>, vector<128xf32>
      %broadcast_in_dim3A_571 = vector.shape_cast %get3A_570 : vector<128xf32> to vector<1x128xf32>
      %sub3A_572 = vector.broadcast %broadcast_in_dim3A_9 : vector<64x1xf32> to vector<64x128xf32>
      %sub3A_573 = vector.broadcast %broadcast_in_dim3A_571 : vector<1x128xf32> to vector<64x128xf32>
      %sub3A_574 = arith.subf %sub3A_572, %sub3A_573 : vector<64x128xf32>
      %mul3A_575 = arith.mulf %sub3A_562, %sub3A_562 : vector<64x128xf32>
      %mul3A_576 = arith.mulf %sub3A_568, %sub3A_568 : vector<64x128xf32>
      %add3A_577 = arith.addf %mul3A_575, %mul3A_576 : vector<64x128xf32>
      %mul3A_578 = arith.mulf %sub3A_574, %sub3A_574 : vector<64x128xf32>
      %add3A_579 = arith.addf %add3A_577, %mul3A_578 : vector<64x128xf32>
      %lt3A_580 = arith.cmpf olt, %add3A_579, %min3A_552 : vector<64x128xf32>
      %broadcast_in_dim3A_581 = vector.broadcast %scan3A_554 : i32 to vector<64x128xi32>
      %select_n3A_582 = arith.select %lt3A_580, %broadcast_in_dim3A_581, %select_n3A_551 : vector<64x128xi1>, vector<64x128xi32>
      %min3A_583 = arith.minimumf %add3A_579, %min3A_552 : vector<64x128xf32>
      %scan3A_584 = arith.constant 13 : i32
      %scan3A_585 = arith.addi %scan3A_180, %scan3A_584 : i32
      %mul3A_586 = arith.constant 128 : i32
      %mul3A_587 = arith.muli %scan3A_585, %mul3A_586 : i32
      %get3A_588 = arith.index_cast %mul3A_587 : i32 to index
      %get3A_589 = vector.load %arg4[%get3A_588] : memref<10496xf32, #tpu.memory_space<vmem>>, vector<128xf32>
      %broadcast_in_dim3A_590 = vector.shape_cast %get3A_589 : vector<128xf32> to vector<1x128xf32>
      %sub3A_591 = vector.broadcast %broadcast_in_dim3A : vector<64x1xf32> to vector<64x128xf32>
      %sub3A_592 = vector.broadcast %broadcast_in_dim3A_590 : vector<1x128xf32> to vector<64x128xf32>
      %sub3A_593 = arith.subf %sub3A_591, %sub3A_592 : vector<64x128xf32>
      %get3A_594 = arith.index_cast %mul3A_587 : i32 to index
      %get3A_595 = vector.load %arg5[%get3A_594] : memref<10496xf32, #tpu.memory_space<vmem>>, vector<128xf32>
      %broadcast_in_dim3A_596 = vector.shape_cast %get3A_595 : vector<128xf32> to vector<1x128xf32>
      %sub3A_597 = vector.broadcast %broadcast_in_dim3A_7 : vector<64x1xf32> to vector<64x128xf32>
      %sub3A_598 = vector.broadcast %broadcast_in_dim3A_596 : vector<1x128xf32> to vector<64x128xf32>
      %sub3A_599 = arith.subf %sub3A_597, %sub3A_598 : vector<64x128xf32>
      %get3A_600 = arith.index_cast %mul3A_587 : i32 to index
      %get3A_601 = vector.load %arg6[%get3A_600] : memref<10496xf32, #tpu.memory_space<vmem>>, vector<128xf32>
      %broadcast_in_dim3A_602 = vector.shape_cast %get3A_601 : vector<128xf32> to vector<1x128xf32>
      %sub3A_603 = vector.broadcast %broadcast_in_dim3A_9 : vector<64x1xf32> to vector<64x128xf32>
      %sub3A_604 = vector.broadcast %broadcast_in_dim3A_602 : vector<1x128xf32> to vector<64x128xf32>
      %sub3A_605 = arith.subf %sub3A_603, %sub3A_604 : vector<64x128xf32>
      %mul3A_606 = arith.mulf %sub3A_593, %sub3A_593 : vector<64x128xf32>
      %mul3A_607 = arith.mulf %sub3A_599, %sub3A_599 : vector<64x128xf32>
      %add3A_608 = arith.addf %mul3A_606, %mul3A_607 : vector<64x128xf32>
      %mul3A_609 = arith.mulf %sub3A_605, %sub3A_605 : vector<64x128xf32>
      %add3A_610 = arith.addf %add3A_608, %mul3A_609 : vector<64x128xf32>
      %lt3A_611 = arith.cmpf olt, %add3A_610, %min3A_583 : vector<64x128xf32>
      %broadcast_in_dim3A_612 = vector.broadcast %scan3A_585 : i32 to vector<64x128xi32>
      %select_n3A_613 = arith.select %lt3A_611, %broadcast_in_dim3A_612, %select_n3A_582 : vector<64x128xi1>, vector<64x128xi32>
      %min3A_614 = arith.minimumf %add3A_610, %min3A_583 : vector<64x128xf32>
      %scan3A_615 = arith.constant 14 : i32
      %scan3A_616 = arith.addi %scan3A_180, %scan3A_615 : i32
      %mul3A_617 = arith.constant 128 : i32
      %mul3A_618 = arith.muli %scan3A_616, %mul3A_617 : i32
      %get3A_619 = arith.index_cast %mul3A_618 : i32 to index
      %get3A_620 = vector.load %arg4[%get3A_619] : memref<10496xf32, #tpu.memory_space<vmem>>, vector<128xf32>
      %broadcast_in_dim3A_621 = vector.shape_cast %get3A_620 : vector<128xf32> to vector<1x128xf32>
      %sub3A_622 = vector.broadcast %broadcast_in_dim3A : vector<64x1xf32> to vector<64x128xf32>
      %sub3A_623 = vector.broadcast %broadcast_in_dim3A_621 : vector<1x128xf32> to vector<64x128xf32>
      %sub3A_624 = arith.subf %sub3A_622, %sub3A_623 : vector<64x128xf32>
      %get3A_625 = arith.index_cast %mul3A_618 : i32 to index
      %get3A_626 = vector.load %arg5[%get3A_625] : memref<10496xf32, #tpu.memory_space<vmem>>, vector<128xf32>
      %broadcast_in_dim3A_627 = vector.shape_cast %get3A_626 : vector<128xf32> to vector<1x128xf32>
      %sub3A_628 = vector.broadcast %broadcast_in_dim3A_7 : vector<64x1xf32> to vector<64x128xf32>
      %sub3A_629 = vector.broadcast %broadcast_in_dim3A_627 : vector<1x128xf32> to vector<64x128xf32>
      %sub3A_630 = arith.subf %sub3A_628, %sub3A_629 : vector<64x128xf32>
      %get3A_631 = arith.index_cast %mul3A_618 : i32 to index
      %get3A_632 = vector.load %arg6[%get3A_631] : memref<10496xf32, #tpu.memory_space<vmem>>, vector<128xf32>
      %broadcast_in_dim3A_633 = vector.shape_cast %get3A_632 : vector<128xf32> to vector<1x128xf32>
      %sub3A_634 = vector.broadcast %broadcast_in_dim3A_9 : vector<64x1xf32> to vector<64x128xf32>
      %sub3A_635 = vector.broadcast %broadcast_in_dim3A_633 : vector<1x128xf32> to vector<64x128xf32>
      %sub3A_636 = arith.subf %sub3A_634, %sub3A_635 : vector<64x128xf32>
      %mul3A_637 = arith.mulf %sub3A_624, %sub3A_624 : vector<64x128xf32>
      %mul3A_638 = arith.mulf %sub3A_630, %sub3A_630 : vector<64x128xf32>
      %add3A_639 = arith.addf %mul3A_637, %mul3A_638 : vector<64x128xf32>
      %mul3A_640 = arith.mulf %sub3A_636, %sub3A_636 : vector<64x128xf32>
      %add3A_641 = arith.addf %add3A_639, %mul3A_640 : vector<64x128xf32>
      %lt3A_642 = arith.cmpf olt, %add3A_641, %min3A_614 : vector<64x128xf32>
      %broadcast_in_dim3A_643 = vector.broadcast %scan3A_616 : i32 to vector<64x128xi32>
      %select_n3A_644 = arith.select %lt3A_642, %broadcast_in_dim3A_643, %select_n3A_613 : vector<64x128xi1>, vector<64x128xi32>
      %min3A_645 = arith.minimumf %add3A_641, %min3A_614 : vector<64x128xf32>
      %scan3A_646 = arith.constant 15 : i32
      %scan3A_647 = arith.addi %scan3A_180, %scan3A_646 : i32
      %mul3A_648 = arith.constant 128 : i32
      %mul3A_649 = arith.muli %scan3A_647, %mul3A_648 : i32
      %get3A_650 = arith.index_cast %mul3A_649 : i32 to index
      %get3A_651 = vector.load %arg4[%get3A_650] : memref<10496xf32, #tpu.memory_space<vmem>>, vector<128xf32>
      %broadcast_in_dim3A_652 = vector.shape_cast %get3A_651 : vector<128xf32> to vector<1x128xf32>
      %sub3A_653 = vector.broadcast %broadcast_in_dim3A : vector<64x1xf32> to vector<64x128xf32>
      %sub3A_654 = vector.broadcast %broadcast_in_dim3A_652 : vector<1x128xf32> to vector<64x128xf32>
      %sub3A_655 = arith.subf %sub3A_653, %sub3A_654 : vector<64x128xf32>
      %get3A_656 = arith.index_cast %mul3A_649 : i32 to index
      %get3A_657 = vector.load %arg5[%get3A_656] : memref<10496xf32, #tpu.memory_space<vmem>>, vector<128xf32>
      %broadcast_in_dim3A_658 = vector.shape_cast %get3A_657 : vector<128xf32> to vector<1x128xf32>
      %sub3A_659 = vector.broadcast %broadcast_in_dim3A_7 : vector<64x1xf32> to vector<64x128xf32>
      %sub3A_660 = vector.broadcast %broadcast_in_dim3A_658 : vector<1x128xf32> to vector<64x128xf32>
      %sub3A_661 = arith.subf %sub3A_659, %sub3A_660 : vector<64x128xf32>
      %get3A_662 = arith.index_cast %mul3A_649 : i32 to index
      %get3A_663 = vector.load %arg6[%get3A_662] : memref<10496xf32, #tpu.memory_space<vmem>>, vector<128xf32>
      %broadcast_in_dim3A_664 = vector.shape_cast %get3A_663 : vector<128xf32> to vector<1x128xf32>
      %sub3A_665 = vector.broadcast %broadcast_in_dim3A_9 : vector<64x1xf32> to vector<64x128xf32>
      %sub3A_666 = vector.broadcast %broadcast_in_dim3A_664 : vector<1x128xf32> to vector<64x128xf32>
      %sub3A_667 = arith.subf %sub3A_665, %sub3A_666 : vector<64x128xf32>
      %mul3A_668 = arith.mulf %sub3A_655, %sub3A_655 : vector<64x128xf32>
      %mul3A_669 = arith.mulf %sub3A_661, %sub3A_661 : vector<64x128xf32>
      %add3A_670 = arith.addf %mul3A_668, %mul3A_669 : vector<64x128xf32>
      %mul3A_671 = arith.mulf %sub3A_667, %sub3A_667 : vector<64x128xf32>
      %add3A_672 = arith.addf %add3A_670, %mul3A_671 : vector<64x128xf32>
      %lt3A_673 = arith.cmpf olt, %add3A_672, %min3A_645 : vector<64x128xf32>
      %broadcast_in_dim3A_674 = vector.broadcast %scan3A_647 : i32 to vector<64x128xi32>
      %select_n3A_675 = arith.select %lt3A_673, %broadcast_in_dim3A_674, %select_n3A_644 : vector<64x128xi1>, vector<64x128xi32>
      %min3A_676 = arith.minimumf %add3A_672, %min3A_645 : vector<64x128xf32>
      scf.yield %min3A_676, %select_n3A_675 : vector<64x128xf32>, vector<64x128xi32>
    }
    %scan3A_18 = arith.constant 80 : i32
    %scan3A_19 = arith.addi %scan3A, %scan3A_18 : i32
    %mul3A_20 = arith.constant 128 : i32
    %mul3A_21 = arith.muli %scan3A_19, %mul3A_20 : i32
    %get3A_22 = arith.index_cast %mul3A_21 : i32 to index
    %get3A_23 = vector.load %arg4[%get3A_22] : memref<10496xf32, #tpu.memory_space<vmem>>, vector<128xf32>
    %broadcast_in_dim3A_24 = vector.shape_cast %get3A_23 : vector<128xf32> to vector<1x128xf32>
    %sub3A = vector.broadcast %broadcast_in_dim3A : vector<64x1xf32> to vector<64x128xf32>
    %sub3A_25 = vector.broadcast %broadcast_in_dim3A_24 : vector<1x128xf32> to vector<64x128xf32>
    %sub3A_26 = arith.subf %sub3A, %sub3A_25 : vector<64x128xf32>
    %get3A_27 = arith.index_cast %mul3A_21 : i32 to index
    %get3A_28 = vector.load %arg5[%get3A_27] : memref<10496xf32, #tpu.memory_space<vmem>>, vector<128xf32>
    %broadcast_in_dim3A_29 = vector.shape_cast %get3A_28 : vector<128xf32> to vector<1x128xf32>
    %sub3A_30 = vector.broadcast %broadcast_in_dim3A_7 : vector<64x1xf32> to vector<64x128xf32>
    %sub3A_31 = vector.broadcast %broadcast_in_dim3A_29 : vector<1x128xf32> to vector<64x128xf32>
    %sub3A_32 = arith.subf %sub3A_30, %sub3A_31 : vector<64x128xf32>
    %get3A_33 = arith.index_cast %mul3A_21 : i32 to index
    %get3A_34 = vector.load %arg6[%get3A_33] : memref<10496xf32, #tpu.memory_space<vmem>>, vector<128xf32>
    %broadcast_in_dim3A_35 = vector.shape_cast %get3A_34 : vector<128xf32> to vector<1x128xf32>
    %sub3A_36 = vector.broadcast %broadcast_in_dim3A_9 : vector<64x1xf32> to vector<64x128xf32>
    %sub3A_37 = vector.broadcast %broadcast_in_dim3A_35 : vector<1x128xf32> to vector<64x128xf32>
    %sub3A_38 = arith.subf %sub3A_36, %sub3A_37 : vector<64x128xf32>
    %mul3A_39 = arith.mulf %sub3A_26, %sub3A_26 : vector<64x128xf32>
    %mul3A_40 = arith.mulf %sub3A_32, %sub3A_32 : vector<64x128xf32>
    %add3A = arith.addf %mul3A_39, %mul3A_40 : vector<64x128xf32>
    %mul3A_41 = arith.mulf %sub3A_38, %sub3A_38 : vector<64x128xf32>
    %add3A_42 = arith.addf %add3A, %mul3A_41 : vector<64x128xf32>
    %lt3A = arith.cmpf olt, %add3A_42, %scan3A_17#0 : vector<64x128xf32>
    %broadcast_in_dim3A_43 = vector.broadcast %scan3A_19 : i32 to vector<64x128xi32>
    %select_n3A = arith.select %lt3A, %broadcast_in_dim3A_43, %scan3A_17#1 : vector<64x128xi1>, vector<64x128xi32>
    %min3A = arith.minimumf %add3A_42, %scan3A_17#0 : vector<64x128xf32>
    %scan3A_44 = arith.constant 81 : i32
    %scan3A_45 = arith.addi %scan3A, %scan3A_44 : i32
    %mul3A_46 = arith.constant 128 : i32
    %mul3A_47 = arith.muli %scan3A_45, %mul3A_46 : i32
    %get3A_48 = arith.index_cast %mul3A_47 : i32 to index
    %get3A_49 = vector.load %arg4[%get3A_48] : memref<10496xf32, #tpu.memory_space<vmem>>, vector<128xf32>
    %broadcast_in_dim3A_50 = vector.shape_cast %get3A_49 : vector<128xf32> to vector<1x128xf32>
    %sub3A_51 = vector.broadcast %broadcast_in_dim3A : vector<64x1xf32> to vector<64x128xf32>
    %sub3A_52 = vector.broadcast %broadcast_in_dim3A_50 : vector<1x128xf32> to vector<64x128xf32>
    %sub3A_53 = arith.subf %sub3A_51, %sub3A_52 : vector<64x128xf32>
    %get3A_54 = arith.index_cast %mul3A_47 : i32 to index
    %get3A_55 = vector.load %arg5[%get3A_54] : memref<10496xf32, #tpu.memory_space<vmem>>, vector<128xf32>
    %broadcast_in_dim3A_56 = vector.shape_cast %get3A_55 : vector<128xf32> to vector<1x128xf32>
    %sub3A_57 = vector.broadcast %broadcast_in_dim3A_7 : vector<64x1xf32> to vector<64x128xf32>
    %sub3A_58 = vector.broadcast %broadcast_in_dim3A_56 : vector<1x128xf32> to vector<64x128xf32>
    %sub3A_59 = arith.subf %sub3A_57, %sub3A_58 : vector<64x128xf32>
    %get3A_60 = arith.index_cast %mul3A_47 : i32 to index
    %get3A_61 = vector.load %arg6[%get3A_60] : memref<10496xf32, #tpu.memory_space<vmem>>, vector<128xf32>
    %broadcast_in_dim3A_62 = vector.shape_cast %get3A_61 : vector<128xf32> to vector<1x128xf32>
    %sub3A_63 = vector.broadcast %broadcast_in_dim3A_9 : vector<64x1xf32> to vector<64x128xf32>
    %sub3A_64 = vector.broadcast %broadcast_in_dim3A_62 : vector<1x128xf32> to vector<64x128xf32>
    %sub3A_65 = arith.subf %sub3A_63, %sub3A_64 : vector<64x128xf32>
    %mul3A_66 = arith.mulf %sub3A_53, %sub3A_53 : vector<64x128xf32>
    %mul3A_67 = arith.mulf %sub3A_59, %sub3A_59 : vector<64x128xf32>
    %add3A_68 = arith.addf %mul3A_66, %mul3A_67 : vector<64x128xf32>
    %mul3A_69 = arith.mulf %sub3A_65, %sub3A_65 : vector<64x128xf32>
    %add3A_70 = arith.addf %add3A_68, %mul3A_69 : vector<64x128xf32>
    %lt3A_71 = arith.cmpf olt, %add3A_70, %min3A : vector<64x128xf32>
    %broadcast_in_dim3A_72 = vector.broadcast %scan3A_45 : i32 to vector<64x128xi32>
    %select_n3A_73 = arith.select %lt3A_71, %broadcast_in_dim3A_72, %select_n3A : vector<64x128xi1>, vector<64x128xi32>
    %min3A_74 = arith.minimumf %add3A_70, %min3A : vector<64x128xf32>
    %scan3A_75 = arith.constant 82 : i32
    %slice3A_76 = vector.extract_strided_slice %get3A_1 {offsets = [64], sizes = [64], strides = [1]} : vector<128xf32> to vector<64xf32>
    %broadcast_in_dim3A_77 = vector.shape_cast %slice3A_76 : vector<64xf32> to vector<64x1xf32>
    %slice3A_78 = vector.extract_strided_slice %get3A_3 {offsets = [64], sizes = [64], strides = [1]} : vector<128xf32> to vector<64xf32>
    %broadcast_in_dim3A_79 = vector.shape_cast %slice3A_78 : vector<64xf32> to vector<64x1xf32>
    %slice3A_80 = vector.extract_strided_slice %get3A_5 {offsets = [64], sizes = [64], strides = [1]} : vector<128xf32> to vector<64xf32>
    %broadcast_in_dim3A_81 = vector.shape_cast %slice3A_80 : vector<64xf32> to vector<64x1xf32>
    %broadcast_in_dim3A_82 = arith.constant 3.000000e+38 : f32
    %broadcast_in_dim3A_83 = vector.broadcast %broadcast_in_dim3A_82 : f32 to vector<64x128xf32>
    %broadcast_in_dim3A_84 = arith.constant 0 : i32
    %broadcast_in_dim3A_85 = vector.broadcast %broadcast_in_dim3A_84 : i32 to vector<64x128xi32>
    %scan3A_86 = arith.constant 0 : i32
    %scan3A_87 = arith.constant 80 : i32
    %scan3A_88 = arith.addi %scan3A_86, %scan3A_87 : i32
    %scan3A_89 = arith.constant 16 : i32
    %scan3A_90:2 = scf.for %scan3A_180 = %scan3A_86 to %scan3A_88 step %scan3A_89 iter_args(%scan3A_181 = %broadcast_in_dim3A_83, %scan3A_182 = %broadcast_in_dim3A_85) -> (vector<64x128xf32>, vector<64x128xi32>)  : i32 {
      %mul3A_183 = arith.constant 128 : i32
      %mul3A_184 = arith.muli %scan3A_180, %mul3A_183 : i32
      %get3A_185 = arith.index_cast %mul3A_184 : i32 to index
      %get3A_186 = vector.load %arg4[%get3A_185] : memref<10496xf32, #tpu.memory_space<vmem>>, vector<128xf32>
      %broadcast_in_dim3A_187 = vector.shape_cast %get3A_186 : vector<128xf32> to vector<1x128xf32>
      %sub3A_188 = vector.broadcast %broadcast_in_dim3A_77 : vector<64x1xf32> to vector<64x128xf32>
      %sub3A_189 = vector.broadcast %broadcast_in_dim3A_187 : vector<1x128xf32> to vector<64x128xf32>
      %sub3A_190 = arith.subf %sub3A_188, %sub3A_189 : vector<64x128xf32>
      %get3A_191 = arith.index_cast %mul3A_184 : i32 to index
      %get3A_192 = vector.load %arg5[%get3A_191] : memref<10496xf32, #tpu.memory_space<vmem>>, vector<128xf32>
      %broadcast_in_dim3A_193 = vector.shape_cast %get3A_192 : vector<128xf32> to vector<1x128xf32>
      %sub3A_194 = vector.broadcast %broadcast_in_dim3A_79 : vector<64x1xf32> to vector<64x128xf32>
      %sub3A_195 = vector.broadcast %broadcast_in_dim3A_193 : vector<1x128xf32> to vector<64x128xf32>
      %sub3A_196 = arith.subf %sub3A_194, %sub3A_195 : vector<64x128xf32>
      %get3A_197 = arith.index_cast %mul3A_184 : i32 to index
      %get3A_198 = vector.load %arg6[%get3A_197] : memref<10496xf32, #tpu.memory_space<vmem>>, vector<128xf32>
      %broadcast_in_dim3A_199 = vector.shape_cast %get3A_198 : vector<128xf32> to vector<1x128xf32>
      %sub3A_200 = vector.broadcast %broadcast_in_dim3A_81 : vector<64x1xf32> to vector<64x128xf32>
      %sub3A_201 = vector.broadcast %broadcast_in_dim3A_199 : vector<1x128xf32> to vector<64x128xf32>
      %sub3A_202 = arith.subf %sub3A_200, %sub3A_201 : vector<64x128xf32>
      %mul3A_203 = arith.mulf %sub3A_190, %sub3A_190 : vector<64x128xf32>
      %mul3A_204 = arith.mulf %sub3A_196, %sub3A_196 : vector<64x128xf32>
      %add3A_205 = arith.addf %mul3A_203, %mul3A_204 : vector<64x128xf32>
      %mul3A_206 = arith.mulf %sub3A_202, %sub3A_202 : vector<64x128xf32>
      %add3A_207 = arith.addf %add3A_205, %mul3A_206 : vector<64x128xf32>
      %lt3A_208 = arith.cmpf olt, %add3A_207, %scan3A_181 : vector<64x128xf32>
      %broadcast_in_dim3A_209 = vector.broadcast %scan3A_180 : i32 to vector<64x128xi32>
      %select_n3A_210 = arith.select %lt3A_208, %broadcast_in_dim3A_209, %scan3A_182 : vector<64x128xi1>, vector<64x128xi32>
      %min3A_211 = arith.minimumf %add3A_207, %scan3A_181 : vector<64x128xf32>
      %scan3A_212 = arith.constant 1 : i32
      %scan3A_213 = arith.addi %scan3A_180, %scan3A_212 : i32
      %mul3A_214 = arith.constant 128 : i32
      %mul3A_215 = arith.muli %scan3A_213, %mul3A_214 : i32
      %get3A_216 = arith.index_cast %mul3A_215 : i32 to index
      %get3A_217 = vector.load %arg4[%get3A_216] : memref<10496xf32, #tpu.memory_space<vmem>>, vector<128xf32>
      %broadcast_in_dim3A_218 = vector.shape_cast %get3A_217 : vector<128xf32> to vector<1x128xf32>
      %sub3A_219 = vector.broadcast %broadcast_in_dim3A_77 : vector<64x1xf32> to vector<64x128xf32>
      %sub3A_220 = vector.broadcast %broadcast_in_dim3A_218 : vector<1x128xf32> to vector<64x128xf32>
      %sub3A_221 = arith.subf %sub3A_219, %sub3A_220 : vector<64x128xf32>
      %get3A_222 = arith.index_cast %mul3A_215 : i32 to index
      %get3A_223 = vector.load %arg5[%get3A_222] : memref<10496xf32, #tpu.memory_space<vmem>>, vector<128xf32>
      %broadcast_in_dim3A_224 = vector.shape_cast %get3A_223 : vector<128xf32> to vector<1x128xf32>
      %sub3A_225 = vector.broadcast %broadcast_in_dim3A_79 : vector<64x1xf32> to vector<64x128xf32>
      %sub3A_226 = vector.broadcast %broadcast_in_dim3A_224 : vector<1x128xf32> to vector<64x128xf32>
      %sub3A_227 = arith.subf %sub3A_225, %sub3A_226 : vector<64x128xf32>
      %get3A_228 = arith.index_cast %mul3A_215 : i32 to index
      %get3A_229 = vector.load %arg6[%get3A_228] : memref<10496xf32, #tpu.memory_space<vmem>>, vector<128xf32>
      %broadcast_in_dim3A_230 = vector.shape_cast %get3A_229 : vector<128xf32> to vector<1x128xf32>
      %sub3A_231 = vector.broadcast %broadcast_in_dim3A_81 : vector<64x1xf32> to vector<64x128xf32>
      %sub3A_232 = vector.broadcast %broadcast_in_dim3A_230 : vector<1x128xf32> to vector<64x128xf32>
      %sub3A_233 = arith.subf %sub3A_231, %sub3A_232 : vector<64x128xf32>
      %mul3A_234 = arith.mulf %sub3A_221, %sub3A_221 : vector<64x128xf32>
      %mul3A_235 = arith.mulf %sub3A_227, %sub3A_227 : vector<64x128xf32>
      %add3A_236 = arith.addf %mul3A_234, %mul3A_235 : vector<64x128xf32>
      %mul3A_237 = arith.mulf %sub3A_233, %sub3A_233 : vector<64x128xf32>
      %add3A_238 = arith.addf %add3A_236, %mul3A_237 : vector<64x128xf32>
      %lt3A_239 = arith.cmpf olt, %add3A_238, %min3A_211 : vector<64x128xf32>
      %broadcast_in_dim3A_240 = vector.broadcast %scan3A_213 : i32 to vector<64x128xi32>
      %select_n3A_241 = arith.select %lt3A_239, %broadcast_in_dim3A_240, %select_n3A_210 : vector<64x128xi1>, vector<64x128xi32>
      %min3A_242 = arith.minimumf %add3A_238, %min3A_211 : vector<64x128xf32>
      %scan3A_243 = arith.constant 2 : i32
      %scan3A_244 = arith.addi %scan3A_180, %scan3A_243 : i32
      %mul3A_245 = arith.constant 128 : i32
      %mul3A_246 = arith.muli %scan3A_244, %mul3A_245 : i32
      %get3A_247 = arith.index_cast %mul3A_246 : i32 to index
      %get3A_248 = vector.load %arg4[%get3A_247] : memref<10496xf32, #tpu.memory_space<vmem>>, vector<128xf32>
      %broadcast_in_dim3A_249 = vector.shape_cast %get3A_248 : vector<128xf32> to vector<1x128xf32>
      %sub3A_250 = vector.broadcast %broadcast_in_dim3A_77 : vector<64x1xf32> to vector<64x128xf32>
      %sub3A_251 = vector.broadcast %broadcast_in_dim3A_249 : vector<1x128xf32> to vector<64x128xf32>
      %sub3A_252 = arith.subf %sub3A_250, %sub3A_251 : vector<64x128xf32>
      %get3A_253 = arith.index_cast %mul3A_246 : i32 to index
      %get3A_254 = vector.load %arg5[%get3A_253] : memref<10496xf32, #tpu.memory_space<vmem>>, vector<128xf32>
      %broadcast_in_dim3A_255 = vector.shape_cast %get3A_254 : vector<128xf32> to vector<1x128xf32>
      %sub3A_256 = vector.broadcast %broadcast_in_dim3A_79 : vector<64x1xf32> to vector<64x128xf32>
      %sub3A_257 = vector.broadcast %broadcast_in_dim3A_255 : vector<1x128xf32> to vector<64x128xf32>
      %sub3A_258 = arith.subf %sub3A_256, %sub3A_257 : vector<64x128xf32>
      %get3A_259 = arith.index_cast %mul3A_246 : i32 to index
      %get3A_260 = vector.load %arg6[%get3A_259] : memref<10496xf32, #tpu.memory_space<vmem>>, vector<128xf32>
      %broadcast_in_dim3A_261 = vector.shape_cast %get3A_260 : vector<128xf32> to vector<1x128xf32>
      %sub3A_262 = vector.broadcast %broadcast_in_dim3A_81 : vector<64x1xf32> to vector<64x128xf32>
      %sub3A_263 = vector.broadcast %broadcast_in_dim3A_261 : vector<1x128xf32> to vector<64x128xf32>
      %sub3A_264 = arith.subf %sub3A_262, %sub3A_263 : vector<64x128xf32>
      %mul3A_265 = arith.mulf %sub3A_252, %sub3A_252 : vector<64x128xf32>
      %mul3A_266 = arith.mulf %sub3A_258, %sub3A_258 : vector<64x128xf32>
      %add3A_267 = arith.addf %mul3A_265, %mul3A_266 : vector<64x128xf32>
      %mul3A_268 = arith.mulf %sub3A_264, %sub3A_264 : vector<64x128xf32>
      %add3A_269 = arith.addf %add3A_267, %mul3A_268 : vector<64x128xf32>
      %lt3A_270 = arith.cmpf olt, %add3A_269, %min3A_242 : vector<64x128xf32>
      %broadcast_in_dim3A_271 = vector.broadcast %scan3A_244 : i32 to vector<64x128xi32>
      %select_n3A_272 = arith.select %lt3A_270, %broadcast_in_dim3A_271, %select_n3A_241 : vector<64x128xi1>, vector<64x128xi32>
      %min3A_273 = arith.minimumf %add3A_269, %min3A_242 : vector<64x128xf32>
      %scan3A_274 = arith.constant 3 : i32
      %scan3A_275 = arith.addi %scan3A_180, %scan3A_274 : i32
      %mul3A_276 = arith.constant 128 : i32
      %mul3A_277 = arith.muli %scan3A_275, %mul3A_276 : i32
      %get3A_278 = arith.index_cast %mul3A_277 : i32 to index
      %get3A_279 = vector.load %arg4[%get3A_278] : memref<10496xf32, #tpu.memory_space<vmem>>, vector<128xf32>
      %broadcast_in_dim3A_280 = vector.shape_cast %get3A_279 : vector<128xf32> to vector<1x128xf32>
      %sub3A_281 = vector.broadcast %broadcast_in_dim3A_77 : vector<64x1xf32> to vector<64x128xf32>
      %sub3A_282 = vector.broadcast %broadcast_in_dim3A_280 : vector<1x128xf32> to vector<64x128xf32>
      %sub3A_283 = arith.subf %sub3A_281, %sub3A_282 : vector<64x128xf32>
      %get3A_284 = arith.index_cast %mul3A_277 : i32 to index
      %get3A_285 = vector.load %arg5[%get3A_284] : memref<10496xf32, #tpu.memory_space<vmem>>, vector<128xf32>
      %broadcast_in_dim3A_286 = vector.shape_cast %get3A_285 : vector<128xf32> to vector<1x128xf32>
      %sub3A_287 = vector.broadcast %broadcast_in_dim3A_79 : vector<64x1xf32> to vector<64x128xf32>
      %sub3A_288 = vector.broadcast %broadcast_in_dim3A_286 : vector<1x128xf32> to vector<64x128xf32>
      %sub3A_289 = arith.subf %sub3A_287, %sub3A_288 : vector<64x128xf32>
      %get3A_290 = arith.index_cast %mul3A_277 : i32 to index
      %get3A_291 = vector.load %arg6[%get3A_290] : memref<10496xf32, #tpu.memory_space<vmem>>, vector<128xf32>
      %broadcast_in_dim3A_292 = vector.shape_cast %get3A_291 : vector<128xf32> to vector<1x128xf32>
      %sub3A_293 = vector.broadcast %broadcast_in_dim3A_81 : vector<64x1xf32> to vector<64x128xf32>
      %sub3A_294 = vector.broadcast %broadcast_in_dim3A_292 : vector<1x128xf32> to vector<64x128xf32>
      %sub3A_295 = arith.subf %sub3A_293, %sub3A_294 : vector<64x128xf32>
      %mul3A_296 = arith.mulf %sub3A_283, %sub3A_283 : vector<64x128xf32>
      %mul3A_297 = arith.mulf %sub3A_289, %sub3A_289 : vector<64x128xf32>
      %add3A_298 = arith.addf %mul3A_296, %mul3A_297 : vector<64x128xf32>
      %mul3A_299 = arith.mulf %sub3A_295, %sub3A_295 : vector<64x128xf32>
      %add3A_300 = arith.addf %add3A_298, %mul3A_299 : vector<64x128xf32>
      %lt3A_301 = arith.cmpf olt, %add3A_300, %min3A_273 : vector<64x128xf32>
      %broadcast_in_dim3A_302 = vector.broadcast %scan3A_275 : i32 to vector<64x128xi32>
      %select_n3A_303 = arith.select %lt3A_301, %broadcast_in_dim3A_302, %select_n3A_272 : vector<64x128xi1>, vector<64x128xi32>
      %min3A_304 = arith.minimumf %add3A_300, %min3A_273 : vector<64x128xf32>
      %scan3A_305 = arith.constant 4 : i32
      %scan3A_306 = arith.addi %scan3A_180, %scan3A_305 : i32
      %mul3A_307 = arith.constant 128 : i32
      %mul3A_308 = arith.muli %scan3A_306, %mul3A_307 : i32
      %get3A_309 = arith.index_cast %mul3A_308 : i32 to index
      %get3A_310 = vector.load %arg4[%get3A_309] : memref<10496xf32, #tpu.memory_space<vmem>>, vector<128xf32>
      %broadcast_in_dim3A_311 = vector.shape_cast %get3A_310 : vector<128xf32> to vector<1x128xf32>
      %sub3A_312 = vector.broadcast %broadcast_in_dim3A_77 : vector<64x1xf32> to vector<64x128xf32>
      %sub3A_313 = vector.broadcast %broadcast_in_dim3A_311 : vector<1x128xf32> to vector<64x128xf32>
      %sub3A_314 = arith.subf %sub3A_312, %sub3A_313 : vector<64x128xf32>
      %get3A_315 = arith.index_cast %mul3A_308 : i32 to index
      %get3A_316 = vector.load %arg5[%get3A_315] : memref<10496xf32, #tpu.memory_space<vmem>>, vector<128xf32>
      %broadcast_in_dim3A_317 = vector.shape_cast %get3A_316 : vector<128xf32> to vector<1x128xf32>
      %sub3A_318 = vector.broadcast %broadcast_in_dim3A_79 : vector<64x1xf32> to vector<64x128xf32>
      %sub3A_319 = vector.broadcast %broadcast_in_dim3A_317 : vector<1x128xf32> to vector<64x128xf32>
      %sub3A_320 = arith.subf %sub3A_318, %sub3A_319 : vector<64x128xf32>
      %get3A_321 = arith.index_cast %mul3A_308 : i32 to index
      %get3A_322 = vector.load %arg6[%get3A_321] : memref<10496xf32, #tpu.memory_space<vmem>>, vector<128xf32>
      %broadcast_in_dim3A_323 = vector.shape_cast %get3A_322 : vector<128xf32> to vector<1x128xf32>
      %sub3A_324 = vector.broadcast %broadcast_in_dim3A_81 : vector<64x1xf32> to vector<64x128xf32>
      %sub3A_325 = vector.broadcast %broadcast_in_dim3A_323 : vector<1x128xf32> to vector<64x128xf32>
      %sub3A_326 = arith.subf %sub3A_324, %sub3A_325 : vector<64x128xf32>
      %mul3A_327 = arith.mulf %sub3A_314, %sub3A_314 : vector<64x128xf32>
      %mul3A_328 = arith.mulf %sub3A_320, %sub3A_320 : vector<64x128xf32>
      %add3A_329 = arith.addf %mul3A_327, %mul3A_328 : vector<64x128xf32>
      %mul3A_330 = arith.mulf %sub3A_326, %sub3A_326 : vector<64x128xf32>
      %add3A_331 = arith.addf %add3A_329, %mul3A_330 : vector<64x128xf32>
      %lt3A_332 = arith.cmpf olt, %add3A_331, %min3A_304 : vector<64x128xf32>
      %broadcast_in_dim3A_333 = vector.broadcast %scan3A_306 : i32 to vector<64x128xi32>
      %select_n3A_334 = arith.select %lt3A_332, %broadcast_in_dim3A_333, %select_n3A_303 : vector<64x128xi1>, vector<64x128xi32>
      %min3A_335 = arith.minimumf %add3A_331, %min3A_304 : vector<64x128xf32>
      %scan3A_336 = arith.constant 5 : i32
      %scan3A_337 = arith.addi %scan3A_180, %scan3A_336 : i32
      %mul3A_338 = arith.constant 128 : i32
      %mul3A_339 = arith.muli %scan3A_337, %mul3A_338 : i32
      %get3A_340 = arith.index_cast %mul3A_339 : i32 to index
      %get3A_341 = vector.load %arg4[%get3A_340] : memref<10496xf32, #tpu.memory_space<vmem>>, vector<128xf32>
      %broadcast_in_dim3A_342 = vector.shape_cast %get3A_341 : vector<128xf32> to vector<1x128xf32>
      %sub3A_343 = vector.broadcast %broadcast_in_dim3A_77 : vector<64x1xf32> to vector<64x128xf32>
      %sub3A_344 = vector.broadcast %broadcast_in_dim3A_342 : vector<1x128xf32> to vector<64x128xf32>
      %sub3A_345 = arith.subf %sub3A_343, %sub3A_344 : vector<64x128xf32>
      %get3A_346 = arith.index_cast %mul3A_339 : i32 to index
      %get3A_347 = vector.load %arg5[%get3A_346] : memref<10496xf32, #tpu.memory_space<vmem>>, vector<128xf32>
      %broadcast_in_dim3A_348 = vector.shape_cast %get3A_347 : vector<128xf32> to vector<1x128xf32>
      %sub3A_349 = vector.broadcast %broadcast_in_dim3A_79 : vector<64x1xf32> to vector<64x128xf32>
      %sub3A_350 = vector.broadcast %broadcast_in_dim3A_348 : vector<1x128xf32> to vector<64x128xf32>
      %sub3A_351 = arith.subf %sub3A_349, %sub3A_350 : vector<64x128xf32>
      %get3A_352 = arith.index_cast %mul3A_339 : i32 to index
      %get3A_353 = vector.load %arg6[%get3A_352] : memref<10496xf32, #tpu.memory_space<vmem>>, vector<128xf32>
      %broadcast_in_dim3A_354 = vector.shape_cast %get3A_353 : vector<128xf32> to vector<1x128xf32>
      %sub3A_355 = vector.broadcast %broadcast_in_dim3A_81 : vector<64x1xf32> to vector<64x128xf32>
      %sub3A_356 = vector.broadcast %broadcast_in_dim3A_354 : vector<1x128xf32> to vector<64x128xf32>
      %sub3A_357 = arith.subf %sub3A_355, %sub3A_356 : vector<64x128xf32>
      %mul3A_358 = arith.mulf %sub3A_345, %sub3A_345 : vector<64x128xf32>
      %mul3A_359 = arith.mulf %sub3A_351, %sub3A_351 : vector<64x128xf32>
      %add3A_360 = arith.addf %mul3A_358, %mul3A_359 : vector<64x128xf32>
      %mul3A_361 = arith.mulf %sub3A_357, %sub3A_357 : vector<64x128xf32>
      %add3A_362 = arith.addf %add3A_360, %mul3A_361 : vector<64x128xf32>
      %lt3A_363 = arith.cmpf olt, %add3A_362, %min3A_335 : vector<64x128xf32>
      %broadcast_in_dim3A_364 = vector.broadcast %scan3A_337 : i32 to vector<64x128xi32>
      %select_n3A_365 = arith.select %lt3A_363, %broadcast_in_dim3A_364, %select_n3A_334 : vector<64x128xi1>, vector<64x128xi32>
      %min3A_366 = arith.minimumf %add3A_362, %min3A_335 : vector<64x128xf32>
      %scan3A_367 = arith.constant 6 : i32
      %scan3A_368 = arith.addi %scan3A_180, %scan3A_367 : i32
      %mul3A_369 = arith.constant 128 : i32
      %mul3A_370 = arith.muli %scan3A_368, %mul3A_369 : i32
      %get3A_371 = arith.index_cast %mul3A_370 : i32 to index
      %get3A_372 = vector.load %arg4[%get3A_371] : memref<10496xf32, #tpu.memory_space<vmem>>, vector<128xf32>
      %broadcast_in_dim3A_373 = vector.shape_cast %get3A_372 : vector<128xf32> to vector<1x128xf32>
      %sub3A_374 = vector.broadcast %broadcast_in_dim3A_77 : vector<64x1xf32> to vector<64x128xf32>
      %sub3A_375 = vector.broadcast %broadcast_in_dim3A_373 : vector<1x128xf32> to vector<64x128xf32>
      %sub3A_376 = arith.subf %sub3A_374, %sub3A_375 : vector<64x128xf32>
      %get3A_377 = arith.index_cast %mul3A_370 : i32 to index
      %get3A_378 = vector.load %arg5[%get3A_377] : memref<10496xf32, #tpu.memory_space<vmem>>, vector<128xf32>
      %broadcast_in_dim3A_379 = vector.shape_cast %get3A_378 : vector<128xf32> to vector<1x128xf32>
      %sub3A_380 = vector.broadcast %broadcast_in_dim3A_79 : vector<64x1xf32> to vector<64x128xf32>
      %sub3A_381 = vector.broadcast %broadcast_in_dim3A_379 : vector<1x128xf32> to vector<64x128xf32>
      %sub3A_382 = arith.subf %sub3A_380, %sub3A_381 : vector<64x128xf32>
      %get3A_383 = arith.index_cast %mul3A_370 : i32 to index
      %get3A_384 = vector.load %arg6[%get3A_383] : memref<10496xf32, #tpu.memory_space<vmem>>, vector<128xf32>
      %broadcast_in_dim3A_385 = vector.shape_cast %get3A_384 : vector<128xf32> to vector<1x128xf32>
      %sub3A_386 = vector.broadcast %broadcast_in_dim3A_81 : vector<64x1xf32> to vector<64x128xf32>
      %sub3A_387 = vector.broadcast %broadcast_in_dim3A_385 : vector<1x128xf32> to vector<64x128xf32>
      %sub3A_388 = arith.subf %sub3A_386, %sub3A_387 : vector<64x128xf32>
      %mul3A_389 = arith.mulf %sub3A_376, %sub3A_376 : vector<64x128xf32>
      %mul3A_390 = arith.mulf %sub3A_382, %sub3A_382 : vector<64x128xf32>
      %add3A_391 = arith.addf %mul3A_389, %mul3A_390 : vector<64x128xf32>
      %mul3A_392 = arith.mulf %sub3A_388, %sub3A_388 : vector<64x128xf32>
      %add3A_393 = arith.addf %add3A_391, %mul3A_392 : vector<64x128xf32>
      %lt3A_394 = arith.cmpf olt, %add3A_393, %min3A_366 : vector<64x128xf32>
      %broadcast_in_dim3A_395 = vector.broadcast %scan3A_368 : i32 to vector<64x128xi32>
      %select_n3A_396 = arith.select %lt3A_394, %broadcast_in_dim3A_395, %select_n3A_365 : vector<64x128xi1>, vector<64x128xi32>
      %min3A_397 = arith.minimumf %add3A_393, %min3A_366 : vector<64x128xf32>
      %scan3A_398 = arith.constant 7 : i32
      %scan3A_399 = arith.addi %scan3A_180, %scan3A_398 : i32
      %mul3A_400 = arith.constant 128 : i32
      %mul3A_401 = arith.muli %scan3A_399, %mul3A_400 : i32
      %get3A_402 = arith.index_cast %mul3A_401 : i32 to index
      %get3A_403 = vector.load %arg4[%get3A_402] : memref<10496xf32, #tpu.memory_space<vmem>>, vector<128xf32>
      %broadcast_in_dim3A_404 = vector.shape_cast %get3A_403 : vector<128xf32> to vector<1x128xf32>
      %sub3A_405 = vector.broadcast %broadcast_in_dim3A_77 : vector<64x1xf32> to vector<64x128xf32>
      %sub3A_406 = vector.broadcast %broadcast_in_dim3A_404 : vector<1x128xf32> to vector<64x128xf32>
      %sub3A_407 = arith.subf %sub3A_405, %sub3A_406 : vector<64x128xf32>
      %get3A_408 = arith.index_cast %mul3A_401 : i32 to index
      %get3A_409 = vector.load %arg5[%get3A_408] : memref<10496xf32, #tpu.memory_space<vmem>>, vector<128xf32>
      %broadcast_in_dim3A_410 = vector.shape_cast %get3A_409 : vector<128xf32> to vector<1x128xf32>
      %sub3A_411 = vector.broadcast %broadcast_in_dim3A_79 : vector<64x1xf32> to vector<64x128xf32>
      %sub3A_412 = vector.broadcast %broadcast_in_dim3A_410 : vector<1x128xf32> to vector<64x128xf32>
      %sub3A_413 = arith.subf %sub3A_411, %sub3A_412 : vector<64x128xf32>
      %get3A_414 = arith.index_cast %mul3A_401 : i32 to index
      %get3A_415 = vector.load %arg6[%get3A_414] : memref<10496xf32, #tpu.memory_space<vmem>>, vector<128xf32>
      %broadcast_in_dim3A_416 = vector.shape_cast %get3A_415 : vector<128xf32> to vector<1x128xf32>
      %sub3A_417 = vector.broadcast %broadcast_in_dim3A_81 : vector<64x1xf32> to vector<64x128xf32>
      %sub3A_418 = vector.broadcast %broadcast_in_dim3A_416 : vector<1x128xf32> to vector<64x128xf32>
      %sub3A_419 = arith.subf %sub3A_417, %sub3A_418 : vector<64x128xf32>
      %mul3A_420 = arith.mulf %sub3A_407, %sub3A_407 : vector<64x128xf32>
      %mul3A_421 = arith.mulf %sub3A_413, %sub3A_413 : vector<64x128xf32>
      %add3A_422 = arith.addf %mul3A_420, %mul3A_421 : vector<64x128xf32>
      %mul3A_423 = arith.mulf %sub3A_419, %sub3A_419 : vector<64x128xf32>
      %add3A_424 = arith.addf %add3A_422, %mul3A_423 : vector<64x128xf32>
      %lt3A_425 = arith.cmpf olt, %add3A_424, %min3A_397 : vector<64x128xf32>
      %broadcast_in_dim3A_426 = vector.broadcast %scan3A_399 : i32 to vector<64x128xi32>
      %select_n3A_427 = arith.select %lt3A_425, %broadcast_in_dim3A_426, %select_n3A_396 : vector<64x128xi1>, vector<64x128xi32>
      %min3A_428 = arith.minimumf %add3A_424, %min3A_397 : vector<64x128xf32>
      %scan3A_429 = arith.constant 8 : i32
      %scan3A_430 = arith.addi %scan3A_180, %scan3A_429 : i32
      %mul3A_431 = arith.constant 128 : i32
      %mul3A_432 = arith.muli %scan3A_430, %mul3A_431 : i32
      %get3A_433 = arith.index_cast %mul3A_432 : i32 to index
      %get3A_434 = vector.load %arg4[%get3A_433] : memref<10496xf32, #tpu.memory_space<vmem>>, vector<128xf32>
      %broadcast_in_dim3A_435 = vector.shape_cast %get3A_434 : vector<128xf32> to vector<1x128xf32>
      %sub3A_436 = vector.broadcast %broadcast_in_dim3A_77 : vector<64x1xf32> to vector<64x128xf32>
      %sub3A_437 = vector.broadcast %broadcast_in_dim3A_435 : vector<1x128xf32> to vector<64x128xf32>
      %sub3A_438 = arith.subf %sub3A_436, %sub3A_437 : vector<64x128xf32>
      %get3A_439 = arith.index_cast %mul3A_432 : i32 to index
      %get3A_440 = vector.load %arg5[%get3A_439] : memref<10496xf32, #tpu.memory_space<vmem>>, vector<128xf32>
      %broadcast_in_dim3A_441 = vector.shape_cast %get3A_440 : vector<128xf32> to vector<1x128xf32>
      %sub3A_442 = vector.broadcast %broadcast_in_dim3A_79 : vector<64x1xf32> to vector<64x128xf32>
      %sub3A_443 = vector.broadcast %broadcast_in_dim3A_441 : vector<1x128xf32> to vector<64x128xf32>
      %sub3A_444 = arith.subf %sub3A_442, %sub3A_443 : vector<64x128xf32>
      %get3A_445 = arith.index_cast %mul3A_432 : i32 to index
      %get3A_446 = vector.load %arg6[%get3A_445] : memref<10496xf32, #tpu.memory_space<vmem>>, vector<128xf32>
      %broadcast_in_dim3A_447 = vector.shape_cast %get3A_446 : vector<128xf32> to vector<1x128xf32>
      %sub3A_448 = vector.broadcast %broadcast_in_dim3A_81 : vector<64x1xf32> to vector<64x128xf32>
      %sub3A_449 = vector.broadcast %broadcast_in_dim3A_447 : vector<1x128xf32> to vector<64x128xf32>
      %sub3A_450 = arith.subf %sub3A_448, %sub3A_449 : vector<64x128xf32>
      %mul3A_451 = arith.mulf %sub3A_438, %sub3A_438 : vector<64x128xf32>
      %mul3A_452 = arith.mulf %sub3A_444, %sub3A_444 : vector<64x128xf32>
      %add3A_453 = arith.addf %mul3A_451, %mul3A_452 : vector<64x128xf32>
      %mul3A_454 = arith.mulf %sub3A_450, %sub3A_450 : vector<64x128xf32>
      %add3A_455 = arith.addf %add3A_453, %mul3A_454 : vector<64x128xf32>
      %lt3A_456 = arith.cmpf olt, %add3A_455, %min3A_428 : vector<64x128xf32>
      %broadcast_in_dim3A_457 = vector.broadcast %scan3A_430 : i32 to vector<64x128xi32>
      %select_n3A_458 = arith.select %lt3A_456, %broadcast_in_dim3A_457, %select_n3A_427 : vector<64x128xi1>, vector<64x128xi32>
      %min3A_459 = arith.minimumf %add3A_455, %min3A_428 : vector<64x128xf32>
      %scan3A_460 = arith.constant 9 : i32
      %scan3A_461 = arith.addi %scan3A_180, %scan3A_460 : i32
      %mul3A_462 = arith.constant 128 : i32
      %mul3A_463 = arith.muli %scan3A_461, %mul3A_462 : i32
      %get3A_464 = arith.index_cast %mul3A_463 : i32 to index
      %get3A_465 = vector.load %arg4[%get3A_464] : memref<10496xf32, #tpu.memory_space<vmem>>, vector<128xf32>
      %broadcast_in_dim3A_466 = vector.shape_cast %get3A_465 : vector<128xf32> to vector<1x128xf32>
      %sub3A_467 = vector.broadcast %broadcast_in_dim3A_77 : vector<64x1xf32> to vector<64x128xf32>
      %sub3A_468 = vector.broadcast %broadcast_in_dim3A_466 : vector<1x128xf32> to vector<64x128xf32>
      %sub3A_469 = arith.subf %sub3A_467, %sub3A_468 : vector<64x128xf32>
      %get3A_470 = arith.index_cast %mul3A_463 : i32 to index
      %get3A_471 = vector.load %arg5[%get3A_470] : memref<10496xf32, #tpu.memory_space<vmem>>, vector<128xf32>
      %broadcast_in_dim3A_472 = vector.shape_cast %get3A_471 : vector<128xf32> to vector<1x128xf32>
      %sub3A_473 = vector.broadcast %broadcast_in_dim3A_79 : vector<64x1xf32> to vector<64x128xf32>
      %sub3A_474 = vector.broadcast %broadcast_in_dim3A_472 : vector<1x128xf32> to vector<64x128xf32>
      %sub3A_475 = arith.subf %sub3A_473, %sub3A_474 : vector<64x128xf32>
      %get3A_476 = arith.index_cast %mul3A_463 : i32 to index
      %get3A_477 = vector.load %arg6[%get3A_476] : memref<10496xf32, #tpu.memory_space<vmem>>, vector<128xf32>
      %broadcast_in_dim3A_478 = vector.shape_cast %get3A_477 : vector<128xf32> to vector<1x128xf32>
      %sub3A_479 = vector.broadcast %broadcast_in_dim3A_81 : vector<64x1xf32> to vector<64x128xf32>
      %sub3A_480 = vector.broadcast %broadcast_in_dim3A_478 : vector<1x128xf32> to vector<64x128xf32>
      %sub3A_481 = arith.subf %sub3A_479, %sub3A_480 : vector<64x128xf32>
      %mul3A_482 = arith.mulf %sub3A_469, %sub3A_469 : vector<64x128xf32>
      %mul3A_483 = arith.mulf %sub3A_475, %sub3A_475 : vector<64x128xf32>
      %add3A_484 = arith.addf %mul3A_482, %mul3A_483 : vector<64x128xf32>
      %mul3A_485 = arith.mulf %sub3A_481, %sub3A_481 : vector<64x128xf32>
      %add3A_486 = arith.addf %add3A_484, %mul3A_485 : vector<64x128xf32>
      %lt3A_487 = arith.cmpf olt, %add3A_486, %min3A_459 : vector<64x128xf32>
      %broadcast_in_dim3A_488 = vector.broadcast %scan3A_461 : i32 to vector<64x128xi32>
      %select_n3A_489 = arith.select %lt3A_487, %broadcast_in_dim3A_488, %select_n3A_458 : vector<64x128xi1>, vector<64x128xi32>
      %min3A_490 = arith.minimumf %add3A_486, %min3A_459 : vector<64x128xf32>
      %scan3A_491 = arith.constant 10 : i32
      %scan3A_492 = arith.addi %scan3A_180, %scan3A_491 : i32
      %mul3A_493 = arith.constant 128 : i32
      %mul3A_494 = arith.muli %scan3A_492, %mul3A_493 : i32
      %get3A_495 = arith.index_cast %mul3A_494 : i32 to index
      %get3A_496 = vector.load %arg4[%get3A_495] : memref<10496xf32, #tpu.memory_space<vmem>>, vector<128xf32>
      %broadcast_in_dim3A_497 = vector.shape_cast %get3A_496 : vector<128xf32> to vector<1x128xf32>
      %sub3A_498 = vector.broadcast %broadcast_in_dim3A_77 : vector<64x1xf32> to vector<64x128xf32>
      %sub3A_499 = vector.broadcast %broadcast_in_dim3A_497 : vector<1x128xf32> to vector<64x128xf32>
      %sub3A_500 = arith.subf %sub3A_498, %sub3A_499 : vector<64x128xf32>
      %get3A_501 = arith.index_cast %mul3A_494 : i32 to index
      %get3A_502 = vector.load %arg5[%get3A_501] : memref<10496xf32, #tpu.memory_space<vmem>>, vector<128xf32>
      %broadcast_in_dim3A_503 = vector.shape_cast %get3A_502 : vector<128xf32> to vector<1x128xf32>
      %sub3A_504 = vector.broadcast %broadcast_in_dim3A_79 : vector<64x1xf32> to vector<64x128xf32>
      %sub3A_505 = vector.broadcast %broadcast_in_dim3A_503 : vector<1x128xf32> to vector<64x128xf32>
      %sub3A_506 = arith.subf %sub3A_504, %sub3A_505 : vector<64x128xf32>
      %get3A_507 = arith.index_cast %mul3A_494 : i32 to index
      %get3A_508 = vector.load %arg6[%get3A_507] : memref<10496xf32, #tpu.memory_space<vmem>>, vector<128xf32>
      %broadcast_in_dim3A_509 = vector.shape_cast %get3A_508 : vector<128xf32> to vector<1x128xf32>
      %sub3A_510 = vector.broadcast %broadcast_in_dim3A_81 : vector<64x1xf32> to vector<64x128xf32>
      %sub3A_511 = vector.broadcast %broadcast_in_dim3A_509 : vector<1x128xf32> to vector<64x128xf32>
      %sub3A_512 = arith.subf %sub3A_510, %sub3A_511 : vector<64x128xf32>
      %mul3A_513 = arith.mulf %sub3A_500, %sub3A_500 : vector<64x128xf32>
      %mul3A_514 = arith.mulf %sub3A_506, %sub3A_506 : vector<64x128xf32>
      %add3A_515 = arith.addf %mul3A_513, %mul3A_514 : vector<64x128xf32>
      %mul3A_516 = arith.mulf %sub3A_512, %sub3A_512 : vector<64x128xf32>
      %add3A_517 = arith.addf %add3A_515, %mul3A_516 : vector<64x128xf32>
      %lt3A_518 = arith.cmpf olt, %add3A_517, %min3A_490 : vector<64x128xf32>
      %broadcast_in_dim3A_519 = vector.broadcast %scan3A_492 : i32 to vector<64x128xi32>
      %select_n3A_520 = arith.select %lt3A_518, %broadcast_in_dim3A_519, %select_n3A_489 : vector<64x128xi1>, vector<64x128xi32>
      %min3A_521 = arith.minimumf %add3A_517, %min3A_490 : vector<64x128xf32>
      %scan3A_522 = arith.constant 11 : i32
      %scan3A_523 = arith.addi %scan3A_180, %scan3A_522 : i32
      %mul3A_524 = arith.constant 128 : i32
      %mul3A_525 = arith.muli %scan3A_523, %mul3A_524 : i32
      %get3A_526 = arith.index_cast %mul3A_525 : i32 to index
      %get3A_527 = vector.load %arg4[%get3A_526] : memref<10496xf32, #tpu.memory_space<vmem>>, vector<128xf32>
      %broadcast_in_dim3A_528 = vector.shape_cast %get3A_527 : vector<128xf32> to vector<1x128xf32>
      %sub3A_529 = vector.broadcast %broadcast_in_dim3A_77 : vector<64x1xf32> to vector<64x128xf32>
      %sub3A_530 = vector.broadcast %broadcast_in_dim3A_528 : vector<1x128xf32> to vector<64x128xf32>
      %sub3A_531 = arith.subf %sub3A_529, %sub3A_530 : vector<64x128xf32>
      %get3A_532 = arith.index_cast %mul3A_525 : i32 to index
      %get3A_533 = vector.load %arg5[%get3A_532] : memref<10496xf32, #tpu.memory_space<vmem>>, vector<128xf32>
      %broadcast_in_dim3A_534 = vector.shape_cast %get3A_533 : vector<128xf32> to vector<1x128xf32>
      %sub3A_535 = vector.broadcast %broadcast_in_dim3A_79 : vector<64x1xf32> to vector<64x128xf32>
      %sub3A_536 = vector.broadcast %broadcast_in_dim3A_534 : vector<1x128xf32> to vector<64x128xf32>
      %sub3A_537 = arith.subf %sub3A_535, %sub3A_536 : vector<64x128xf32>
      %get3A_538 = arith.index_cast %mul3A_525 : i32 to index
      %get3A_539 = vector.load %arg6[%get3A_538] : memref<10496xf32, #tpu.memory_space<vmem>>, vector<128xf32>
      %broadcast_in_dim3A_540 = vector.shape_cast %get3A_539 : vector<128xf32> to vector<1x128xf32>
      %sub3A_541 = vector.broadcast %broadcast_in_dim3A_81 : vector<64x1xf32> to vector<64x128xf32>
      %sub3A_542 = vector.broadcast %broadcast_in_dim3A_540 : vector<1x128xf32> to vector<64x128xf32>
      %sub3A_543 = arith.subf %sub3A_541, %sub3A_542 : vector<64x128xf32>
      %mul3A_544 = arith.mulf %sub3A_531, %sub3A_531 : vector<64x128xf32>
      %mul3A_545 = arith.mulf %sub3A_537, %sub3A_537 : vector<64x128xf32>
      %add3A_546 = arith.addf %mul3A_544, %mul3A_545 : vector<64x128xf32>
      %mul3A_547 = arith.mulf %sub3A_543, %sub3A_543 : vector<64x128xf32>
      %add3A_548 = arith.addf %add3A_546, %mul3A_547 : vector<64x128xf32>
      %lt3A_549 = arith.cmpf olt, %add3A_548, %min3A_521 : vector<64x128xf32>
      %broadcast_in_dim3A_550 = vector.broadcast %scan3A_523 : i32 to vector<64x128xi32>
      %select_n3A_551 = arith.select %lt3A_549, %broadcast_in_dim3A_550, %select_n3A_520 : vector<64x128xi1>, vector<64x128xi32>
      %min3A_552 = arith.minimumf %add3A_548, %min3A_521 : vector<64x128xf32>
      %scan3A_553 = arith.constant 12 : i32
      %scan3A_554 = arith.addi %scan3A_180, %scan3A_553 : i32
      %mul3A_555 = arith.constant 128 : i32
      %mul3A_556 = arith.muli %scan3A_554, %mul3A_555 : i32
      %get3A_557 = arith.index_cast %mul3A_556 : i32 to index
      %get3A_558 = vector.load %arg4[%get3A_557] : memref<10496xf32, #tpu.memory_space<vmem>>, vector<128xf32>
      %broadcast_in_dim3A_559 = vector.shape_cast %get3A_558 : vector<128xf32> to vector<1x128xf32>
      %sub3A_560 = vector.broadcast %broadcast_in_dim3A_77 : vector<64x1xf32> to vector<64x128xf32>
      %sub3A_561 = vector.broadcast %broadcast_in_dim3A_559 : vector<1x128xf32> to vector<64x128xf32>
      %sub3A_562 = arith.subf %sub3A_560, %sub3A_561 : vector<64x128xf32>
      %get3A_563 = arith.index_cast %mul3A_556 : i32 to index
      %get3A_564 = vector.load %arg5[%get3A_563] : memref<10496xf32, #tpu.memory_space<vmem>>, vector<128xf32>
      %broadcast_in_dim3A_565 = vector.shape_cast %get3A_564 : vector<128xf32> to vector<1x128xf32>
      %sub3A_566 = vector.broadcast %broadcast_in_dim3A_79 : vector<64x1xf32> to vector<64x128xf32>
      %sub3A_567 = vector.broadcast %broadcast_in_dim3A_565 : vector<1x128xf32> to vector<64x128xf32>
      %sub3A_568 = arith.subf %sub3A_566, %sub3A_567 : vector<64x128xf32>
      %get3A_569 = arith.index_cast %mul3A_556 : i32 to index
      %get3A_570 = vector.load %arg6[%get3A_569] : memref<10496xf32, #tpu.memory_space<vmem>>, vector<128xf32>
      %broadcast_in_dim3A_571 = vector.shape_cast %get3A_570 : vector<128xf32> to vector<1x128xf32>
      %sub3A_572 = vector.broadcast %broadcast_in_dim3A_81 : vector<64x1xf32> to vector<64x128xf32>
      %sub3A_573 = vector.broadcast %broadcast_in_dim3A_571 : vector<1x128xf32> to vector<64x128xf32>
      %sub3A_574 = arith.subf %sub3A_572, %sub3A_573 : vector<64x128xf32>
      %mul3A_575 = arith.mulf %sub3A_562, %sub3A_562 : vector<64x128xf32>
      %mul3A_576 = arith.mulf %sub3A_568, %sub3A_568 : vector<64x128xf32>
      %add3A_577 = arith.addf %mul3A_575, %mul3A_576 : vector<64x128xf32>
      %mul3A_578 = arith.mulf %sub3A_574, %sub3A_574 : vector<64x128xf32>
      %add3A_579 = arith.addf %add3A_577, %mul3A_578 : vector<64x128xf32>
      %lt3A_580 = arith.cmpf olt, %add3A_579, %min3A_552 : vector<64x128xf32>
      %broadcast_in_dim3A_581 = vector.broadcast %scan3A_554 : i32 to vector<64x128xi32>
      %select_n3A_582 = arith.select %lt3A_580, %broadcast_in_dim3A_581, %select_n3A_551 : vector<64x128xi1>, vector<64x128xi32>
      %min3A_583 = arith.minimumf %add3A_579, %min3A_552 : vector<64x128xf32>
      %scan3A_584 = arith.constant 13 : i32
      %scan3A_585 = arith.addi %scan3A_180, %scan3A_584 : i32
      %mul3A_586 = arith.constant 128 : i32
      %mul3A_587 = arith.muli %scan3A_585, %mul3A_586 : i32
      %get3A_588 = arith.index_cast %mul3A_587 : i32 to index
      %get3A_589 = vector.load %arg4[%get3A_588] : memref<10496xf32, #tpu.memory_space<vmem>>, vector<128xf32>
      %broadcast_in_dim3A_590 = vector.shape_cast %get3A_589 : vector<128xf32> to vector<1x128xf32>
      %sub3A_591 = vector.broadcast %broadcast_in_dim3A_77 : vector<64x1xf32> to vector<64x128xf32>
      %sub3A_592 = vector.broadcast %broadcast_in_dim3A_590 : vector<1x128xf32> to vector<64x128xf32>
      %sub3A_593 = arith.subf %sub3A_591, %sub3A_592 : vector<64x128xf32>
      %get3A_594 = arith.index_cast %mul3A_587 : i32 to index
      %get3A_595 = vector.load %arg5[%get3A_594] : memref<10496xf32, #tpu.memory_space<vmem>>, vector<128xf32>
      %broadcast_in_dim3A_596 = vector.shape_cast %get3A_595 : vector<128xf32> to vector<1x128xf32>
      %sub3A_597 = vector.broadcast %broadcast_in_dim3A_79 : vector<64x1xf32> to vector<64x128xf32>
      %sub3A_598 = vector.broadcast %broadcast_in_dim3A_596 : vector<1x128xf32> to vector<64x128xf32>
      %sub3A_599 = arith.subf %sub3A_597, %sub3A_598 : vector<64x128xf32>
      %get3A_600 = arith.index_cast %mul3A_587 : i32 to index
      %get3A_601 = vector.load %arg6[%get3A_600] : memref<10496xf32, #tpu.memory_space<vmem>>, vector<128xf32>
      %broadcast_in_dim3A_602 = vector.shape_cast %get3A_601 : vector<128xf32> to vector<1x128xf32>
      %sub3A_603 = vector.broadcast %broadcast_in_dim3A_81 : vector<64x1xf32> to vector<64x128xf32>
      %sub3A_604 = vector.broadcast %broadcast_in_dim3A_602 : vector<1x128xf32> to vector<64x128xf32>
      %sub3A_605 = arith.subf %sub3A_603, %sub3A_604 : vector<64x128xf32>
      %mul3A_606 = arith.mulf %sub3A_593, %sub3A_593 : vector<64x128xf32>
      %mul3A_607 = arith.mulf %sub3A_599, %sub3A_599 : vector<64x128xf32>
      %add3A_608 = arith.addf %mul3A_606, %mul3A_607 : vector<64x128xf32>
      %mul3A_609 = arith.mulf %sub3A_605, %sub3A_605 : vector<64x128xf32>
      %add3A_610 = arith.addf %add3A_608, %mul3A_609 : vector<64x128xf32>
      %lt3A_611 = arith.cmpf olt, %add3A_610, %min3A_583 : vector<64x128xf32>
      %broadcast_in_dim3A_612 = vector.broadcast %scan3A_585 : i32 to vector<64x128xi32>
      %select_n3A_613 = arith.select %lt3A_611, %broadcast_in_dim3A_612, %select_n3A_582 : vector<64x128xi1>, vector<64x128xi32>
      %min3A_614 = arith.minimumf %add3A_610, %min3A_583 : vector<64x128xf32>
      %scan3A_615 = arith.constant 14 : i32
      %scan3A_616 = arith.addi %scan3A_180, %scan3A_615 : i32
      %mul3A_617 = arith.constant 128 : i32
      %mul3A_618 = arith.muli %scan3A_616, %mul3A_617 : i32
      %get3A_619 = arith.index_cast %mul3A_618 : i32 to index
      %get3A_620 = vector.load %arg4[%get3A_619] : memref<10496xf32, #tpu.memory_space<vmem>>, vector<128xf32>
      %broadcast_in_dim3A_621 = vector.shape_cast %get3A_620 : vector<128xf32> to vector<1x128xf32>
      %sub3A_622 = vector.broadcast %broadcast_in_dim3A_77 : vector<64x1xf32> to vector<64x128xf32>
      %sub3A_623 = vector.broadcast %broadcast_in_dim3A_621 : vector<1x128xf32> to vector<64x128xf32>
      %sub3A_624 = arith.subf %sub3A_622, %sub3A_623 : vector<64x128xf32>
      %get3A_625 = arith.index_cast %mul3A_618 : i32 to index
      %get3A_626 = vector.load %arg5[%get3A_625] : memref<10496xf32, #tpu.memory_space<vmem>>, vector<128xf32>
      %broadcast_in_dim3A_627 = vector.shape_cast %get3A_626 : vector<128xf32> to vector<1x128xf32>
      %sub3A_628 = vector.broadcast %broadcast_in_dim3A_79 : vector<64x1xf32> to vector<64x128xf32>
      %sub3A_629 = vector.broadcast %broadcast_in_dim3A_627 : vector<1x128xf32> to vector<64x128xf32>
      %sub3A_630 = arith.subf %sub3A_628, %sub3A_629 : vector<64x128xf32>
      %get3A_631 = arith.index_cast %mul3A_618 : i32 to index
      %get3A_632 = vector.load %arg6[%get3A_631] : memref<10496xf32, #tpu.memory_space<vmem>>, vector<128xf32>
      %broadcast_in_dim3A_633 = vector.shape_cast %get3A_632 : vector<128xf32> to vector<1x128xf32>
      %sub3A_634 = vector.broadcast %broadcast_in_dim3A_81 : vector<64x1xf32> to vector<64x128xf32>
      %sub3A_635 = vector.broadcast %broadcast_in_dim3A_633 : vector<1x128xf32> to vector<64x128xf32>
      %sub3A_636 = arith.subf %sub3A_634, %sub3A_635 : vector<64x128xf32>
      %mul3A_637 = arith.mulf %sub3A_624, %sub3A_624 : vector<64x128xf32>
      %mul3A_638 = arith.mulf %sub3A_630, %sub3A_630 : vector<64x128xf32>
      %add3A_639 = arith.addf %mul3A_637, %mul3A_638 : vector<64x128xf32>
      %mul3A_640 = arith.mulf %sub3A_636, %sub3A_636 : vector<64x128xf32>
      %add3A_641 = arith.addf %add3A_639, %mul3A_640 : vector<64x128xf32>
      %lt3A_642 = arith.cmpf olt, %add3A_641, %min3A_614 : vector<64x128xf32>
      %broadcast_in_dim3A_643 = vector.broadcast %scan3A_616 : i32 to vector<64x128xi32>
      %select_n3A_644 = arith.select %lt3A_642, %broadcast_in_dim3A_643, %select_n3A_613 : vector<64x128xi1>, vector<64x128xi32>
      %min3A_645 = arith.minimumf %add3A_641, %min3A_614 : vector<64x128xf32>
      %scan3A_646 = arith.constant 15 : i32
      %scan3A_647 = arith.addi %scan3A_180, %scan3A_646 : i32
      %mul3A_648 = arith.constant 128 : i32
      %mul3A_649 = arith.muli %scan3A_647, %mul3A_648 : i32
      %get3A_650 = arith.index_cast %mul3A_649 : i32 to index
      %get3A_651 = vector.load %arg4[%get3A_650] : memref<10496xf32, #tpu.memory_space<vmem>>, vector<128xf32>
      %broadcast_in_dim3A_652 = vector.shape_cast %get3A_651 : vector<128xf32> to vector<1x128xf32>
      %sub3A_653 = vector.broadcast %broadcast_in_dim3A_77 : vector<64x1xf32> to vector<64x128xf32>
      %sub3A_654 = vector.broadcast %broadcast_in_dim3A_652 : vector<1x128xf32> to vector<64x128xf32>
      %sub3A_655 = arith.subf %sub3A_653, %sub3A_654 : vector<64x128xf32>
      %get3A_656 = arith.index_cast %mul3A_649 : i32 to index
      %get3A_657 = vector.load %arg5[%get3A_656] : memref<10496xf32, #tpu.memory_space<vmem>>, vector<128xf32>
      %broadcast_in_dim3A_658 = vector.shape_cast %get3A_657 : vector<128xf32> to vector<1x128xf32>
      %sub3A_659 = vector.broadcast %broadcast_in_dim3A_79 : vector<64x1xf32> to vector<64x128xf32>
      %sub3A_660 = vector.broadcast %broadcast_in_dim3A_658 : vector<1x128xf32> to vector<64x128xf32>
      %sub3A_661 = arith.subf %sub3A_659, %sub3A_660 : vector<64x128xf32>
      %get3A_662 = arith.index_cast %mul3A_649 : i32 to index
      %get3A_663 = vector.load %arg6[%get3A_662] : memref<10496xf32, #tpu.memory_space<vmem>>, vector<128xf32>
      %broadcast_in_dim3A_664 = vector.shape_cast %get3A_663 : vector<128xf32> to vector<1x128xf32>
      %sub3A_665 = vector.broadcast %broadcast_in_dim3A_81 : vector<64x1xf32> to vector<64x128xf32>
      %sub3A_666 = vector.broadcast %broadcast_in_dim3A_664 : vector<1x128xf32> to vector<64x128xf32>
      %sub3A_667 = arith.subf %sub3A_665, %sub3A_666 : vector<64x128xf32>
      %mul3A_668 = arith.mulf %sub3A_655, %sub3A_655 : vector<64x128xf32>
      %mul3A_669 = arith.mulf %sub3A_661, %sub3A_661 : vector<64x128xf32>
      %add3A_670 = arith.addf %mul3A_668, %mul3A_669 : vector<64x128xf32>
      %mul3A_671 = arith.mulf %sub3A_667, %sub3A_667 : vector<64x128xf32>
      %add3A_672 = arith.addf %add3A_670, %mul3A_671 : vector<64x128xf32>
      %lt3A_673 = arith.cmpf olt, %add3A_672, %min3A_645 : vector<64x128xf32>
      %broadcast_in_dim3A_674 = vector.broadcast %scan3A_647 : i32 to vector<64x128xi32>
      %select_n3A_675 = arith.select %lt3A_673, %broadcast_in_dim3A_674, %select_n3A_644 : vector<64x128xi1>, vector<64x128xi32>
      %min3A_676 = arith.minimumf %add3A_672, %min3A_645 : vector<64x128xf32>
      scf.yield %min3A_676, %select_n3A_675 : vector<64x128xf32>, vector<64x128xi32>
    }
    %scan3A_91 = arith.constant 80 : i32
    %scan3A_92 = arith.addi %scan3A_86, %scan3A_91 : i32
    %mul3A_93 = arith.constant 128 : i32
    %mul3A_94 = arith.muli %scan3A_92, %mul3A_93 : i32
    %get3A_95 = arith.index_cast %mul3A_94 : i32 to index
    %get3A_96 = vector.load %arg4[%get3A_95] : memref<10496xf32, #tpu.memory_space<vmem>>, vector<128xf32>
    %broadcast_in_dim3A_97 = vector.shape_cast %get3A_96 : vector<128xf32> to vector<1x128xf32>
    %sub3A_98 = vector.broadcast %broadcast_in_dim3A_77 : vector<64x1xf32> to vector<64x128xf32>
    %sub3A_99 = vector.broadcast %broadcast_in_dim3A_97 : vector<1x128xf32> to vector<64x128xf32>
    %sub3A_100 = arith.subf %sub3A_98, %sub3A_99 : vector<64x128xf32>
    %get3A_101 = arith.index_cast %mul3A_94 : i32 to index
    %get3A_102 = vector.load %arg5[%get3A_101] : memref<10496xf32, #tpu.memory_space<vmem>>, vector<128xf32>
    %broadcast_in_dim3A_103 = vector.shape_cast %get3A_102 : vector<128xf32> to vector<1x128xf32>
    %sub3A_104 = vector.broadcast %broadcast_in_dim3A_79 : vector<64x1xf32> to vector<64x128xf32>
    %sub3A_105 = vector.broadcast %broadcast_in_dim3A_103 : vector<1x128xf32> to vector<64x128xf32>
    %sub3A_106 = arith.subf %sub3A_104, %sub3A_105 : vector<64x128xf32>
    %get3A_107 = arith.index_cast %mul3A_94 : i32 to index
    %get3A_108 = vector.load %arg6[%get3A_107] : memref<10496xf32, #tpu.memory_space<vmem>>, vector<128xf32>
    %broadcast_in_dim3A_109 = vector.shape_cast %get3A_108 : vector<128xf32> to vector<1x128xf32>
    %sub3A_110 = vector.broadcast %broadcast_in_dim3A_81 : vector<64x1xf32> to vector<64x128xf32>
    %sub3A_111 = vector.broadcast %broadcast_in_dim3A_109 : vector<1x128xf32> to vector<64x128xf32>
    %sub3A_112 = arith.subf %sub3A_110, %sub3A_111 : vector<64x128xf32>
    %mul3A_113 = arith.mulf %sub3A_100, %sub3A_100 : vector<64x128xf32>
    %mul3A_114 = arith.mulf %sub3A_106, %sub3A_106 : vector<64x128xf32>
    %add3A_115 = arith.addf %mul3A_113, %mul3A_114 : vector<64x128xf32>
    %mul3A_116 = arith.mulf %sub3A_112, %sub3A_112 : vector<64x128xf32>
    %add3A_117 = arith.addf %add3A_115, %mul3A_116 : vector<64x128xf32>
    %lt3A_118 = arith.cmpf olt, %add3A_117, %scan3A_90#0 : vector<64x128xf32>
    %broadcast_in_dim3A_119 = vector.broadcast %scan3A_92 : i32 to vector<64x128xi32>
    %select_n3A_120 = arith.select %lt3A_118, %broadcast_in_dim3A_119, %scan3A_90#1 : vector<64x128xi1>, vector<64x128xi32>
    %min3A_121 = arith.minimumf %add3A_117, %scan3A_90#0 : vector<64x128xf32>
    %scan3A_122 = arith.constant 81 : i32
    %scan3A_123 = arith.addi %scan3A_86, %scan3A_122 : i32
    %mul3A_124 = arith.constant 128 : i32
    %mul3A_125 = arith.muli %scan3A_123, %mul3A_124 : i32
    %get3A_126 = arith.index_cast %mul3A_125 : i32 to index
    %get3A_127 = vector.load %arg4[%get3A_126] : memref<10496xf32, #tpu.memory_space<vmem>>, vector<128xf32>
    %broadcast_in_dim3A_128 = vector.shape_cast %get3A_127 : vector<128xf32> to vector<1x128xf32>
    %sub3A_129 = vector.broadcast %broadcast_in_dim3A_77 : vector<64x1xf32> to vector<64x128xf32>
    %sub3A_130 = vector.broadcast %broadcast_in_dim3A_128 : vector<1x128xf32> to vector<64x128xf32>
    %sub3A_131 = arith.subf %sub3A_129, %sub3A_130 : vector<64x128xf32>
    %get3A_132 = arith.index_cast %mul3A_125 : i32 to index
    %get3A_133 = vector.load %arg5[%get3A_132] : memref<10496xf32, #tpu.memory_space<vmem>>, vector<128xf32>
    %broadcast_in_dim3A_134 = vector.shape_cast %get3A_133 : vector<128xf32> to vector<1x128xf32>
    %sub3A_135 = vector.broadcast %broadcast_in_dim3A_79 : vector<64x1xf32> to vector<64x128xf32>
    %sub3A_136 = vector.broadcast %broadcast_in_dim3A_134 : vector<1x128xf32> to vector<64x128xf32>
    %sub3A_137 = arith.subf %sub3A_135, %sub3A_136 : vector<64x128xf32>
    %get3A_138 = arith.index_cast %mul3A_125 : i32 to index
    %get3A_139 = vector.load %arg6[%get3A_138] : memref<10496xf32, #tpu.memory_space<vmem>>, vector<128xf32>
    %broadcast_in_dim3A_140 = vector.shape_cast %get3A_139 : vector<128xf32> to vector<1x128xf32>
    %sub3A_141 = vector.broadcast %broadcast_in_dim3A_81 : vector<64x1xf32> to vector<64x128xf32>
    %sub3A_142 = vector.broadcast %broadcast_in_dim3A_140 : vector<1x128xf32> to vector<64x128xf32>
    %sub3A_143 = arith.subf %sub3A_141, %sub3A_142 : vector<64x128xf32>
    %mul3A_144 = arith.mulf %sub3A_131, %sub3A_131 : vector<64x128xf32>
    %mul3A_145 = arith.mulf %sub3A_137, %sub3A_137 : vector<64x128xf32>
    %add3A_146 = arith.addf %mul3A_144, %mul3A_145 : vector<64x128xf32>
    %mul3A_147 = arith.mulf %sub3A_143, %sub3A_143 : vector<64x128xf32>
    %add3A_148 = arith.addf %add3A_146, %mul3A_147 : vector<64x128xf32>
    %lt3A_149 = arith.cmpf olt, %add3A_148, %min3A_121 : vector<64x128xf32>
    %broadcast_in_dim3A_150 = vector.broadcast %scan3A_123 : i32 to vector<64x128xi32>
    %select_n3A_151 = arith.select %lt3A_149, %broadcast_in_dim3A_150, %select_n3A_120 : vector<64x128xi1>, vector<64x128xi32>
    %min3A_152 = arith.minimumf %add3A_148, %min3A_121 : vector<64x128xf32>
    %scan3A_153 = arith.constant 82 : i32
    %mul3A_154 = arith.constant 128 : i32
    %mul3A_155 = vector.broadcast %mul3A_154 : i32 to vector<64x128xi32>
    %mul3A_156 = arith.muli %select_n3A_73, %mul3A_155 : vector<64x128xi32>
    %add3A_157 = arith.addi %mul3A_156, %iota3A : vector<64x128xi32>
    %reduce_min3A = arith.constant dense<0x7F800000> : vector<64xf32>
    %reduce_min3A_158 = vector.multi_reduction <minimumf>, %min3A_74, %reduce_min3A [1] : vector<64x128xf32> to vector<64xf32>
    %broadcast_in_dim3A_159 = vector.shape_cast %reduce_min3A_158 : vector<64xf32> to vector<64x1xf32>
    %eq3A = vector.broadcast %broadcast_in_dim3A_159 : vector<64x1xf32> to vector<64x128xf32>
    %eq3A_160 = arith.cmpf oeq, %min3A_74, %eq3A : vector<64x128xf32>
    %jit3A = arith.constant 1073741824 : i32
    %broadcast_in_dim3A_161 = vector.broadcast %jit3A : i32 to vector<64x128xi32>
    %select_n3A_162 = arith.select %eq3A_160, %add3A_157, %broadcast_in_dim3A_161 : vector<64x128xi1>, vector<64x128xi32>
    %reduce_min3A_163 = arith.constant dense<2147483647> : vector<64xi32>
    %reduce_min3A_164 = vector.multi_reduction <minsi>, %select_n3A_162, %reduce_min3A_163 [1] : vector<64x128xi32> to vector<64xi32>
    %mul3A_165 = arith.constant 128 : i32
    %mul3A_166 = vector.broadcast %mul3A_165 : i32 to vector<64x128xi32>
    %mul3A_167 = arith.muli %select_n3A_151, %mul3A_166 : vector<64x128xi32>
    %add3A_168 = arith.addi %mul3A_167, %iota3A : vector<64x128xi32>
    %reduce_min3A_169 = arith.constant dense<0x7F800000> : vector<64xf32>
    %reduce_min3A_170 = vector.multi_reduction <minimumf>, %min3A_152, %reduce_min3A_169 [1] : vector<64x128xf32> to vector<64xf32>
    %broadcast_in_dim3A_171 = vector.shape_cast %reduce_min3A_170 : vector<64xf32> to vector<64x1xf32>
    %eq3A_172 = vector.broadcast %broadcast_in_dim3A_171 : vector<64x1xf32> to vector<64x128xf32>
    %eq3A_173 = arith.cmpf oeq, %min3A_152, %eq3A_172 : vector<64x128xf32>
    %jit3A_174 = arith.constant 1073741824 : i32
    %broadcast_in_dim3A_175 = vector.broadcast %jit3A_174 : i32 to vector<64x128xi32>
    %select_n3A_176 = arith.select %eq3A_173, %add3A_168, %broadcast_in_dim3A_175 : vector<64x128xi1>, vector<64x128xi32>
    %reduce_min3A_177 = arith.constant dense<2147483647> : vector<64xi32>
    %reduce_min3A_178 = vector.multi_reduction <minsi>, %select_n3A_176, %reduce_min3A_177 [1] : vector<64x128xi32> to vector<64xi32>
    %concatenate3A = tpu.concatenate %reduce_min3A_164, %reduce_min3A_178 in 0 : vector<64xi32>, vector<64xi32> -> vector<128xi32>
    %swap3A = arith.index_cast %multiple_of3A : i32 to index
    %swap3A_179 = vector.load %arg7[%swap3A] : memref<3072xi32, #tpu.memory_space<vmem>>, vector<128xi32>
    tpu.vector_store %arg7[%swap3A], %concatenate3A {strides = array<i32>} : memref<3072xi32, #tpu.memory_space<vmem>>, vector<128xi32>,
    return
  }
  func.func @transform_0(%arg0: i32) -> i32 {
    %c0_i32 = arith.constant 0 : i32
    %c0_i32_0 = arith.constant 0 : i32
    return %c0_i32 : i32
  }
  func.func @transform_1(%arg0: i32) -> i32 {
    %c0_i32 = arith.constant 0 : i32
    %c0_i32_0 = arith.constant 0 : i32
    return %c0_i32 : i32
  }
  func.func @transform_2(%arg0: i32) -> i32 {
    %c0_i32 = arith.constant 0 : i32
    %c0_i32_0 = arith.constant 0 : i32
    return %c0_i32 : i32
  }
  func.func @transform_3(%arg0: i32) -> i32 {
    %c0_i32 = arith.constant 0 : i32
    %c0_i32_0 = arith.constant 0 : i32
    return %c0_i32 : i32
  }
  func.func @transform_4(%arg0: i32) -> i32 {
    %c0_i32 = arith.constant 0 : i32
    %c0_i32_0 = arith.constant 0 : i32
    return %c0_i32 : i32
  }
  func.func @transform_5(%arg0: i32) -> i32 {
    %c0_i32 = arith.constant 0 : i32
    %c0_i32_0 = arith.constant 0 : i32
    return %c0_i32 : i32
  }
  func.func @transform_6(%arg0: i32) -> i32 {
    %c0_i32 = arith.constant 0 : i32
    %c0_i32_0 = arith.constant 0 : i32
    return %c0_i32 : i32
  }
}

</mosaic_0001>

<sc_bundles>
// kernel: kernel.4.cloned.1.call-start
scs
__scs_entry_jumppad:
0x0: {  	(pc) =	sbr.rel $0x88, $3  }
0x1: {  	(tag) =	ssettag $0x0;
	lr =	simm.s32 $0x1  }
0x2: {  	[smem:$0x3F9F] =	sst lr;
	_ =	strace $0xD0000000  }
0x3: {  	_ = 	snop  }
0x4: {  	_ = 	snop  }
0x5: {  	_ = 	snop  }
0x6: {  	_ = 	snop  }
0x7: {  	_ = 	snop  }
__scs_overlays_trampoline_lowered:
0x8: {  	[smem:$0x3FAE] =	sst s0  }
0x9: {  	[smem:$0x3FAF] =	sst s1  }
0xa: {  	[smem:$0x3FB0] =	sst s2  }
0xb: {  	[smem:$0x3FB1] =	sst s3  }
0xc: {  	[smem:$0x3FB2] =	sst s4  }
0xd: {  	[smem:$0x3FB3] =	sst s5  }
0xe: {  	[smem:$0x3FB4] =	sst s6  }
0xf: {  	[smem:$0x3FB5] =	sst s7  }
0x10: {  	[smem:$0x3FB6] =	sst s8  }
0x11: {  	[smem:$0x3FB7] =	sst s9;
	s0 =	simm.s32 @!p0 $0x0  }
0x12: {  	s1 =	sld [smem:$0x3F9D];
	s0 =	simm.s32 @p0 $0x1  }
0x13: {  	[smem:$0x3FB8] =	sst s0;
	s0 =	simm.s32 @!p1 $0x0  }
0x14: {  	s2 =	sld [smem:$0x3F9C];
	s0 =	simm.s32 @p1 $0x1  }
0x15: {  	[smem:$0x3FB9] =	sst s0;
	s0 =	simm.s32 @!p2 $0x0  }
0x16: {  	s3 =	sld [smem:$0x3FDB];
	s0 =	simm.s32 @p2 $0x1  }
0x17: {  	s4 =	simm.s32 $0x1BF5;
	[smem:$0x3FBB] =	sst s0  }
0x18: {  	s0 =	sld [smem:$0x3F9E];
	_ =	swait.ge [sflag:s4], $0x0  }
0x19: {  	s7 =	sld [smem:$0x3F9F]  }
0x1a: {  	s8 =	sadd.s32 $0xFFFFE003, lr  }
0x1b: {  	s9 =	sadd.s32 $0xFFFFFEF7, lr;
	s5 =	simm.s32 $0xFFFFFFFF;
	p2 =	slt.u32 s8, $0xFFFFF086  }
0x1c: {  	p1 =	slt.u32 s9, $0xF7A;
	s5 =	simm.s32 @!p2 $0x0  }
0x1d: {  	s5 =	simm.s32 @p1 $0x1;
	p0 =	seq.s32 s7, s2  }
0x1e: {  	s7 =	smul.u32 @!p0 $0xF7A, s2;
	p2 =	seq.s32 @!p0 s5, $0x0  }
0x1f: {  	s9 =	smul.u32 $0xF7A, s1;
	s8 =	simm.s32 @!p0 $0x1BF5;
	p2 =	por !p2, p0  }
0x20: {  	[sflag:s8] =	ssyncset.s32 @!p0 $0xFFFFF086;
	s6 =	sadd.s32 @!p0 s3, s7;
	s7 =	simm.s32 @!p0 $0x108  }
0x21: {  	s3 =	sadd.s32 s3, s9;
	s6 =	sadd.s32 @!p0 $0x88, s6;
	s7 =	simm.s32 @p2 $0x1082  }
0x22: {  	[simem:s7], [sflag:s8] =	dma.local @!p0 [hbm:s6], $0xF7A  }
0x23: {  	s9 =	sor.u32 $0xD0000000, s2;
	s6 =	simm.s32 $0x108;
	_ =	swait.ge @!p0 [sflag:s8], $0x0  }
0x24: {  	s3 =	sadd.s32 $0x88, s3;
	s6 =	simm.s32 @!p1 $0x1082;
	[sflag:s4] =	ssyncset.s32 $0xFFFFF086  }
0x25: {  	[simem:s6], [sflag:s4] =	dma.local [hbm:s3], $0xF7A  }
0x26: {  	[smem:$0x3F9F] =	sst s1;
	(tag) =	ssettag s2;
	_ =	strace s9  }
0x27: {  	s1 =	sld [smem:$0x3FAF]  }
0x28: {  	s2 =	sld [smem:$0x3FB0]  }
0x29: {  	s4 =	sld [smem:$0x3FB2]  }
0x2a: {  	p0 =	seq.s32 s5, $0x0;
	s5 =	sld [smem:$0x3FB3]  }
0x2b: {  	s6 =	sld [smem:$0x3FB4]  }
0x2c: {  	s7 =	sld [smem:$0x3FB5]  }
0x2d: {  	s3 =	simm.s32 $0x108;
	s8 =	sld [smem:$0x3FB6]  }
0x2e: {  	s3 =	simm.s32 @!p0 $0x1082;
	s9 =	sld [smem:$0x3FB7]  }
0x2f: {  	lr =	sadd.s32 s0, s3;
	s0 =	sld [smem:$0x3FAE]  }
0x30: {  	s3 =	sld [smem:$0x3FB1]  }
0x31: {  	[smem:$0x3FBA] =	sst s10  }
0x32: {  	s10 =	sld [smem:$0x3FB8];
	_ =	sdelay $0x3  }
0x33: {  	p0 =	seq.s32 s10, $0x1;
	s10 =	sld [smem:$0x3FBA];
	_ =	sdelay $0x3  }
0x34: {  	[smem:$0x3FBA] =	sst s10  }
0x35: {  	s10 =	sld [smem:$0x3FB9];
	_ =	sdelay $0x3  }
0x36: {  	p1 =	seq.s32 s10, $0x1;
	s10 =	sld [smem:$0x3FBA];
	_ =	sdelay $0x3  }
0x37: {  	[smem:$0x3FBA] =	sst s10  }
0x38: {  	s10 =	sld [smem:$0x3FBB]  }
0x39: {  	_ = 	snop;
	(pc) =	sbr.ind lr, $3  }
0x3a: {  	_ = 	snop  }
0x3b: {  	_ = 	snop  }
0x3c: {  	p2 =	seq.s32 s10, $0x1;
	s10 =	sld [smem:$0x3FBA]  }
0x3d: {  	_ =	shalt  }
0x3e: {  	_ =	shalt  }
0x3f: {  	_ =	shalt  }
0x40: {  	_ =	shalt  }
0x41: {  	_ =	shalt  }
0x42: {  	_ =	shalt  }
0x43: {  	_ =	shalt  }
0x44: {  	_ =	shalt  }
0x45: {  	_ =	shalt  }
0x46: {  	_ =	shalt  }
0x47: {  	_ =	shalt  }
0x48: {  	_ =	shalt  }
0x49: {  	_ =	shalt  }
0x4a: {  	_ =	shalt  }
0x4b: {  	_ =	shalt  }
0x4c: {  	_ =	shalt  }
0x4d: {  	_ =	shalt  }
0x4e: {  	_ =	shalt  }
0x4f: {  	_ =	shalt  }
0x50: {  	_ =	shalt  }
0x51: {  	_ =	shalt  }
0x52: {  	_ =	shalt  }
0x53: {  	_ =	shalt  }
0x54: {  	_ =	shalt  }
0x55: {  	_ =	shalt  }
0x56: {  	_ =	shalt  }
0x57: {  	_ =	shalt  }
0x58: {  	_ =	shalt  }
0x59: {  	_ =	shalt  }
0x5a: {  	_ =	shalt  }
0x5b: {  	_ =	shalt  }
0x5c: {  	_ =	shalt  }
0x5d: {  	_ =	shalt  }
0x5e: {  	_ =	shalt  }
0x5f: {  	_ =	shalt  }
0x60: {  	_ =	shalt  }
0x61: {  	_ =	shalt  }
0x62: {  	_ =	shalt  }
0x63: {  	_ =	shalt  }
0x64: {  	_ =	shalt  }
0x65: {  	_ =	shalt  }
0x66: {  	_ =	shalt  }
0x67: {  	_ =	shalt  }
0x68: {  	_ =	shalt  }
0x69: {  	_ =	shalt  }
0x6a: {  	_ =	shalt  }
0x6b: {  	_ =	shalt  }
0x6c: {  	_ =	shalt  }
0x6d: {  	_ =	shalt  }
0x6e: {  	_ =	shalt  }
0x6f: {  	_ =	shalt  }
0x70: {  	_ =	shalt  }
0x71: {  	_ =	shalt  }
0x72: {  	_ =	shalt  }
0x73: {  	_ =	shalt  }
0x74: {  	_ =	shalt  }
0x75: {  	_ =	shalt  }
0x76: {  	_ =	shalt  }
0x77: {  	_ =	shalt  }
0x78: {  	_ =	shalt  }
0x79: {  	_ =	shalt  }
0x7a: {  	_ =	shalt  }
0x7b: {  	_ =	shalt  }
0x7c: {  	_ =	shalt  }
0x7d: {  	_ =	shalt  }
0x7e: {  	_ =	shalt  }
0x7f: {  	_ =	shalt  }
0x80: {  	_ =	shalt  }
0x81: {  	_ =	shalt  }
0x82: {  	_ =	shalt  }
0x83: {  	_ =	shalt  }
0x84: {  	_ =	shalt  }
0x85: {  	_ =	shalt  }
0x86: {  	_ =	shalt  }
0x87: {  	_ =	shalt  }
.Lfunc_end0:
.L_simem_size_0:
called_computation_lowered:
.L_overlay_start_0:
0x88: {  	s2 =	sld [smem:$0x3FD9]  }
0x89: {  	s3 =	sld [smem:$0x3FFE];
	_ =	sdelay $0x1  }
0x8a: {  	s1 =	srdreg.scid  }
0x8b: {  	s0 =	sand.u32 $0x1, s1  }
0x8c: {  	s17 =	sshll.u32 s0, $0xA;
	s2 =	sadd.s32 s3, s2  }
0x8d: {  	s2 =	sadd.s32 s2, s17  }
0x8e: {  	[smem:$0x3FC6] =	sst s2  }
0x8f: {  	_ = 	snop  }
0x90: {  	s2 =	sld [smem:$0x3FD0];
	(tm) =	ssettm $0x1  }
0x91: {  	s18 =	sld [smem:$0x3FFB];
	_ =	sdelay $0x3  }
0x92: {  	_ =	strace s18  }
0x93: {  	s3 =	sld [smem:$0x3FFC];
	_ =	sdelay $0x3  }
0x94: {  	_ =	strace s3  }
0x95: {  	s3 =	sld [smem:$0x3FFD];
	_ =	sdelay $0x3  }
0x96: {  	_ =	strace s3  }
0x97: {  	_ =	strace $0x8FFFFFFF  }
0x98: {  	s19 =	sld [smem:$0x3FDB];
	_ =	sdelay $0x1  }
0x99: {  	s4 =	simm.s32 $_scs_section_size  }
0x9a: {  	s5 =	simm.s32 $_size__tile_overlayer_lowered;
	s6 =	simm.s32 $_tile_overlayer_lowered  }
0x9b: {  	s22 =	simm.s32 $0x1BFF;
	s21 =	sshll.u32 s6, $0x1;
	s3 =	sadd.s32 s4, s19  }
0x9c: {  	s7 =	simm.s32 $0x0;
	s20 =	sshll.u32 s5, $0x1;
	s5 =	sadd.s32 s21, s3  }
0x9d: {  	[timem:s7], [sflag:s22] =	dma.local [hbm:s5], s20  }
0x9e: {  	_ =	swait.ge [sflag:s22], s20  }
0x9f: {  	s4 =	ssub.s32 $0x0, s20;
	[sflag:s22] =	ssyncset.done $0x0  }
0xa0: {  	[sflag:s22] =	ssyncadd.s32 s4;
	_ =	sdelay $0x1  }
0xa1: {  	s23 =	simm.s32 $0x1B8B  }
0xa2: {  	_ =	swait.ge [sflag:s23], $0x1  }
0xa3: {  	[sflag:s23] =	ssyncset.done $0x0  }
0xa4: {  	s25 =	simm.s32 $0x1B8E;
	s24 =	sld [smem:$0x3FFE];
	[sflag:s23] =	ssyncadd.s32 $0xFFFFFFFF  }
0xa5: {  	s26 =	simm.s32 $execute0_lowered;
	[smem:$0x3FD2] =	sst s25  }
0xa6: {  	s5 =	sshll.u32 s26, $0x1;
	_ =	strace $0x80000046;
	[dreg:$0x1] =	wrdreg $0xFFFFFFFF  }
0xa7: {  	s28 =	simm.s32 $_size_execute0_lowered;
	s3 =	sadd.s32 s3, s5;
	[dreg:$0x0] =	wrdreg $0x0  }
0xa8: {  	s5 =	sshll.u32 s28, $0x1;
	[dreg:$0x2] =	wrdreg s3  }
0xa9: {  	[dreg:$0x3] =	wrdreg s5  }
0xaa: {  	[dreg:$0x4] =	wrdreg $0xC0  }
0xab: {  	_ =	task [dreg:s7], $0x5FFFF  }
0xac: {  	[dreg:$0x1] =	wrdreg $0xFFFFFFFF  }
0xad: {  	[dreg:$0x0] =	wrdreg $0x60  }
0xae: {  	[dreg:$0x2] =	wrdreg s24  }
0xaf: {  	[dreg:$0x3] =	wrdreg s2  }
0xb0: {  	[dreg:$0x4] =	wrdreg $0x9  }
0xb1: {  	_ =	task.clear_ibuf [dreg:s7], $0x5FFFF;
	_ =	strace $0x90000046  }
0xb2: {  	s29 =	simm.s32 $0x9;
	_ =	strace $0x80000048  }
0xb3: {  	_ =	swait.ge [sflag:s29], $0x1  }
0xb4: {  	[sflag:s29] =	ssyncadd.s32 $0xFFFFFFFF  }
0xb5: {  	_ =	strace $0x90000048  }
0xb6: {  	_ =	sfence  }
0xb7: {  	s30 =	sld [smem:$0x0];
	_ =	sdelay $0x2  }
0xb8: {  	s31 =	sshll.u32 s1, $0xD;
	s1 =	sshrl.u32 s1, $0x2  }
0xb9: {  	s3 =	sand.u32 $0x4000, s31;
	s1 =	sadd.s32 s1, s30  }
0xba: {  	s0 =	sor.u32 s3, s0;
	s1 =	sshll.u32 s1, $0x11  }
0xbb: {  	s0 =	sor.u32 s1, s0  }
0xbc: {  	s0 =	sadd.s32 $0x8F2B, s0  }
0xbd: {  	[sflag:s0] =	ssyncadd.remote.s32 $0x1  }
0xbe: {  	_ =	sfence.sel $0xFFFF  }
0xbf: {  	[dreg:$0x0] =	wrdreg $0xFFFFFFFF;
	(pc) =	sbr.abs _section_cstart, $3  }
0xc0: {  	[dreg:$0x1] =	wrdreg $0xFFFFFFFF  }
0xc1: {  	_ =	task.clear_ibuf [dreg:s7], $0x2FFFF;
	_ =	strace $0x9FFFFFFF  }
0xc2: {  	(tm) =	ssettm $0x7FFFFFFF  }
0xc3: {  	_ =	shalt  }
tec
execute0_lowered:
.L_overlay_start_1:
0x0: {  	(tag) =	ssettag $0x1  }
0x1: {  	s5 =	rddreg [dreg:$0x0]  }
0x2: {  	s8 =	rddreg [dreg:$0x1]  }
0x3: {  	s0 =	rddreg [dreg:$0x2];
	s2 =	simm.s32 $0x0;
	s3 =	srdreg.scid  }
0x4: {  	s1 =	stileid.u32;
	s12 =	simm.s32 $0x2900;
	s13 =	simm.s32 $0x5200  }
0x5: {  	s14 =	simm.s32 $0x7B00;
	s15 =	simm.s32 $0x7B80;
	s16 =	simm.s32 $0x7C00  }
0x6: {  	s17 =	simm.s32 $0x8280;
	s18 =	simm.s32 $0x0;
	[smem:$0x7FF] =	sst s2  }
0x7: {  	s4 =	sand.u32 $0x1, s3;
	s6 =	sshll.u32 s1, $0x3;
	s3 =	sadd.s32 $0xE00, s5  }
0x8: {  	_ =	strace $0x80000047;
	s7 =	sshll.u32 s4, $0x2;
	s30 =	ssub.s32 $0x2, s4  }
0x9: {  	s4 =	sadd.s32 $0x800, s5;
	s9 =	sor.u32 s7, s6;
	s31 =	sshrl.u32 s30, $0x1  }
0xa: {  	s10 =	sadd.s32 s9, s5;
	s5 =	sadd.s32 $0x200, s5;
	s11 =	ssub.s32 s30, s31  }
0xb: {  	s8 =	sadd.s32 s8, s9;
	s6 =	sadd.s32 $0x1600, s10;
	s7 =	sadd.s32 $0x1400, s10  }
0xc: {  	vm0 =	vcmask $0x3F3C;
	s9 =	sadd.s32 $0x1800, s10;
	s10 =	smax.u32 s11, $0x1;
	s11 =	simm.s32 $0x1  }
.LBB2_1:
0xd: {  	[tilespmem:s2], [sflag:$0x1] =	stream.linear.gather [hbm4b:s3+s2], $0x2900, $0x38;
	[tilespmem:$0x8300] =	vst v63  }
0xe: {  	_ =	swait.ge [sflag:s11], $0x2900  }
0xf: {  	[sflag:s11] =	ssyncset.done $0x0  }
0x10: {  	[sflag:s11] =	ssyncadd.s32 $0xFFFFD700  }
0x11: {  	[tilespmem:s12], [sflag:$0x1] =	stream.linear.gather [hbm4b:s4+s2], $0x2900, $0x38;
	[tilespmem:$0x8300] =	vst v63  }
0x12: {  	_ =	swait.ge [sflag:s11], $0x2900  }
0x13: {  	[sflag:s11] =	ssyncset.done $0x0  }
0x14: {  	[sflag:s11] =	ssyncadd.s32 $0xFFFFD700  }
0x15: {  	[tilespmem:s13], [sflag:$0x1] =	stream.linear.gather [hbm4b:s5+s2], $0x2900, $0x38;
	[tilespmem:$0x8300] =	vst v63  }
0x16: {  	_ =	swait.ge [sflag:s11], $0x2900  }
0x17: {  	[sflag:s11] =	ssyncset.done $0x0  }
0x18: {  	[sflag:s11] =	ssyncadd.s32 $0xFFFFD700  }
0x19: {  	[tilespmem:s14], [sflag:$0x1] =	stream.linear.gather [hbm4b:s6+s2], $0x20, $0x38;
	[tilespmem:$0x8300] =	vst v63  }
0x1a: {  	_ =	swait.ge [sflag:s11], $0x20  }
0x1b: {  	[sflag:s11] =	ssyncset.done $0x0  }
0x1c: {  	[sflag:s11] =	ssyncadd.s32 $0xFFFFFFE0  }
0x1d: {  	[tilespmem:s15], [sflag:$0x1] =	stream.linear.gather [hbm4b:s7+s2], $0x20, $0x38;
	[tilespmem:$0x8300] =	vst v63  }
0x1e: {  	_ =	swait.ge [sflag:s11], $0x20  }
0x1f: {  	[sflag:s11] =	ssyncset.done $0x0  }
0x20: {  	[sflag:s11] =	ssyncadd.s32 $0xFFFFFFE0  }
0x21: {  	[tilespmem:s16], [sflag:$0x1] =	stream.linear.gather [hbm4b:s8+s2], $0x20, $0x38;
	[tilespmem:$0x8300] =	vst v63  }
0x22: {  	_ =	swait.ge [sflag:s11], $0x20  }
0x23: {  	[sflag:s11] =	ssyncset.done $0x0  }
0x24: {  	[sflag:s11] =	ssyncadd.s32 $0xFFFFFFE0  }
0x25: {  	v0 =	vld [tilespmem:$0x7B00]  }
0x26: {  	v1 =	vld [tilespmem:$0x7B80]  }
0x27: {  	v2 =	vld [tilespmem:$0x7C00];
	_ =	sdelay $0x2  }
0x28: {  	v3 =	vbroadcast v0, $0x0  }
0x29: {  	v4 =	vbroadcast v1, $0x0  }
0x2a: {  	v27 =	vbroadcast v2, $0x0;
	[tilespmem:$0x7C80] =	vst v3  }
0x2b: {  	v28 =	vbroadcast v0, $0x1;
	[tilespmem:$0x7E80] =	vst v4  }
0x2c: {  	v29 =	vbroadcast v1, $0x1;
	[tilespmem:$0x8080] =	vst v27  }
0x2d: {  	v30 =	vbroadcast v2, $0x1;
	[tilespmem:$0x7C90] =	vst v28  }
0x2e: {  	v31 =	vbroadcast v0, $0x2;
	[tilespmem:$0x7E90] =	vst v29  }
0x2f: {  	v32 =	vbroadcast v1, $0x2;
	[tilespmem:$0x8090] =	vst v30  }
0x30: {  	v33 =	vbroadcast v2, $0x2;
	[tilespmem:$0x7CA0] =	vst v31  }
0x31: {  	v34 =	vbroadcast v0, $0x3;
	[tilespmem:$0x7EA0] =	vst v32  }
0x32: {  	v35 =	vbroadcast v1, $0x3;
	[tilespmem:$0x80A0] =	vst v33  }
0x33: {  	v36 =	vbroadcast v2, $0x3;
	[tilespmem:$0x7CB0] =	vst v34  }
0x34: {  	v37 =	vbroadcast v0, $0x4;
	[tilespmem:$0x7EB0] =	vst v35  }
0x35: {  	v38 =	vbroadcast v1, $0x4;
	[tilespmem:$0x80B0] =	vst v36  }
0x36: {  	v39 =	vbroadcast v2, $0x4;
	[tilespmem:$0x7CC0] =	vst v37  }
0x37: {  	v40 =	vbroadcast v0, $0x5;
	[tilespmem:$0x7EC0] =	vst v38  }
0x38: {  	v41 =	vbroadcast v1, $0x5;
	[tilespmem:$0x80C0] =	vst v39  }
0x39: {  	v42 =	vbroadcast v2, $0x5;
	[tilespmem:$0x7CD0] =	vst v40  }
0x3a: {  	v43 =	vbroadcast v0, $0x6;
	[tilespmem:$0x7ED0] =	vst v41  }
0x3b: {  	v44 =	vbroadcast v1, $0x6;
	[tilespmem:$0x80D0] =	vst v42  }
0x3c: {  	v45 =	vbroadcast v2, $0x6;
	[tilespmem:$0x7CE0] =	vst v43  }
0x3d: {  	v46 =	vbroadcast v0, $0x7;
	[tilespmem:$0x7EE0] =	vst v44  }
0x3e: {  	v47 =	vbroadcast v1, $0x7;
	[tilespmem:$0x80E0] =	vst v45  }
0x3f: {  	v48 =	vbroadcast v2, $0x7;
	[tilespmem:$0x7CF0] =	vst v46  }
0x40: {  	v49 =	vbroadcast v0, $0x8;
	[tilespmem:$0x7EF0] =	vst v47  }
0x41: {  	v50 =	vbroadcast v1, $0x8;
	[tilespmem:$0x80F0] =	vst v48  }
0x42: {  	v51 =	vbroadcast v2, $0x8;
	[tilespmem:$0x7D00] =	vst v49  }
0x43: {  	v52 =	vbroadcast v0, $0x9;
	[tilespmem:$0x7F00] =	vst v50  }
0x44: {  	v53 =	vbroadcast v1, $0x9;
	[tilespmem:$0x8100] =	vst v51  }
0x45: {  	v54 =	vbroadcast v2, $0x9;
	[tilespmem:$0x7D10] =	vst v52  }
0x46: {  	v55 =	vbroadcast v0, $0xA;
	[tilespmem:$0x7F10] =	vst v53  }
0x47: {  	v56 =	vbroadcast v1, $0xA;
	[tilespmem:$0x8110] =	vst v54  }
0x48: {  	v57 =	vbroadcast v2, $0xA;
	[tilespmem:$0x7D20] =	vst v55  }
0x49: {  	v58 =	vbroadcast v0, $0xB;
	[tilespmem:$0x7F20] =	vst v56  }
0x4a: {  	v59 =	vbroadcast v1, $0xB;
	[tilespmem:$0x8120] =	vst v57  }
0x4b: {  	v60 =	vbroadcast v2, $0xB;
	[tilespmem:$0x7D30] =	vst v58  }
0x4c: {  	v61 =	vbroadcast v0, $0xC;
	[tilespmem:$0x7F30] =	vst v59  }
0x4d: {  	v62 =	vbroadcast v1, $0xC;
	[tilespmem:$0x8130] =	vst v60  }
0x4e: {  	v63 =	vbroadcast v2, $0xC;
	[tilespmem:$0x7D40] =	vst v61  }
0x4f: {  	v8 =	vbroadcast v0, $0xD;
	[tilespmem:$0x7F40] =	vst v62  }
0x50: {  	v9 =	vbroadcast v1, $0xD;
	[tilespmem:$0x8140] =	vst v63  }
0x51: {  	v10 =	vbroadcast v2, $0xD;
	[tilespmem:$0x7D50] =	vst v8  }
0x52: {  	v11 =	vbroadcast v0, $0xE;
	[tilespmem:$0x7F50] =	vst v9  }
0x53: {  	v5 =	vld [tilespmem:$0x7B10];
	v12 =	vbroadcast v1, $0xE;
	[tilespmem:$0x8150] =	vst v10  }
0x54: {  	v6 =	vld [tilespmem:$0x7B90];
	v13 =	vbroadcast v2, $0xE;
	[tilespmem:$0x7D60] =	vst v11  }
0x55: {  	v14 =	vld [tilespmem:$0x7C10];
	v0 =	vbroadcast v0, $0xF;
	[tilespmem:$0x7F60] =	vst v12  }
0x56: {  	v1 =	vbroadcast v1, $0xF;
	[tilespmem:$0x8160] =	vst v13  }
0x57: {  	v15 =	vbroadcast v2, $0xF;
	[tilespmem:$0x7D70] =	vst v0  }
0x58: {  	v16 =	vbroadcast v5, $0x0;
	[tilespmem:$0x7F70] =	vst v1  }
0x59: {  	v17 =	vbroadcast v6, $0x0;
	[tilespmem:$0x8170] =	vst v15  }
0x5a: {  	v18 =	vbroadcast v14, $0x0;
	[tilespmem:$0x7D80] =	vst v16  }
0x5b: {  	v19 =	vbroadcast v5, $0x1;
	[tilespmem:$0x7F80] =	vst v17  }
0x5c: {  	v20 =	vbroadcast v6, $0x1;
	[tilespmem:$0x8180] =	vst v18  }
0x5d: {  	v21 =	vbroadcast v14, $0x1;
	[tilespmem:$0x7D90] =	vst v19  }
0x5e: {  	v22 =	vbroadcast v5, $0x2;
	[tilespmem:$0x7F90] =	vst v20  }
0x5f: {  	v23 =	vbroadcast v6, $0x2;
	[tilespmem:$0x8190] =	vst v21  }
0x60: {  	v24 =	vbroadcast v14, $0x2;
	[tilespmem:$0x7DA0] =	vst v22  }
0x61: {  	v25 =	vbroadcast v5, $0x3;
	[tilespmem:$0x7FA0] =	vst v23  }
0x62: {  	v26 =	vbroadcast v6, $0x3;
	[tilespmem:$0x81A0] =	vst v24  }
0x63: {  	[tilespmem:$0x7DB0] =	vst v25;
	v27 =	vbroadcast v14, $0x3  }
0x64: {  	[tilespmem:$0x7FB0] =	vst v26;
	v28 =	vbroadcast v5, $0x4  }
0x65: {  	v29 =	vbroadcast v6, $0x4;
	[tilespmem:$0x81B0] =	vst v27  }
0x66: {  	v30 =	vbroadcast v14, $0x4;
	[tilespmem:$0x7DC0] =	vst v28  }
0x67: {  	v31 =	vbroadcast v5, $0x5;
	[tilespmem:$0x7FC0] =	vst v29  }
0x68: {  	v32 =	vbroadcast v6, $0x5;
	[tilespmem:$0x81C0] =	vst v30  }
0x69: {  	v33 =	vbroadcast v14, $0x5;
	[tilespmem:$0x7DD0] =	vst v31  }
0x6a: {  	v34 =	vbroadcast v5, $0x6;
	[tilespmem:$0x7FD0] =	vst v32  }
0x6b: {  	v35 =	vbroadcast v6, $0x6;
	[tilespmem:$0x81D0] =	vst v33  }
0x6c: {  	v36 =	vbroadcast v14, $0x6;
	[tilespmem:$0x7DE0] =	vst v34  }
0x6d: {  	v37 =	vbroadcast v5, $0x7;
	[tilespmem:$0x7FE0] =	vst v35  }
0x6e: {  	v38 =	vbroadcast v6, $0x7;
	[tilespmem:$0x81E0] =	vst v36  }
0x6f: {  	v39 =	vbroadcast v14, $0x7;
	[tilespmem:$0x7DF0] =	vst v37  }
0x70: {  	v40 =	vbroadcast v5, $0x8;
	[tilespmem:$0x7FF0] =	vst v38  }
0x71: {  	v41 =	vbroadcast v6, $0x8;
	[tilespmem:$0x81F0] =	vst v39  }
0x72: {  	v42 =	vbroadcast v14, $0x8;
	[tilespmem:$0x7E00] =	vst v40  }
0x73: {  	v43 =	vbroadcast v5, $0x9;
	[tilespmem:$0x8000] =	vst v41  }
0x74: {  	v44 =	vbroadcast v6, $0x9;
	[tilespmem:$0x8200] =	vst v42  }
0x75: {  	v45 =	vbroadcast v14, $0x9;
	[tilespmem:$0x7E10] =	vst v43  }
0x76: {  	v46 =	vbroadcast v5, $0xA;
	[tilespmem:$0x8010] =	vst v44  }
0x77: {  	v47 =	vbroadcast v6, $0xA;
	[tilespmem:$0x8210] =	vst v45  }
0x78: {  	v48 =	vbroadcast v14, $0xA;
	[tilespmem:$0x7E20] =	vst v46  }
0x79: {  	v49 =	vbroadcast v5, $0xB;
	[tilespmem:$0x8020] =	vst v47  }
0x7a: {  	v50 =	vbroadcast v6, $0xB;
	[tilespmem:$0x8220] =	vst v48  }
0x7b: {  	v51 =	vbroadcast v14, $0xB;
	[tilespmem:$0x7E30] =	vst v49  }
0x7c: {  	v52 =	vbroadcast v5, $0xC;
	[tilespmem:$0x8030] =	vst v50  }
0x7d: {  	v53 =	vbroadcast v6, $0xC;
	[tilespmem:$0x8230] =	vst v51  }
0x7e: {  	v54 =	vbroadcast v14, $0xC;
	[tilespmem:$0x7E40] =	vst v52  }
0x7f: {  	v55 =	vbroadcast v5, $0xD;
	[tilespmem:$0x8040] =	vst v53  }
0x80: {  	v56 =	vbroadcast v6, $0xD;
	[tilespmem:$0x8240] =	vst v54  }
0x81: {  	v57 =	vbroadcast v14, $0xD;
	[tilespmem:$0x7E50] =	vst v55  }
0x82: {  	v58 =	vbroadcast v5, $0xE;
	[tilespmem:$0x8050] =	vst v56  }
0x83: {  	v59 =	vbroadcast v6, $0xE;
	[tilespmem:$0x8250] =	vst v57  }
0x84: {  	v60 =	vbroadcast v14, $0xE;
	[tilespmem:$0x7E60] =	vst v58  }
0x85: {  	v61 =	vbroadcast v5, $0xF;
	[tilespmem:$0x8060] =	vst v59  }
0x86: {  	v62 =	vbroadcast v6, $0xF;
	[tilespmem:$0x8260] =	vst v60  }
0x87: {  	v63 =	vbroadcast v14, $0xF;
	[tilespmem:$0x7E70] =	vst v61  }
0x88: {  	[tilespmem:$0x8070] =	vst v62  }
0x89: {  	s19 =	simm.s32 $0x0;
	[tilespmem:$0x8270] =	vst v63  }
.LBB2_2:
0x8a: {  	s20 =	sshll.u32 s19, $0x4  }
0x8b: {  	v0 =	vld [tilespmem:s20+$0x7C80]  }
0x8c: {  	v2 =	vld [tilespmem:s20+$0x7E80]  }
0x8d: {  	s28 =	simm.s32 $0x2940;
	v1 =	vld [tilespmem:s20+$0x8080]  }
0x8e: {  	s21 =	simm.s32 $0x5240;
	v3 =	vld [tilespmem:s28+$0xFFFFFFC0]  }
0x8f: {  	v4 =	vld [tilespmem:s21+$0x30]  }
0x90: {  	v5 =	vld [tilespmem:s28+$0x30]  }
0x91: {  	v6 =	vld [tilespmem:s21+$0x20]  }
0x92: {  	s22 =	simm.s32 $0x40;
	v7 =	vld [tilespmem:s28+$0x20]  }
0x93: {  	v8 =	vld [tilespmem:s22+$0x20]  }
0x94: {  	v9 =	vld [tilespmem:s21+$0x10]  }
0x95: {  	v10 =	vld [tilespmem:s21+$0x0]  }
0x96: {  	v11 =	vld [tilespmem:s21+$0xFFFFFFF0]  }
0x97: {  	v12 =	vld [tilespmem:s28+$0x10]  }
0x98: {  	v14 =	vld [tilespmem:s28+$0xFFFFFFE0]  }
0x99: {  	v15 =	vld [tilespmem:s22+$0x0]  }
0x9a: {  	v16 =	vld [tilespmem:s28+$0xFFFFFFF0]  }
0x9b: {  	v22 =	vld [tilespmem:s22+$0xFFFFFFF0];
	v3 =	vsub.f32 v3, v2  }
0x9c: {  	v23 =	vld [tilespmem:s22+$0xFFFFFFC0];
	v5 =	vsub.f32 v5, v2;
	v20 =	vsub.f32 v4, v1  }
0x9d: {  	v17 =	vimm.f32 $3.000000010e+38;
	s30 =	simm.s32 $0x52C0;
	v26 =	vld [tilespmem:s22+$0x10];
	v4 =	vsub.f32 v8, v0;
	v7 =	vsub.f32 v7, v2  }
0x9e: {  	v19 =	vimm.s32 $0x0;
	v31 =	vld [tilespmem:s30+$0x0];
	v10 =	vsub.f32 v10, v1;
	v6 =	vsub.f32 v6, v1  }
0x9f: {  	v21 =	vlaneseq.u32;
	v18 =	vld [tilespmem:s22+$0xFFFFFFD0];
	v9 =	vsub.f32 v9, v1;
	v16 =	vsub.f32 v16, v2  }
0xa0: {  	v13 =	vld [tilespmem:s21+$0xFFFFFFE0];
	v34 =	vadd.s32 $0x50, v21;
	v11 =	vsub.f32 v11, v1;
	v14 =	vsub.f32 v14, v2  }
0xa1: {  	v35 =	vadd.s32 $0x30, v21;
	v22 =	vsub.f32 v22, v0;
	v12 =	vsub.f32 v12, v2  }
0xa2: {  	v27 =	vld [tilespmem:s28+$0xFFFFFFD0];
	v36 =	vadd.s32 $0x40, v21;
	v23 =	vsub.f32 v23, v0;
	v26 =	vsub.f32 v26, v0  }
0xa3: {  	v8 =	vld [tilespmem:s22+$0xFFFFFFE0];
	v31 =	vsub.f32 v31, v1;
	v25 =	vmul.f32 v4, v4;
	v4 =	vsub.f32 v15, v0  }
0xa4: {  	v15 =	vsub.f32 v18, v0;
	v18 =	vld [tilespmem:s28+$0x0];
	v16 =	vmul.f32 v16, v16;
	v22 =	vmul.f32 v22, v22  }
0xa5: {  	v29 =	vld [tilespmem:s21+$0xFFFFFFC0];
	v3 =	vmul.f32 v3, v3;
	v24 =	vmul.f32 v5, v5;
	v5 =	vsub.f32 v13, v1  }
0xa6: {  	v13 =	vld [tilespmem:s21+$0xFFFFFFD0];
	v10 =	vmul.f32 v10, v10;
	v11 =	vmul.f32 v11, v11;
	v16 =	vadd.f32 v16, v22  }
0xa7: {  	v14 =	vmul.f32 v14, v14;
	v12 =	vmul.f32 v12, v12;
	v22 =	vsub.f32 v27, v2  }
0xa8: {  	v15 =	vmul.f32 v15, v15;
	v8 =	vsub.f32 v8, v0;
	v27 =	vadd.f32 v11, v16  }
0xa9: {  	s31 =	simm.s32 $0xC0;
	v28 =	vld [tilespmem:s22+$0x30];
	v11 =	vmul.f32 v22, v22;
	v22 =	vmul.f32 v23, v23;
	v18 =	vsub.f32 v18, v2  }
0xaa: {  	v4 =	vmul.f32 v4, v4;
	v23 =	vsub.f32 v29, v1;
	v29 =	vld [tilespmem:s31+$0x20];
	v8 =	vmul.f32 v8, v8  }
0xab: {  	s29 =	simm.s32 $0x29C0;
	v13 =	vsub.f32 v13, v1;
	v3 =	vadd.f32 v3, v22;
	v22 =	vld [tilespmem:s30+$0x20];
	v18 =	vmul.f32 v18, v18  }
0xac: {  	v16 =	vmul.f32 v26, v26;
	v11 =	vadd.f32 v11, v15;
	v15 =	vld [tilespmem:s29+$0x20];
	v8 =	vadd.f32 v14, v8  }
0xad: {  	v14 =	vmul.f32 v6, v6;
	v6 =	vld [tilespmem:s29+$0xFFFFFFC0];
	v13 =	vmul.f32 v13, v13;
	v4 =	vadd.f32 v18, v4  }
0xae: {  	v26 =	vld [tilespmem:s29+$0x30];
	v16 =	vadd.f32 v12, v16;
	v18 =	vsub.f32 v28, v0;
	v28 =	vadd.s32 $0x10, v21  }
0xaf: {  	v13 =	vadd.f32 v13, v11;
	v10 =	vadd.f32 v10, v4;
	v4 =	vmul.f32 v5, v5  }
0xb0: {  	v32 =	vld [tilespmem:s30+$0xFFFFFFF0];
	v29 =	vsub.f32 v29, v0;
	v5 =	vmul.f32 v23, v23;
	v23 =	vmul.f32 v9, v9  }
0xb1: {  	v9 =	vmul.f32 v7, v7;
	v11 =	vsub.f32 v15, v2;
	v22 =	vsub.f32 v22, v1  }
0xb2: {  	v12 =	vld [tilespmem:s30+$0x30];
	v15 =	vmul.f32 v20, v20;
	v6 =	vsub.f32 v6, v2;
	v3 =	vadd.f32 v5, v3  }
0xb3: {  	v37 =	vld [tilespmem:s31+$0x0];
	v18 =	vmul.f32 v18, v18;
	v5 =	vsub.f32 v26, v2;
	v30 =	vadd.f32 v4, v8  }
0xb4: {  	v20 =	vld [tilespmem:s29+$0xFFFFFFF0];
	v8 =	vadd.s32 $0x60, v21;
	v25 =	vadd.f32 v9, v25;
	v39 =	vadd.f32 v23, v16  }
0xb5: {  	v38 =	vld [tilespmem:s31+$0xFFFFFFD0];
	v9 =	vmul.f32 v29, v29;
	v18 =	vadd.f32 v24, v18;
	v29 =	vsub.f32 v32, v1  }
0xb6: {  	v26 =	vld [tilespmem:s30+$0x10];
	v7 =	vmul.f32 v6, v6;
	v6 =	vadd.s32 $0x70, v21;
	vm1 =	vlt.f32 v3, v17  }
0xb7: {  	v23 =	vld [tilespmem:s31+$0xFFFFFFF0];
	v17 =	vmin.f32 v3, v17;
	v4 =	vmul.f32 v5, v5;
	v5 =	vsub.f32 v12, v1  }
0xb8: {  	v24 =	vld [tilespmem:s30+$0xFFFFFFD0];
	v14 =	vadd.f32 v14, v25;
	v25 =	vsub.f32 v37, v0;
	v3 =	vsel vm1, v21, v19  }
0xb9: {  	vm1 =	vlt.f32 v13, v17;
	v19 =	vld [tilespmem:s30+$0xFFFFFFE0];
	v13 =	vmin.f32 v13, v17;
	v20 =	vsub.f32 v20, v2  }
0xba: {  	v17 =	vld [tilespmem:s31+$0xFFFFFFE0];
	v28 =	vsel vm1, v28, v3;
	v3 =	vadd.s32 $0x80, v21;
	v21 =	vadd.s32 $0x20, v21  }
0xbb: {  	vm1 =	vlt.f32 v30, v13;
	v13 =	vmin.f32 v30, v13;
	v12 =	vsub.f32 v26, v1;
	v26 =	vld [tilespmem:s29+$0xFFFFFFE0]  }
0xbc: {  	v33 =	vld [tilespmem:s29+$0x10];
	v28 =	vsel vm1, v21, v28;
	vm1 =	vlt.f32 v27, v13;
	v21 =	vsub.f32 v38, v0  }
0xbd: {  	v30 =	vld [tilespmem:s29+$0x0];
	v13 =	vmin.f32 v27, v13;
	v23 =	vsub.f32 v23, v0;
	v24 =	vsub.f32 v24, v1  }
0xbe: {  	v27 =	vld [tilespmem:s31+$0xFFFFFFC0];
	v20 =	vmul.f32 v20, v20;
	vm2 =	vlt.f32 v10, v13;
	v10 =	vmin.f32 v10, v13  }
0xbf: {  	v28 =	vsel vm1, v35, v28;
	v21 =	vmul.f32 v21, v21;
	v16 =	vsub.f32 v19, v1  }
0xc0: {  	v61 =	vld [tilespmem:s29+$0xFFFFFFD0];
	v63 =	vsel vm2, v36, v28;
	v13 =	vsub.f32 v17, v0;
	v26 =	vsub.f32 v26, v2  }
0xc1: {  	v19 =	vmul.f32 v31, v31;
	v31 =	vmul.f32 v25, v25;
	v25 =	vsub.f32 v33, v2  }
0xc2: {  	v60 =	vld [tilespmem:s31+$0x10];
	v30 =	vsub.f32 v30, v2;
	v13 =	vmul.f32 v13, v13;
	v17 =	vmul.f32 v26, v26  }
0xc3: {  	v62 =	vld [tilespmem:s31+$0x30];
	v27 =	vsub.f32 v27, v0;
	v26 =	vmul.f32 v29, v29;
	v29 =	vmul.f32 v23, v23  }
0xc4: {  	v23 =	vadd.f32 v17, v13;
	v17 =	vmul.f32 v22, v22;
	v22 =	vmul.f32 v30, v30;
	v30 =	vld [tilespmem:s30+$0xFFFFFFC0]  }
0xc5: {  	vm1 =	vlt.f32 v39, v10;
	v13 =	vadd.f32 v20, v29;
	v20 =	vsub.f32 v61, v2  }
0xc6: {  	v25 =	vmul.f32 v25, v25;
	v28 =	vmul.f32 v27, v27;
	v27 =	vmin.f32 v39, v10  }
0xc7: {  	s23 =	simm.s32 $0x5340;
	v29 =	vsub.f32 v60, v0;
	v13 =	vadd.f32 v26, v13;
	v26 =	vmul.f32 v20, v20  }
0xc8: {  	s20 =	simm.s32 $0x8;
	s22 =	simm.s32 $0x2A40;
	s21 =	simm.s32 $0x140;
	v10 =	vmovc v3;
	v31 =	vadd.f32 v22, v31;
	v22 =	vsub.f32 v62, v0;
	v20 =	vsel vm1, v34, v63  }
.LBB2_3:
0xc9: {  	v32 =	vld [tilespmem:s22+$0xFFFFFFC0];
	s20 =	sadd.s32 $0x8, s20;
	v30 =	vsub.f32 v30, v1;
	v33 =	vadd.s32 $0x10, v3;
	v29 =	vmul.f32 v29, v29  }
0xca: {  	v31 =	vadd.f32 v19, v31;
	vm1 =	vlt.f32 v14, v27;
	v15 =	vadd.f32 v15, v18;
	v34 =	vld [tilespmem:s23+$0x30];
	p0 =	slt.u32 s20, $0x288  }
0xcb: {  	v14 =	vmin.f32 v14, v27;
	v8 =	vsel vm1, v8, v20;
	v18 =	vld [tilespmem:s22+$0x30];
	v19 =	vadd.f32 v25, v29  }
0xcc: {  	v16 =	vmul.f32 v16, v16;
	vm1 =	vlt.f32 v15, v14;
	v14 =	vmin.f32 v15, v14;
	v25 =	vld [tilespmem:s23+$0x20]  }
0xcd: {  	v7 =	vadd.f32 v7, v28;
	v15 =	vmul.f32 v30, v30;
	v6 =	vsel vm1, v6, v8;
	v20 =	vld [tilespmem:s21+$0x30]  }
0xce: {  	v21 =	vadd.f32 v26, v21;
	v24 =	vmul.f32 v24, v24;
	v8 =	vsub.f32 v32, v2;
	v27 =	vld [tilespmem:s22+$0x20]  }
0xcf: {  	v28 =	vmul.f32 v12, v12;
	v12 =	vmul.f32 v11, v11;
	v15 =	vadd.f32 v15, v7;
	v26 =	vld [tilespmem:s21+$0x20]  }
0xd0: {  	v7 =	vmul.f32 v8, v8;
	v29 =	vld [tilespmem:s23+$0x10];
	v8 =	vsub.f32 v18, v2;
	v18 =	vadd.f32 v24, v21  }
0xd1: {  	v23 =	vadd.f32 v16, v23;
	vm1 =	vlt.f32 v15, v14;
	v14 =	vmin.f32 v15, v14;
	v21 =	vld [tilespmem:s23+$0x0]  }
0xd2: {  	v6 =	vsel vm1, v3, v6;
	v24 =	vld [tilespmem:s23+$0xFFFFFFF0];
	v30 =	vmul.f32 v8, v8;
	vm1 =	vlt.f32 v18, v14  }
0xd3: {  	v16 =	vsub.f32 v34, v1;
	v32 =	vld [tilespmem:s22+$0x10];
	v33 =	vsel vm1, v33, v6;
	v6 =	vadd.s32 $0x70, v3  }
0xd4: {  	v35 =	vadd.s32 $0x50, v10;
	v8 =	vadd.s32 $0x60, v10;
	v3 =	vadd.s32 $0x80, v3;
	v34 =	vld [tilespmem:s23+$0xFFFFFFE0]  }
0xd5: {  	v37 =	vadd.s32 $0x30, v10;
	v38 =	vadd.s32 $0x40, v10;
	v26 =	vsub.f32 v26, v0;
	v36 =	vld [tilespmem:s22+$0xFFFFFFE0]  }
0xd6: {  	v15 =	vmul.f32 v5, v5;
	v5 =	vmovc v16;
	v11 =	vsub.f32 v27, v2;
	v27 =	vadd.f32 v12, v9;
	v39 =	vld [tilespmem:s21+$0x0]  }
0xd7: {  	v41 =	vsub.f32 v25, v1;
	v25 =	vadd.s32 $0x20, v10;
	v10 =	vmovc v3;
	v21 =	vsub.f32 v21, v1;
	v40 =	vld [tilespmem:s22+$0xFFFFFFF0]  }
0xd8: {  	v22 =	vmul.f32 v22, v22;
	v12 =	vsub.f32 v29, v1;
	v9 =	vmul.f32 v26, v26;
	v42 =	vld [tilespmem:s21+$0xFFFFFFD0]  }
0xd9: {  	v43 =	vadd.f32 v28, v19;
	v18 =	vmin.f32 v18, v14;
	v14 =	vadd.f32 v17, v27;
	v26 =	vld [tilespmem:s21+$0xFFFFFFC0]  }
0xda: {  	vm1 =	vlt.f32 v23, v18;
	v23 =	vmin.f32 v23, v18;
	v16 =	vsub.f32 v34, v1;
	v17 =	vld [tilespmem:s21+$0xFFFFFFE0]  }
0xdb: {  	v18 =	vadd.f32 v4, v22;
	v28 =	vsel vm1, v25, v33;
	v4 =	vmovc v30;
	v19 =	vmul.f32 v21, v21;
	v27 =	vld [tilespmem:s21+$0xFFFFFFF0]  }
0xdc: {  	vm2 =	vlt.f32 v13, v23;
	v29 =	vsub.f32 v39, v0;
	v22 =	vld [tilespmem:s23+$0xFFFFFFD0];
	v25 =	vsub.f32 v40, v2  }
0xdd: {  	v13 =	vmin.f32 v13, v23;
	v30 =	vsub.f32 v24, v1;
	v21 =	vsub.f32 v42, v0;
	v33 =	vld [tilespmem:s22+$0x0]  }
0xde: {  	vm1 =	vlt.f32 v31, v13;
	v34 =	vmin.f32 v31, v13;
	v23 =	vsub.f32 v36, v2  }
0xdf: {  	v31 =	vmul.f32 v29, v29;
	v21 =	vmul.f32 v21, v21;
	v13 =	vsub.f32 v17, v0;
	v29 =	vld [tilespmem:s21+$0x10]  }
0xe0: {  	v17 =	vmul.f32 v23, v23;
	v36 =	vld [tilespmem:s22+$0xFFFFFFD0];
	v23 =	vsub.f32 v27, v0;
	v27 =	vsub.f32 v32, v2  }
0xe1: {  	v32 =	vmul.f32 v30, v30;
	v24 =	vsub.f32 v22, v1;
	v22 =	vmul.f32 v25, v25  }
0xe2: {  	v13 =	vmul.f32 v13, v13;
	v39 =	vmul.f32 v23, v23;
	v33 =	vsub.f32 v33, v2  }
0xe3: {  	v40 =	vsub.f32 v26, v0;
	v26 =	vsel vm2, v37, v28;
	v25 =	vmul.f32 v27, v27  }
.Ltmp0:
0xe4: {  	v23 =	vadd.f32 v17, v13;
	v17 =	vmul.f32 v41, v41;
	v30 =	vld [tilespmem:s23+$0xFFFFFFC0];
	v13 =	vadd.f32 v22, v39;
	(pc) =	sbr.rel @p0 .LBB2_3-.Ltmp0, $4  }
0xe5: {  	v27 =	vmul.f32 v33, v33;
	v29 =	vsub.f32 v29, v0;
	v22 =	vsub.f32 v36, v2  }
0xe6: {  	v13 =	vadd.f32 v32, v13;
	v32 =	vsel vm1, v38, v26;
	vm1 =	vlt.f32 v43, v34  }
0xe7: {  	v31 =	vadd.f32 v27, v31;
	v26 =	vmul.f32 v22, v22;
	v22 =	vsub.f32 v20, v0  }
0xe8: {  	s21 =	sadd.s32 $0x80, s21;
	v28 =	vmul.f32 v40, v40;
	s22 =	sadd.s32 $0x80, s22;
	s23 =	sadd.s32 $0x80, s23;
	v27 =	vmin.f32 v43, v34;
	v20 =	vsel vm1, v35, v32  }
0xe9: {  	v0 =	vsub.f32 v30, v1  }
0xea: {  	v41 =	vmul.f32 v29, v29  }
0xeb: {  	v2 =	vadd.f32 v19, v31;
	v7 =	vadd.f32 v7, v28;
	v0 =	vmul.f32 v0, v0  }
0xec: {  	v15 =	vadd.f32 v15, v18;
	v42 =	vadd.f32 v26, v21;
	v43 =	vmul.f32 v24, v24  }
0xed: {  	v44 =	vmin.f32 v14, v27;
	v16 =	vmul.f32 v16, v16;
	v0 =	vadd.f32 v0, v7  }
0xee: {  	v11 =	vmul.f32 v11, v11;
	v45 =	vmin.f32 v15, v44;
	v18 =	vadd.f32 v43, v42  }
0xef: {  	v12 =	vmul.f32 v12, v12;
	v16 =	vadd.f32 v16, v23;
	v46 =	vmin.f32 v0, v45  }
0xf0: {  	v22 =	vmul.f32 v22, v22;
	v1 =	vadd.f32 v25, v41;
	v47 =	vmin.f32 v18, v46  }
0xf1: {  	v5 =	vmul.f32 v5, v5;
	v9 =	vadd.f32 v11, v9;
	v48 =	vmin.f32 v16, v47  }
0xf2: {  	v4 =	vadd.f32 v4, v22;
	v1 =	vadd.f32 v12, v1;
	v49 =	vmin.f32 v13, v48  }
0xf3: {  	v9 =	vadd.f32 v17, v9;
	v50 =	vmin.f32 v2, v49  }
0xf4: {  	v4 =	vadd.f32 v5, v4;
	v51 =	vmin.f32 v1, v50  }
0xf5: {  	v52 =	vmin.f32 v9, v51  }
0xf6: {  	v53 =	vmin.f32 v4, v52  }
0xf7: {  	v54 =	vsub.f32 $0.0e+00, v53;
	_ =	sdelay $0x1  }
0xf8: {  	(xrf0) =	vmax.scan.msk.f32 $0xffff, v54;
	_ =	sdelay $0x5  }
0xf9: {  	v25, _, _ =	vpop (xrf0)  }
0xfa: {  	(v2sf) =	vpush v25, $0xF;
	_ =	sdelay $0x6  }
0xfb: {  	vm1 =	vlt.f32 v14, v27  }
0xfc: {  	v8 =	vsel vm1, v8, v20;
	vm1 =	vlt.f32 v15, v44  }
0xfd: {  	v6 =	vsel vm1, v6, v8;
	vm1 =	vlt.f32 v0, v45  }
0xfe: {  	v55 =	vadd.s32 $0x10, v3;
	v6 =	vsel vm1, v3, v6;
	vm1 =	vlt.f32 v18, v46  }
0xff: {  	v56 =	vadd.s32 $0x20, v10;
	v0 =	vsel vm1, v55, v6;
	vm1 =	vlt.f32 v16, v47  }
0x100: {  	v57 =	vadd.s32 $0x30, v10;
	v0 =	vsel vm1, v56, v0;
	vm1 =	vlt.f32 v13, v48  }
0x101: {  	v58 =	vadd.s32 $0x40, v10;
	vm2 =	vlt.f32 v2, v49;
	v0 =	vsel vm1, v57, v0  }
0x102: {  	v59 =	vadd.s32 $0x50, v10;
	v0 =	vsel vm2, v58, v0;
	vm1 =	vlt.f32 v1, v50  }
0x103: {  	v60 =	vadd.s32 $0x60, v10;
	v0 =	vsel vm1, v59, v0;
	vm1 =	vlt.f32 v9, v51;
	s20 =	spop (v2sf)  }
0x104: {  	v61 =	vadd.s32 $0x70, v3;
	v0 =	vsel vm1, v60, v0;
	vm1 =	vlt.f32 v4, v52;
	s20 =	ssub.f32 $0.0e+00, s20  }
0x105: {  	v0 =	vsel vm1, v61, v0  }
0x106: {  	v0 =	vsub.s32 $0x80000000, v0;
	vm1 =	veq.f32 v53, s20  }
0x107: {  	v0 =	vnsel vm1, $0x40000000, v0  }
0x108: {  	(xrf0) =	vmax.scan.msk.u32 $0xffff, v0;
	_ =	sdelay $0x2  }
0x109: {  	v62 =	vmov s19;
	s19 =	sadd.s32 $0x1, s19  }
0x10a: {  	p0 =	sne.s32 s19, $0x20  }
.Ltmp1:
0x10b: {  	_ = 	snop;
	(pc) =	sbr.rel @p0 .LBB2_2-.Ltmp1, $4  }
0x10c: {  	v63, _, _ =	vpop (xrf0)  }
0x10d: {  	v1 =	vxor.u32 $0x7FFFFFFF, v63  }
0x10e: {  	v1 =	vadd.s32 $0x1, v1  }
0x10f: {  	[tilespmem:v62+s17+$0x0] =	vst.idx.msk vm0, v1  }
0x110: {  	s18 =	sadd.s32 $0x1, s18  }
0x111: {  	p0 =	sne.s32 s18, s10  }
.Ltmp2:
0x112: {  	_ = 	snop;
	(pc) =	sbr.rel @p0 .LBB2_1-.Ltmp2, $4  }
0x113: {  	[hbm4b:s9+s2] =	stream.linear.scatter [tilespmem:s17], [sflag:$0x1], $0x20, $0x38;
	[tilespmem:$0x8300] =	vst v63  }
0x114: {  	_ =	swait.ge [sflag:s11], $0x20  }
0x115: {  	[sflag:s11] =	ssyncset.done $0x0  }
0x116: {  	[sflag:s11] =	ssyncadd.s32 $0xFFFFFFE0  }
0x117: {  	_ =	sfence.sel $0x180000  }
0x118: {  	[bflag:$0x0] =	sbarrier.arrive $0xFFFF  }
0x119: {  	p0 =	sne.s32 s1, $0x0;
	_ =	strace $0x90000047  }
0x11a: {  	s0 =	sadd.s32 @!p0 $0x100000, s0;
	[bflag:$0x2] =	sbarrier.arrive $0xFFFF  }
0x11b: {  	[sflag:s0] =	ssyncadd.tile.s32 @!p0 $0x1;
	_ =	shalt  }
.Lfunc_end2:
_tile_overlayer_lowered:
.L_overlay_start_2:
0x11c: {  	(tag) =	ssettag $0x2  }
0x11d: {  	s0 =	rddreg [dreg:$0x0];
	s2 =	stileid.u32  }
0x11e: {  	s1 =	rddreg [dreg:$0x1];
	p0 =	sne.s32 s2, $0x0  }
0x11f: {  	s3 =	rddreg [dreg:$0x2];
	[bflag:$0x3] =	sbarrier.arrive $0xFFFF;
	s2 =	simm.s32 @!p0 $0x1C01  }
0x120: {  	[timem:s3], [sflag:s2] =	dma.local @!p0 [hbm:s0], s1  }
0x121: {  	s0 =	simm.s32 @!p0 $0x1  }
0x122: {  	_ =	swait.ge @!p0 [sflag:s0], s1  }
0x123: {  	s1 =	ssub.s32 @!p0 $0x0, s1;
	[sflag:s0] =	ssyncset.done @!p0 $0x0  }
0x124: {  	[sflag:s0] =	ssyncadd.s32 @!p0 s1  }
0x125: {  	[bflag:$0x3] =	sbarrier.arrive $0xFFFF  }
0x126: {  	_ =	shalt  }

</sc_bundles>
